<compile_context>
chip_gen: v7x
topology: tpu7x:2x2x1
jax: 0.10.2.dev20260603
libtpu: 0.0.44.dev20260713+nightly
codegen_flags: <defaults>
</compile_context>

<pallas_src>
import functools

import jax
import jax.numpy as jnp
from jax import lax
from jax.experimental import pallas as pl
from jax.experimental.pallas import tpu as pltpu
from jax.experimental.pallas import tpu_sc as plsc

N = 10000
E = 320000
D = 128
G = 128
C = 10
MAX_LV = 3

NPAD = 10240
NC, NS = 2, 16
NW = NC * NS
BLK = 64
NBLK = 160
CH = 40
EPAD = NW * NBLK * BLK
ROWS_PER_TILE = NPAD // NS

_mesh = plsc.VectorSubcoreMesh(core_axis_name="c", subcore_axis_name="s")


@functools.partial(
    pl.kernel,
    out_type=jax.ShapeDtypeStruct((NC, NPAD, D), jnp.float32),
    mesh=_mesh,
    scratch_types=[
        pltpu.VMEM((CH, BLK), jnp.int32),
        pltpu.VMEM((CH, BLK), jnp.int32),
        [pltpu.VMEM((BLK, D), jnp.float32) for _ in range(4)],
        pltpu.VMEM_SHARED((NPAD, D), jnp.float32),
        [pltpu.SemaphoreType.DMA for _ in range(4)],
        [pltpu.SemaphoreType.DMA for _ in range(4)],
    ],
)
def _sc_spmm(cur_hbm, srcw_hbm, dstw_hbm, z_hbm, out_hbm,
             src_v, dst_v, rows, pooled, gsem, ssem):
    c = lax.axis_index("c")
    s = lax.axis_index("s")
    wid = s * NC + c
    NB = 4

    with jax.named_scope("zero_phase"):
        row0 = s * ROWS_PER_TILE
        pltpu.sync_copy(z_hbm, pooled.at[pl.ds(row0, ROWS_PER_TILE)])
        plsc.subcore_barrier()

    def _chunk(ch, carry0):
        pltpu.sync_copy(srcw_hbm.at[wid, pl.ds(ch * CH, CH)], src_v)
        pltpu.sync_copy(dstw_hbm.at[wid, pl.ds(ch * CH, CH)], dst_v)
        for b in range(NB):
            pltpu.async_copy(cur_hbm.at[src_v.at[b]], rows[b], gsem[b])

        def _body(i, carry):
            j0 = NB * i
            for b in range(NB):
                j = j0 + b
                pltpu.make_async_copy(
                    cur_hbm.at[src_v.at[j]], rows[b], gsem[b]).wait()
                pltpu.async_copy(
                    rows[b], pooled.at[dst_v.at[j]], ssem[b], add=True)
            for b in range(NB):
                j = j0 + b + NB

                @pl.when(j < CH)
                def _():
                    pltpu.make_async_copy(
                        rows[b], pooled.at[dst_v.at[j0 + b]], ssem[b]).wait()
                    pltpu.async_copy(cur_hbm.at[src_v.at[j]], rows[b], gsem[b])
            return carry
        lax.fori_loop(0, CH // NB, _body, 0)
        for b in range(NB):
            pltpu.make_async_copy(
                rows[b], pooled.at[dst_v.at[CH - NB + b]], ssem[b]).wait()
        return carry0
    with jax.named_scope("edge_phase"):
        lax.fori_loop(0, NBLK // CH, _chunk, 0)

    with jax.named_scope("writeout_phase"):
        plsc.subcore_barrier()
        pltpu.sync_copy(pooled.at[pl.ds(row0, ROWS_PER_TILE)],
                        out_hbm.at[c, pl.ds(row0, ROWS_PER_TILE)])


_RB = 1280


def _tc1_body(x_ref, w_ref, b_ref, im_ref, cur_ref):
    im = jnp.dot(x_ref[...], w_ref[...],
                 preferred_element_type=jnp.float32) + b_ref[...]
    im_ref[...] = im
    cur_ref[...] = jnp.maximum(im, 0.0)


def _tc1(x, w, b):
    return pl.pallas_call(
        _tc1_body,
        grid=(NPAD // _RB,),
        in_specs=[
            pl.BlockSpec((_RB, D), lambda i: (i, 0)),
            pl.BlockSpec((D, D), lambda i: (0, 0)),
            pl.BlockSpec((1, D), lambda i: (0, 0)),
        ],
        out_specs=[
            pl.BlockSpec((_RB, D), lambda i: (i, 0)),
            pl.BlockSpec((_RB, D), lambda i: (i, 0)),
        ],
        out_shape=[
            jax.ShapeDtypeStruct((NPAD, D), jnp.float32),
            jax.ShapeDtypeStruct((NPAD, D), jnp.float32),
        ],
    )(x, w, b)


def _tc2_body(p0_ref, p1_ref, w_ref, b_ref, im_ref, cur_ref):
    pooled = p0_ref[0] + p1_ref[0]
    nl = jnp.dot(pooled, w_ref[...],
                 preferred_element_type=jnp.float32) + b_ref[...]
    cur_ref[...] = jnp.maximum(nl + im_ref[...], 0.0)


def _tc2(parts, w, b, im):
    return pl.pallas_call(
        _tc2_body,
        grid=(NPAD // _RB,),
        in_specs=[
            pl.BlockSpec((1, _RB, D), lambda i: (0, i, 0)),
            pl.BlockSpec((1, _RB, D), lambda i: (1, i, 0)),
            pl.BlockSpec((D, D), lambda i: (0, 0)),
            pl.BlockSpec((1, D), lambda i: (0, 0)),
            pl.BlockSpec((_RB, D), lambda i: (i, 0)),
        ],
        out_specs=pl.BlockSpec((_RB, D), lambda i: (i, 0)),
        out_shape=jax.ShapeDtypeStruct((NPAD, D), jnp.float32),
    )(parts, parts, w, b, im)


def _tc3_body(cur_ref, gid_ref, wo_ref, bo_ref, wh1_ref, bh1_ref,
              wh2_ref, bh2_ref, out_ref, y_scr):
    i = pl.program_id(0)
    ra = jnp.maximum(
        jnp.dot(cur_ref[...], wo_ref[...],
                preferred_element_type=jnp.float32) + bo_ref[...], 0.0)
    g = gid_ref[0, 0, :]
    iota = lax.broadcasted_iota(jnp.int32, (G, _RB), 0)
    oh = (g[None, :] == iota).astype(jnp.float32)
    part = jnp.dot(oh, ra, preferred_element_type=jnp.float32)

    @pl.when(i == 0)
    def _():
        y_scr[...] = part

    @pl.when(i > 0)
    def _():
        y_scr[...] = y_scr[...] + part

    @pl.when(i == (NPAD // _RB) - 1)
    def _():
        ge = jnp.maximum(y_scr[...], 0.0)
        h1 = jnp.maximum(
            jnp.dot(ge, wh1_ref[...],
                    preferred_element_type=jnp.float32) + bh1_ref[...], 0.0)
        z = jnp.dot(h1, wh2_ref[...],
                    preferred_element_type=jnp.float32) + bh2_ref[...]
        m = jnp.max(z, axis=1, keepdims=True)
        lse = m + jnp.log(jnp.sum(jnp.exp(z - m), axis=1, keepdims=True))
        out_ref[...] = z - lse


def _tc3(cur, gid3, wo, bo, wh1, bh1, wh2, bh2):
    return pl.pallas_call(
        _tc3_body,
        grid=(NPAD // _RB,),
        in_specs=[
            pl.BlockSpec((_RB, D), lambda i: (i, 0)),
            pl.BlockSpec((1, 1, _RB), lambda i: (i, 0, 0)),
            pl.BlockSpec((D, D), lambda i: (0, 0)),
            pl.BlockSpec((1, D), lambda i: (0, 0)),
            pl.BlockSpec((D, D), lambda i: (0, 0)),
            pl.BlockSpec((1, D), lambda i: (0, 0)),
            pl.BlockSpec((D, C), lambda i: (0, 0)),
            pl.BlockSpec((1, C), lambda i: (0, 0)),
        ],
        out_specs=pl.BlockSpec((G, C), lambda i: (0, 0)),
        out_shape=jax.ShapeDtypeStruct((G, C), jnp.float32),
        scratch_shapes=[pltpu.VMEM((G, D), jnp.float32)],
    )(cur, gid3, wo, bo, wh1, bh1, wh2, bh2)


def kernel(node_feat, edge_index, graph_ids, W_n2l, b_n2l, W_conv, b_conv,
           W_out, b_out, W_h1, b_h1, W_h2, b_h2):
    f32 = jnp.float32
    nf = jnp.concatenate(
        [node_feat, jnp.zeros((NPAD - N, D), f32)], axis=0)
    pad_rows = N + (jnp.arange(EPAD - E, dtype=jnp.int32) % (NPAD - N))
    srcw = jnp.concatenate([edge_index[0], pad_rows]).reshape(NW, NBLK, BLK)
    dstw = jnp.concatenate([edge_index[1], pad_rows]).reshape(NW, NBLK, BLK)
    zblk = jnp.zeros((ROWS_PER_TILE, D), f32)
    gid3 = jnp.concatenate(
        [graph_ids, jnp.full((NPAD - N,), G, jnp.int32)]).reshape(
            NPAD // _RB, 1, _RB)

    b_n2l2 = b_n2l.reshape(1, D)
    b_conv2 = b_conv.reshape(1, D)
    b_out2 = b_out.reshape(1, D)
    b_h12 = b_h1.reshape(1, D)
    b_h22 = b_h2.reshape(1, C)

    im, cur = _tc1(nf, W_n2l, b_n2l2)
    for _ in range(MAX_LV):
        parts = _sc_spmm(cur, srcw, dstw, zblk)
        cur = _tc2(parts, W_conv, b_conv2, im)
    return _tc3(cur, gid3, W_out, b_out2, W_h1, b_h12, W_h2, b_h22)

# --- scband reference (transcript-rebuilt; emitter-appended) ---
"""Pipeline reference for scband-classifier-41970420417053 (READ-ONLY COPY).

The authoritative reference and input builder live on the scoring server;
editing this copy changes nothing except your own understanding.
"""

import jax, jax.numpy as jnp
import numpy as np

N = 10000      # n_nodes
E = 320000     # n_edges
D = 128        # feat_dim
LD = 128       # latent_dim
OD = 128       # out_dim
H = 128        # mlp hidden
C = 10         # num_class
G = 128        # number of graphs in batch
MAX_LV = 3


def _glorot(key, shape):
    fan_in, fan_out = shape
    limit = float(np.sqrt(6.0 / (fan_in + fan_out)))
    return jax.random.uniform(key, shape, minval=-limit, maxval=limit, dtype=jnp.float32)


def setup_inputs(seed: int = 0) -> dict:
    key = jax.random.key(seed)
    ks = jax.random.split(key, 10)
    node_feat = jax.random.normal(ks[0], (N, D), dtype=jnp.float32)
    edge_index = jax.random.randint(ks[1], (2, E), 0, N, dtype=jnp.int32)
    graph_ids = jnp.sort(jax.random.randint(ks[2], (N,), 0, G, dtype=jnp.int32))
    return {
        "node_feat": node_feat,
        "edge_index": edge_index,
        "graph_ids": graph_ids,
        "W_n2l": _glorot(ks[3], (D, LD)),
        "b_n2l": jnp.zeros((LD,), dtype=jnp.float32),
        "W_conv": _glorot(ks[4], (LD, LD)),
        "b_conv": jnp.zeros((LD,), dtype=jnp.float32),
        "W_out": _glorot(ks[5], (LD, OD)),
        "b_out": jnp.zeros((OD,), dtype=jnp.float32),
        "W_h1": _glorot(ks[6], (OD, H)),
        "b_h1": jnp.zeros((H,), dtype=jnp.float32),
        "W_h2": _glorot(ks[7], (H, C)),
        "b_h2": jnp.zeros((C,), dtype=jnp.float32),
    }


def reference(node_feat, edge_index, graph_ids, W_n2l, b_n2l, W_conv, b_conv,
              W_out, b_out, W_h1, b_h1, W_h2, b_h2):
    src = edge_index[0]
    dst = edge_index[1]
    # EmbedMeanField.mean_field (num_edge_feats == 0 -> no edge term)
    input_message = node_feat @ W_n2l + b_n2l
    cur = jax.nn.relu(input_message)
    for _ in range(MAX_LV):
        # n2npool = n2n_sp @ cur  (adjacency spmm == gather from src, scatter-add to dst)
        msg = jnp.take(cur, src, axis=0)
        pooled = jax.ops.segment_sum(msg, dst, num_segments=N)
        node_linear = pooled @ W_conv + b_conv
        cur = jax.nn.relu(node_linear + input_message)
    reluact = jax.nn.relu(cur @ W_out + b_out)
    # subg_sp @ reluact  (per-graph sum pooling)
    y_potential = jax.ops.segment_sum(reluact, graph_ids, num_segments=G)
    graph_embed = jax.nn.relu(y_potential)
    # MLPClassifier
    h1 = jax.nn.relu(graph_embed @ W_h1 + b_h1)
    logits = jax.nn.log_softmax(h1 @ W_h2 + b_h2, axis=1)
    return logits

if __name__ == "__main__":
    import jax
    _d = setup_inputs()
    print(jax.jit(kernel)(*tuple(_d.values())))

</pallas_src>

<mosaic_0001>
#map = affine_map<(d0, d1) -> (0, 0)>
#map1 = affine_map<(d0, d1) -> (0, 0, 0)>
module attributes {stable_mosaic.version = 14 : i64} {
  func.func @_sc_spmm(%arg0: i32, %arg1: i32, %arg2: memref<10240x128xf32, #tpu.memory_space<hbm>>, %arg3: memref<32x160x64xi32, #tpu.memory_space<hbm>>, %arg4: memref<32x160x64xi32, #tpu.memory_space<hbm>>, %arg5: memref<640x128xf32, #tpu.memory_space<hbm>>, %arg6: memref<2x10240x128xf32, #tpu.memory_space<hbm>>, %arg7: memref<40x64xi32, #tpu.memory_space<vmem>>, %arg8: memref<40x64xi32, #tpu.memory_space<vmem>>, %arg9: memref<64x128xf32, #tpu.memory_space<vmem>>, %arg10: memref<64x128xf32, #tpu.memory_space<vmem>>, %arg11: memref<64x128xf32, #tpu.memory_space<vmem>>, %arg12: memref<64x128xf32, #tpu.memory_space<vmem>>, %arg13: memref<10240x128xf32, #tpu.memory_space<vmem_shared>>, %arg14: memref<!tpu.dma_semaphore, #tpu.memory_space<semaphore_mem>>, %arg15: memref<!tpu.dma_semaphore, #tpu.memory_space<semaphore_mem>>, %arg16: memref<!tpu.dma_semaphore, #tpu.memory_space<semaphore_mem>>, %arg17: memref<!tpu.dma_semaphore, #tpu.memory_space<semaphore_mem>>, %arg18: memref<!tpu.dma_semaphore, #tpu.memory_space<semaphore_mem>>, %arg19: memref<!tpu.dma_semaphore, #tpu.memory_space<semaphore_mem>>, %arg20: memref<!tpu.dma_semaphore, #tpu.memory_space<semaphore_mem>>, %arg21: memref<!tpu.dma_semaphore, #tpu.memory_space<semaphore_mem>>) attributes {dimension_semantics = [#tpu.dimension_semantics<core_parallel>, #tpu.dimension_semantics<subcore_parallel>], iteration_bounds = array<i64: 2, 16>, scalar_prefetch = 0 : i64, scratch_operands = 15 : i64, tpu.core_type = #tpu.core_type<sc_vector_subcore>, window_params = [{transform_indices = #map}, {transform_indices = #map1}, {transform_indices = #map1}, {transform_indices = #map}, {transform_indices = #map1}]} {
    %mul3A = arith.constant 2 : i32
    %mul3A_0 = arith.muli %arg1, %mul3A : i32
    %add3A = arith.addi %mul3A_0, %arg0 : i32
    "tpu.trace_start"() <{level = 10 : i32, message = "zero_phase"}> : () -> ()
    %mul3A_1 = arith.constant 640 : i32
    %mul3A_2 = arith.muli %arg1, %mul3A_1 : i32
    "tpu.region"() ({
      %run_scoped3A = tpu.sem_alloc : memref<!tpu.dma_semaphore, #tpu.memory_space<semaphore_mem>>
      %dma_start3A = arith.constant 0 : i32
      %dma_start3A_9 = tpu.memref_slice %arg13[%mul3A_2, %dma_start3A] : memref<10240x128xf32, #tpu.memory_space<vmem_shared>> -> memref<640x128xf32, #tpu.memory_space<vmem_shared>>
      tpu.enqueue_dma source(%arg5 : memref<640x128xf32, #tpu.memory_space<hbm>>) target(%dma_start3A_9 : memref<640x128xf32, #tpu.memory_space<vmem_shared>>) target_semaphore(%run_scoped3A : memref<!tpu.dma_semaphore, #tpu.memory_space<semaphore_mem>>)
      %dma_wait3A = arith.constant 0 : i32
      %dma_wait3A_10 = tpu.memref_slice %arg13[%mul3A_2, %dma_wait3A] : memref<10240x128xf32, #tpu.memory_space<vmem_shared>> -> memref<640x128xf32, #tpu.memory_space<vmem_shared>>
      tpu.wait_dma2 semaphore(%run_scoped3A : memref<!tpu.dma_semaphore, #tpu.memory_space<semaphore_mem>>) src(%arg5 : memref<640x128xf32, #tpu.memory_space<hbm>>) dst(%dma_wait3A_10 : memref<640x128xf32, #tpu.memory_space<vmem_shared>>)
      tpu.yield
    }) : () -> ()
    %barrier3A = arith.constant 0 : index
    tpu.barrier barrier_id(%barrier3A)
    "tpu.trace_stop"() : () -> ()
    "tpu.trace_start"() <{level = 10 : i32, message = "edge_phase"}> : () -> ()
    %scan3A = arith.constant 0 : i32
    %scan3A_3 = arith.constant 0 : i32
    %scan3A_4 = arith.constant 4 : i32
    %scan3A_5 = arith.addi %scan3A_3, %scan3A_4 : i32
    %scan3A_6 = arith.constant 1 : i32
    scf.for %scan3A_9 = %scan3A_3 to %scan3A_5 step %scan3A_6  : i32 {
      %mul3A_10 = arith.constant 40 : i32
      %mul3A_11 = arith.muli %scan3A_9, %mul3A_10 : i32
      "tpu.region"() ({
        %run_scoped3A = tpu.sem_alloc : memref<!tpu.dma_semaphore, #tpu.memory_space<semaphore_mem>>
        %dma_start3A_74 = arith.constant 0 : i32
        %dma_start3A_75 = tpu.memref_slice %arg3[%add3A, %mul3A_11, %dma_start3A_74] : memref<32x160x64xi32, #tpu.memory_space<hbm>> -> memref<1x40x64xi32, #tpu.memory_space<hbm>>
        %dma_start3A_76 = tpu.memref_squeeze %dma_start3A_75 : memref<1x40x64xi32, #tpu.memory_space<hbm>> -> memref<40x64xi32, #tpu.memory_space<hbm>>
        %dma_start3A_77 = arith.constant 0 : i32
        %dma_start3A_78 = tpu.memref_slice %arg3[%add3A, %mul3A_11, %dma_start3A_77] : memref<32x160x64xi32, #tpu.memory_space<hbm>> -> memref<1x40x64xi32, #tpu.memory_space<hbm>>
        %dma_start3A_79 = tpu.memref_squeeze %dma_start3A_78 : memref<1x40x64xi32, #tpu.memory_space<hbm>> -> memref<40x64xi32, #tpu.memory_space<hbm>>
        tpu.enqueue_dma source(%dma_start3A_79 : memref<40x64xi32, #tpu.memory_space<hbm>>) target(%arg7 : memref<40x64xi32, #tpu.memory_space<vmem>>) target_semaphore(%run_scoped3A : memref<!tpu.dma_semaphore, #tpu.memory_space<semaphore_mem>>)
        %dma_wait3A_80 = arith.constant 0 : i32
        %dma_wait3A_81 = tpu.memref_slice %arg3[%add3A, %mul3A_11, %dma_wait3A_80] : memref<32x160x64xi32, #tpu.memory_space<hbm>> -> memref<1x40x64xi32, #tpu.memory_space<hbm>>
        %dma_wait3A_82 = tpu.memref_squeeze %dma_wait3A_81 : memref<1x40x64xi32, #tpu.memory_space<hbm>> -> memref<40x64xi32, #tpu.memory_space<hbm>>
        %dma_wait3A_83 = arith.constant 0 : i32
        %dma_wait3A_84 = tpu.memref_slice %arg3[%add3A, %mul3A_11, %dma_wait3A_83] : memref<32x160x64xi32, #tpu.memory_space<hbm>> -> memref<1x40x64xi32, #tpu.memory_space<hbm>>
        %dma_wait3A_85 = tpu.memref_squeeze %dma_wait3A_84 : memref<1x40x64xi32, #tpu.memory_space<hbm>> -> memref<40x64xi32, #tpu.memory_space<hbm>>
        tpu.wait_dma2 semaphore(%run_scoped3A : memref<!tpu.dma_semaphore, #tpu.memory_space<semaphore_mem>>) src(%dma_wait3A_85 : memref<40x64xi32, #tpu.memory_space<hbm>>) dst(%arg7 : memref<40x64xi32, #tpu.memory_space<vmem>>)
        tpu.yield
      }) : () -> ()
      %mul3A_12 = arith.constant 40 : i32
      %mul3A_13 = arith.muli %scan3A_9, %mul3A_12 : i32
      "tpu.region"() ({
        %run_scoped3A = tpu.sem_alloc : memref<!tpu.dma_semaphore, #tpu.memory_space<semaphore_mem>>
        %dma_start3A_74 = arith.constant 0 : i32
        %dma_start3A_75 = tpu.memref_slice %arg4[%add3A, %mul3A_13, %dma_start3A_74] : memref<32x160x64xi32, #tpu.memory_space<hbm>> -> memref<1x40x64xi32, #tpu.memory_space<hbm>>
        %dma_start3A_76 = tpu.memref_squeeze %dma_start3A_75 : memref<1x40x64xi32, #tpu.memory_space<hbm>> -> memref<40x64xi32, #tpu.memory_space<hbm>>
        %dma_start3A_77 = arith.constant 0 : i32
        %dma_start3A_78 = tpu.memref_slice %arg4[%add3A, %mul3A_13, %dma_start3A_77] : memref<32x160x64xi32, #tpu.memory_space<hbm>> -> memref<1x40x64xi32, #tpu.memory_space<hbm>>
        %dma_start3A_79 = tpu.memref_squeeze %dma_start3A_78 : memref<1x40x64xi32, #tpu.memory_space<hbm>> -> memref<40x64xi32, #tpu.memory_space<hbm>>
        tpu.enqueue_dma source(%dma_start3A_79 : memref<40x64xi32, #tpu.memory_space<hbm>>) target(%arg8 : memref<40x64xi32, #tpu.memory_space<vmem>>) target_semaphore(%run_scoped3A : memref<!tpu.dma_semaphore, #tpu.memory_space<semaphore_mem>>)
        %dma_wait3A_80 = arith.constant 0 : i32
        %dma_wait3A_81 = tpu.memref_slice %arg4[%add3A, %mul3A_13, %dma_wait3A_80] : memref<32x160x64xi32, #tpu.memory_space<hbm>> -> memref<1x40x64xi32, #tpu.memory_space<hbm>>
        %dma_wait3A_82 = tpu.memref_squeeze %dma_wait3A_81 : memref<1x40x64xi32, #tpu.memory_space<hbm>> -> memref<40x64xi32, #tpu.memory_space<hbm>>
        %dma_wait3A_83 = arith.constant 0 : i32
        %dma_wait3A_84 = tpu.memref_slice %arg4[%add3A, %mul3A_13, %dma_wait3A_83] : memref<32x160x64xi32, #tpu.memory_space<hbm>> -> memref<1x40x64xi32, #tpu.memory_space<hbm>>
        %dma_wait3A_85 = tpu.memref_squeeze %dma_wait3A_84 : memref<1x40x64xi32, #tpu.memory_space<hbm>> -> memref<40x64xi32, #tpu.memory_space<hbm>>
        tpu.wait_dma2 semaphore(%run_scoped3A : memref<!tpu.dma_semaphore, #tpu.memory_space<semaphore_mem>>) src(%dma_wait3A_85 : memref<40x64xi32, #tpu.memory_space<hbm>>) dst(%arg8 : memref<40x64xi32, #tpu.memory_space<vmem>>)
        tpu.yield
      }) : () -> ()
      %dma_start3A = arith.constant 0 : i32
      %dma_start3A_14 = arith.constant 0 : i32
      %dma_start3A_15 = tpu.memref_slice %arg7[%dma_start3A, %dma_start3A_14] : memref<40x64xi32, #tpu.memory_space<vmem>> -> memref<1x64xi32, #tpu.memory_space<vmem>>
      %dma_start3A_16 = tpu.memref_squeeze %dma_start3A_15 : memref<1x64xi32, #tpu.memory_space<vmem>> -> memref<64xi32, #tpu.memory_space<vmem>>
      %dma_start3A_17 = arith.constant 0 : i32
      %dma_start3A_18 = arith.constant 0 : i32
      %dma_start3A_19 = tpu.memref_slice %arg2[%dma_start3A_17, %dma_start3A_18] : memref<10240x128xf32, #tpu.memory_space<hbm>> -> memref<10240x128xf32, #tpu.memory_space<hbm>>
      tpu.enqueue_indirect_dma source(%dma_start3A_19 : memref<10240x128xf32, #tpu.memory_space<hbm>>) target(%arg9 : memref<64x128xf32, #tpu.memory_space<vmem>>) offsets(%dma_start3A_16 : memref<64xi32, #tpu.memory_space<vmem>>) semaphore(%arg14 : memref<!tpu.dma_semaphore, #tpu.memory_space<semaphore_mem>>)
      %dma_start3A_20 = arith.constant 1 : i32
      %dma_start3A_21 = arith.constant 0 : i32
      %dma_start3A_22 = tpu.memref_slice %arg7[%dma_start3A_20, %dma_start3A_21] : memref<40x64xi32, #tpu.memory_space<vmem>> -> memref<1x64xi32, #tpu.memory_space<vmem>>
      %dma_start3A_23 = tpu.memref_squeeze %dma_start3A_22 : memref<1x64xi32, #tpu.memory_space<vmem>> -> memref<64xi32, #tpu.memory_space<vmem>>
      %dma_start3A_24 = arith.constant 0 : i32
      %dma_start3A_25 = arith.constant 0 : i32
      %dma_start3A_26 = tpu.memref_slice %arg2[%dma_start3A_24, %dma_start3A_25] : memref<10240x128xf32, #tpu.memory_space<hbm>> -> memref<10240x128xf32, #tpu.memory_space<hbm>>
      tpu.enqueue_indirect_dma source(%dma_start3A_26 : memref<10240x128xf32, #tpu.memory_space<hbm>>) target(%arg10 : memref<64x128xf32, #tpu.memory_space<vmem>>) offsets(%dma_start3A_23 : memref<64xi32, #tpu.memory_space<vmem>>) semaphore(%arg15 : memref<!tpu.dma_semaphore, #tpu.memory_space<semaphore_mem>>)
      %dma_start3A_27 = arith.constant 2 : i32
      %dma_start3A_28 = arith.constant 0 : i32
      %dma_start3A_29 = tpu.memref_slice %arg7[%dma_start3A_27, %dma_start3A_28] : memref<40x64xi32, #tpu.memory_space<vmem>> -> memref<1x64xi32, #tpu.memory_space<vmem>>
      %dma_start3A_30 = tpu.memref_squeeze %dma_start3A_29 : memref<1x64xi32, #tpu.memory_space<vmem>> -> memref<64xi32, #tpu.memory_space<vmem>>
      %dma_start3A_31 = arith.constant 0 : i32
      %dma_start3A_32 = arith.constant 0 : i32
      %dma_start3A_33 = tpu.memref_slice %arg2[%dma_start3A_31, %dma_start3A_32] : memref<10240x128xf32, #tpu.memory_space<hbm>> -> memref<10240x128xf32, #tpu.memory_space<hbm>>
      tpu.enqueue_indirect_dma source(%dma_start3A_33 : memref<10240x128xf32, #tpu.memory_space<hbm>>) target(%arg11 : memref<64x128xf32, #tpu.memory_space<vmem>>) offsets(%dma_start3A_30 : memref<64xi32, #tpu.memory_space<vmem>>) semaphore(%arg16 : memref<!tpu.dma_semaphore, #tpu.memory_space<semaphore_mem>>)
      %dma_start3A_34 = arith.constant 3 : i32
      %dma_start3A_35 = arith.constant 0 : i32
      %dma_start3A_36 = tpu.memref_slice %arg7[%dma_start3A_34, %dma_start3A_35] : memref<40x64xi32, #tpu.memory_space<vmem>> -> memref<1x64xi32, #tpu.memory_space<vmem>>
      %dma_start3A_37 = tpu.memref_squeeze %dma_start3A_36 : memref<1x64xi32, #tpu.memory_space<vmem>> -> memref<64xi32, #tpu.memory_space<vmem>>
      %dma_start3A_38 = arith.constant 0 : i32
      %dma_start3A_39 = arith.constant 0 : i32
      %dma_start3A_40 = tpu.memref_slice %arg2[%dma_start3A_38, %dma_start3A_39] : memref<10240x128xf32, #tpu.memory_space<hbm>> -> memref<10240x128xf32, #tpu.memory_space<hbm>>
      tpu.enqueue_indirect_dma source(%dma_start3A_40 : memref<10240x128xf32, #tpu.memory_space<hbm>>) target(%arg12 : memref<64x128xf32, #tpu.memory_space<vmem>>) offsets(%dma_start3A_37 : memref<64xi32, #tpu.memory_space<vmem>>) semaphore(%arg17 : memref<!tpu.dma_semaphore, #tpu.memory_space<semaphore_mem>>)
      %scan3A_41 = arith.constant 0 : i32
      %scan3A_42 = arith.constant 0 : i32
      %scan3A_43 = arith.constant 10 : i32
      %scan3A_44 = arith.addi %scan3A_42, %scan3A_43 : i32
      %scan3A_45 = arith.constant 1 : i32
      scf.for %scan3A_74 = %scan3A_42 to %scan3A_44 step %scan3A_45  : i32 {
        %mul3A_75 = arith.constant 4 : i32
        %mul3A_76 = arith.muli %mul3A_75, %scan3A_74 : i32
        %add3A_77 = arith.constant 0 : i32
        %add3A_78 = arith.addi %mul3A_76, %add3A_77 : i32
        %dma_wait3A_79 = arith.constant 0 : i32
        %dma_wait3A_80 = tpu.memref_slice %arg7[%add3A_78, %dma_wait3A_79] : memref<40x64xi32, #tpu.memory_space<vmem>> -> memref<1x64xi32, #tpu.memory_space<vmem>>
        %dma_wait3A_81 = tpu.memref_squeeze %dma_wait3A_80 : memref<1x64xi32, #tpu.memory_space<vmem>> -> memref<64xi32, #tpu.memory_space<vmem>>
        %dma_wait3A_82 = arith.constant 0 : i32
        %dma_wait3A_83 = arith.constant 0 : i32
        %dma_wait3A_84 = tpu.memref_slice %arg2[%dma_wait3A_82, %dma_wait3A_83] : memref<10240x128xf32, #tpu.memory_space<hbm>> -> memref<10240x128xf32, #tpu.memory_space<hbm>>
        tpu.wait_indirect_dma semaphore(%arg14 : memref<!tpu.dma_semaphore, #tpu.memory_space<semaphore_mem>>) src(%dma_wait3A_84 : memref<10240x128xf32, #tpu.memory_space<hbm>>) dst(%arg9 : memref<64x128xf32, #tpu.memory_space<vmem>>)
        %dma_start3A_85 = arith.constant 0 : i32
        %dma_start3A_86 = tpu.memref_slice %arg8[%add3A_78, %dma_start3A_85] : memref<40x64xi32, #tpu.memory_space<vmem>> -> memref<1x64xi32, #tpu.memory_space<vmem>>
        %dma_start3A_87 = tpu.memref_squeeze %dma_start3A_86 : memref<1x64xi32, #tpu.memory_space<vmem>> -> memref<64xi32, #tpu.memory_space<vmem>>
        %dma_start3A_88 = arith.constant 0 : i32
        %dma_start3A_89 = arith.constant 0 : i32
        %dma_start3A_90 = tpu.memref_slice %arg13[%dma_start3A_88, %dma_start3A_89] : memref<10240x128xf32, #tpu.memory_space<vmem_shared>> -> memref<10240x128xf32, #tpu.memory_space<vmem_shared>>
        tpu.enqueue_indirect_dma source(%arg9 : memref<64x128xf32, #tpu.memory_space<vmem>>) target(%dma_start3A_90 : memref<10240x128xf32, #tpu.memory_space<vmem_shared>>) offsets(%dma_start3A_87 : memref<64xi32, #tpu.memory_space<vmem>>) semaphore(%arg18 : memref<!tpu.dma_semaphore, #tpu.memory_space<semaphore_mem>>) {add = true}
        %add3A_91 = arith.constant 1 : i32
        %add3A_92 = arith.addi %mul3A_76, %add3A_91 : i32
        %dma_wait3A_93 = arith.constant 0 : i32
        %dma_wait3A_94 = tpu.memref_slice %arg7[%add3A_92, %dma_wait3A_93] : memref<40x64xi32, #tpu.memory_space<vmem>> -> memref<1x64xi32, #tpu.memory_space<vmem>>
        %dma_wait3A_95 = tpu.memref_squeeze %dma_wait3A_94 : memref<1x64xi32, #tpu.memory_space<vmem>> -> memref<64xi32, #tpu.memory_space<vmem>>
        %dma_wait3A_96 = arith.constant 0 : i32
        %dma_wait3A_97 = arith.constant 0 : i32
        %dma_wait3A_98 = tpu.memref_slice %arg2[%dma_wait3A_96, %dma_wait3A_97] : memref<10240x128xf32, #tpu.memory_space<hbm>> -> memref<10240x128xf32, #tpu.memory_space<hbm>>
        tpu.wait_indirect_dma semaphore(%arg15 : memref<!tpu.dma_semaphore, #tpu.memory_space<semaphore_mem>>) src(%dma_wait3A_98 : memref<10240x128xf32, #tpu.memory_space<hbm>>) dst(%arg10 : memref<64x128xf32, #tpu.memory_space<vmem>>)
        %dma_start3A_99 = arith.constant 0 : i32
        %dma_start3A_100 = tpu.memref_slice %arg8[%add3A_92, %dma_start3A_99] : memref<40x64xi32, #tpu.memory_space<vmem>> -> memref<1x64xi32, #tpu.memory_space<vmem>>
        %dma_start3A_101 = tpu.memref_squeeze %dma_start3A_100 : memref<1x64xi32, #tpu.memory_space<vmem>> -> memref<64xi32, #tpu.memory_space<vmem>>
        %dma_start3A_102 = arith.constant 0 : i32
        %dma_start3A_103 = arith.constant 0 : i32
        %dma_start3A_104 = tpu.memref_slice %arg13[%dma_start3A_102, %dma_start3A_103] : memref<10240x128xf32, #tpu.memory_space<vmem_shared>> -> memref<10240x128xf32, #tpu.memory_space<vmem_shared>>
        tpu.enqueue_indirect_dma source(%arg10 : memref<64x128xf32, #tpu.memory_space<vmem>>) target(%dma_start3A_104 : memref<10240x128xf32, #tpu.memory_space<vmem_shared>>) offsets(%dma_start3A_101 : memref<64xi32, #tpu.memory_space<vmem>>) semaphore(%arg19 : memref<!tpu.dma_semaphore, #tpu.memory_space<semaphore_mem>>) {add = true}
        %add3A_105 = arith.constant 2 : i32
        %add3A_106 = arith.addi %mul3A_76, %add3A_105 : i32
        %dma_wait3A_107 = arith.constant 0 : i32
        %dma_wait3A_108 = tpu.memref_slice %arg7[%add3A_106, %dma_wait3A_107] : memref<40x64xi32, #tpu.memory_space<vmem>> -> memref<1x64xi32, #tpu.memory_space<vmem>>
        %dma_wait3A_109 = tpu.memref_squeeze %dma_wait3A_108 : memref<1x64xi32, #tpu.memory_space<vmem>> -> memref<64xi32, #tpu.memory_space<vmem>>
        %dma_wait3A_110 = arith.constant 0 : i32
        %dma_wait3A_111 = arith.constant 0 : i32
        %dma_wait3A_112 = tpu.memref_slice %arg2[%dma_wait3A_110, %dma_wait3A_111] : memref<10240x128xf32, #tpu.memory_space<hbm>> -> memref<10240x128xf32, #tpu.memory_space<hbm>>
        tpu.wait_indirect_dma semaphore(%arg16 : memref<!tpu.dma_semaphore, #tpu.memory_space<semaphore_mem>>) src(%dma_wait3A_112 : memref<10240x128xf32, #tpu.memory_space<hbm>>) dst(%arg11 : memref<64x128xf32, #tpu.memory_space<vmem>>)
        %dma_start3A_113 = arith.constant 0 : i32
        %dma_start3A_114 = tpu.memref_slice %arg8[%add3A_106, %dma_start3A_113] : memref<40x64xi32, #tpu.memory_space<vmem>> -> memref<1x64xi32, #tpu.memory_space<vmem>>
        %dma_start3A_115 = tpu.memref_squeeze %dma_start3A_114 : memref<1x64xi32, #tpu.memory_space<vmem>> -> memref<64xi32, #tpu.memory_space<vmem>>
        %dma_start3A_116 = arith.constant 0 : i32
        %dma_start3A_117 = arith.constant 0 : i32
        %dma_start3A_118 = tpu.memref_slice %arg13[%dma_start3A_116, %dma_start3A_117] : memref<10240x128xf32, #tpu.memory_space<vmem_shared>> -> memref<10240x128xf32, #tpu.memory_space<vmem_shared>>
        tpu.enqueue_indirect_dma source(%arg11 : memref<64x128xf32, #tpu.memory_space<vmem>>) target(%dma_start3A_118 : memref<10240x128xf32, #tpu.memory_space<vmem_shared>>) offsets(%dma_start3A_115 : memref<64xi32, #tpu.memory_space<vmem>>) semaphore(%arg20 : memref<!tpu.dma_semaphore, #tpu.memory_space<semaphore_mem>>) {add = true}
        %add3A_119 = arith.constant 3 : i32
        %add3A_120 = arith.addi %mul3A_76, %add3A_119 : i32
        %dma_wait3A_121 = arith.constant 0 : i32
        %dma_wait3A_122 = tpu.memref_slice %arg7[%add3A_120, %dma_wait3A_121] : memref<40x64xi32, #tpu.memory_space<vmem>> -> memref<1x64xi32, #tpu.memory_space<vmem>>
        %dma_wait3A_123 = tpu.memref_squeeze %dma_wait3A_122 : memref<1x64xi32, #tpu.memory_space<vmem>> -> memref<64xi32, #tpu.memory_space<vmem>>
        %dma_wait3A_124 = arith.constant 0 : i32
        %dma_wait3A_125 = arith.constant 0 : i32
        %dma_wait3A_126 = tpu.memref_slice %arg2[%dma_wait3A_124, %dma_wait3A_125] : memref<10240x128xf32, #tpu.memory_space<hbm>> -> memref<10240x128xf32, #tpu.memory_space<hbm>>
        tpu.wait_indirect_dma semaphore(%arg17 : memref<!tpu.dma_semaphore, #tpu.memory_space<semaphore_mem>>) src(%dma_wait3A_126 : memref<10240x128xf32, #tpu.memory_space<hbm>>) dst(%arg12 : memref<64x128xf32, #tpu.memory_space<vmem>>)
        %dma_start3A_127 = arith.constant 0 : i32
        %dma_start3A_128 = tpu.memref_slice %arg8[%add3A_120, %dma_start3A_127] : memref<40x64xi32, #tpu.memory_space<vmem>> -> memref<1x64xi32, #tpu.memory_space<vmem>>
        %dma_start3A_129 = tpu.memref_squeeze %dma_start3A_128 : memref<1x64xi32, #tpu.memory_space<vmem>> -> memref<64xi32, #tpu.memory_space<vmem>>
        %dma_start3A_130 = arith.constant 0 : i32
        %dma_start3A_131 = arith.constant 0 : i32
        %dma_start3A_132 = tpu.memref_slice %arg13[%dma_start3A_130, %dma_start3A_131] : memref<10240x128xf32, #tpu.memory_space<vmem_shared>> -> memref<10240x128xf32, #tpu.memory_space<vmem_shared>>
        tpu.enqueue_indirect_dma source(%arg12 : memref<64x128xf32, #tpu.memory_space<vmem>>) target(%dma_start3A_132 : memref<10240x128xf32, #tpu.memory_space<vmem_shared>>) offsets(%dma_start3A_129 : memref<64xi32, #tpu.memory_space<vmem>>) semaphore(%arg21 : memref<!tpu.dma_semaphore, #tpu.memory_space<semaphore_mem>>) {add = true}
        %add3A_133 = arith.constant 0 : i32
        %add3A_134 = arith.addi %mul3A_76, %add3A_133 : i32
        %add3A_135 = arith.constant 4 : i32
        %add3A_136 = arith.addi %add3A_134, %add3A_135 : i32
        %lt3A = arith.constant 40 : i32
        %lt3A_137 = arith.cmpi slt, %add3A_136, %lt3A : i32
        %convert_element_type3A = arith.extui %lt3A_137 : i1 to i32
        %cond3A = arith.constant 0 : i32
        %cond3A_138 = arith.cmpi ne, %convert_element_type3A, %cond3A : i32
        scf.if %cond3A_138 {
          %add3A_166 = arith.constant 0 : i32
          %add3A_167 = arith.addi %mul3A_76, %add3A_166 : i32
          %dma_wait3A_168 = arith.constant 0 : i32
          %dma_wait3A_169 = tpu.memref_slice %arg8[%add3A_167, %dma_wait3A_168] : memref<40x64xi32, #tpu.memory_space<vmem>> -> memref<1x64xi32, #tpu.memory_space<vmem>>
          %dma_wait3A_170 = tpu.memref_squeeze %dma_wait3A_169 : memref<1x64xi32, #tpu.memory_space<vmem>> -> memref<64xi32, #tpu.memory_space<vmem>>
          %dma_wait3A_171 = arith.constant 0 : i32
          %dma_wait3A_172 = arith.constant 0 : i32
          %dma_wait3A_173 = tpu.memref_slice %arg13[%dma_wait3A_171, %dma_wait3A_172] : memref<10240x128xf32, #tpu.memory_space<vmem_shared>> -> memref<10240x128xf32, #tpu.memory_space<vmem_shared>>
          tpu.wait_indirect_dma semaphore(%arg18 : memref<!tpu.dma_semaphore, #tpu.memory_space<semaphore_mem>>) src(%arg9 : memref<64x128xf32, #tpu.memory_space<vmem>>) dst(%dma_wait3A_173 : memref<10240x128xf32, #tpu.memory_space<vmem_shared>>)
          %dma_start3A_174 = arith.constant 0 : i32
          %dma_start3A_175 = tpu.memref_slice %arg7[%add3A_136, %dma_start3A_174] : memref<40x64xi32, #tpu.memory_space<vmem>> -> memref<1x64xi32, #tpu.memory_space<vmem>>
          %dma_start3A_176 = tpu.memref_squeeze %dma_start3A_175 : memref<1x64xi32, #tpu.memory_space<vmem>> -> memref<64xi32, #tpu.memory_space<vmem>>
          %dma_start3A_177 = arith.constant 0 : i32
          %dma_start3A_178 = arith.constant 0 : i32
          %dma_start3A_179 = tpu.memref_slice %arg2[%dma_start3A_177, %dma_start3A_178] : memref<10240x128xf32, #tpu.memory_space<hbm>> -> memref<10240x128xf32, #tpu.memory_space<hbm>>
          tpu.enqueue_indirect_dma source(%dma_start3A_179 : memref<10240x128xf32, #tpu.memory_space<hbm>>) target(%arg9 : memref<64x128xf32, #tpu.memory_space<vmem>>) offsets(%dma_start3A_176 : memref<64xi32, #tpu.memory_space<vmem>>) semaphore(%arg14 : memref<!tpu.dma_semaphore, #tpu.memory_space<semaphore_mem>>)
        } else {
        }
        %add3A_139 = arith.constant 1 : i32
        %add3A_140 = arith.addi %mul3A_76, %add3A_139 : i32
        %add3A_141 = arith.constant 4 : i32
        %add3A_142 = arith.addi %add3A_140, %add3A_141 : i32
        %lt3A_143 = arith.constant 40 : i32
        %lt3A_144 = arith.cmpi slt, %add3A_142, %lt3A_143 : i32
        %convert_element_type3A_145 = arith.extui %lt3A_144 : i1 to i32
        %cond3A_146 = arith.constant 0 : i32
        %cond3A_147 = arith.cmpi ne, %convert_element_type3A_145, %cond3A_146 : i32
        scf.if %cond3A_147 {
          %add3A_166 = arith.constant 1 : i32
          %add3A_167 = arith.addi %mul3A_76, %add3A_166 : i32
          %dma_wait3A_168 = arith.constant 0 : i32
          %dma_wait3A_169 = tpu.memref_slice %arg8[%add3A_167, %dma_wait3A_168] : memref<40x64xi32, #tpu.memory_space<vmem>> -> memref<1x64xi32, #tpu.memory_space<vmem>>
          %dma_wait3A_170 = tpu.memref_squeeze %dma_wait3A_169 : memref<1x64xi32, #tpu.memory_space<vmem>> -> memref<64xi32, #tpu.memory_space<vmem>>
          %dma_wait3A_171 = arith.constant 0 : i32
          %dma_wait3A_172 = arith.constant 0 : i32
          %dma_wait3A_173 = tpu.memref_slice %arg13[%dma_wait3A_171, %dma_wait3A_172] : memref<10240x128xf32, #tpu.memory_space<vmem_shared>> -> memref<10240x128xf32, #tpu.memory_space<vmem_shared>>
          tpu.wait_indirect_dma semaphore(%arg19 : memref<!tpu.dma_semaphore, #tpu.memory_space<semaphore_mem>>) src(%arg10 : memref<64x128xf32, #tpu.memory_space<vmem>>) dst(%dma_wait3A_173 : memref<10240x128xf32, #tpu.memory_space<vmem_shared>>)
          %dma_start3A_174 = arith.constant 0 : i32
          %dma_start3A_175 = tpu.memref_slice %arg7[%add3A_142, %dma_start3A_174] : memref<40x64xi32, #tpu.memory_space<vmem>> -> memref<1x64xi32, #tpu.memory_space<vmem>>
          %dma_start3A_176 = tpu.memref_squeeze %dma_start3A_175 : memref<1x64xi32, #tpu.memory_space<vmem>> -> memref<64xi32, #tpu.memory_space<vmem>>
          %dma_start3A_177 = arith.constant 0 : i32
          %dma_start3A_178 = arith.constant 0 : i32
          %dma_start3A_179 = tpu.memref_slice %arg2[%dma_start3A_177, %dma_start3A_178] : memref<10240x128xf32, #tpu.memory_space<hbm>> -> memref<10240x128xf32, #tpu.memory_space<hbm>>
          tpu.enqueue_indirect_dma source(%dma_start3A_179 : memref<10240x128xf32, #tpu.memory_space<hbm>>) target(%arg10 : memref<64x128xf32, #tpu.memory_space<vmem>>) offsets(%dma_start3A_176 : memref<64xi32, #tpu.memory_space<vmem>>) semaphore(%arg15 : memref<!tpu.dma_semaphore, #tpu.memory_space<semaphore_mem>>)
        } else {
        }
        %add3A_148 = arith.constant 2 : i32
        %add3A_149 = arith.addi %mul3A_76, %add3A_148 : i32
        %add3A_150 = arith.constant 4 : i32
        %add3A_151 = arith.addi %add3A_149, %add3A_150 : i32
        %lt3A_152 = arith.constant 40 : i32
        %lt3A_153 = arith.cmpi slt, %add3A_151, %lt3A_152 : i32
        %convert_element_type3A_154 = arith.extui %lt3A_153 : i1 to i32
        %cond3A_155 = arith.constant 0 : i32
        %cond3A_156 = arith.cmpi ne, %convert_element_type3A_154, %cond3A_155 : i32
        scf.if %cond3A_156 {
          %add3A_166 = arith.constant 2 : i32
          %add3A_167 = arith.addi %mul3A_76, %add3A_166 : i32
          %dma_wait3A_168 = arith.constant 0 : i32
          %dma_wait3A_169 = tpu.memref_slice %arg8[%add3A_167, %dma_wait3A_168] : memref<40x64xi32, #tpu.memory_space<vmem>> -> memref<1x64xi32, #tpu.memory_space<vmem>>
          %dma_wait3A_170 = tpu.memref_squeeze %dma_wait3A_169 : memref<1x64xi32, #tpu.memory_space<vmem>> -> memref<64xi32, #tpu.memory_space<vmem>>
          %dma_wait3A_171 = arith.constant 0 : i32
          %dma_wait3A_172 = arith.constant 0 : i32
          %dma_wait3A_173 = tpu.memref_slice %arg13[%dma_wait3A_171, %dma_wait3A_172] : memref<10240x128xf32, #tpu.memory_space<vmem_shared>> -> memref<10240x128xf32, #tpu.memory_space<vmem_shared>>
          tpu.wait_indirect_dma semaphore(%arg20 : memref<!tpu.dma_semaphore, #tpu.memory_space<semaphore_mem>>) src(%arg11 : memref<64x128xf32, #tpu.memory_space<vmem>>) dst(%dma_wait3A_173 : memref<10240x128xf32, #tpu.memory_space<vmem_shared>>)
          %dma_start3A_174 = arith.constant 0 : i32
          %dma_start3A_175 = tpu.memref_slice %arg7[%add3A_151, %dma_start3A_174] : memref<40x64xi32, #tpu.memory_space<vmem>> -> memref<1x64xi32, #tpu.memory_space<vmem>>
          %dma_start3A_176 = tpu.memref_squeeze %dma_start3A_175 : memref<1x64xi32, #tpu.memory_space<vmem>> -> memref<64xi32, #tpu.memory_space<vmem>>
          %dma_start3A_177 = arith.constant 0 : i32
          %dma_start3A_178 = arith.constant 0 : i32
          %dma_start3A_179 = tpu.memref_slice %arg2[%dma_start3A_177, %dma_start3A_178] : memref<10240x128xf32, #tpu.memory_space<hbm>> -> memref<10240x128xf32, #tpu.memory_space<hbm>>
          tpu.enqueue_indirect_dma source(%dma_start3A_179 : memref<10240x128xf32, #tpu.memory_space<hbm>>) target(%arg11 : memref<64x128xf32, #tpu.memory_space<vmem>>) offsets(%dma_start3A_176 : memref<64xi32, #tpu.memory_space<vmem>>) semaphore(%arg16 : memref<!tpu.dma_semaphore, #tpu.memory_space<semaphore_mem>>)
        } else {
        }
        %add3A_157 = arith.constant 3 : i32
        %add3A_158 = arith.addi %mul3A_76, %add3A_157 : i32
        %add3A_159 = arith.constant 4 : i32
        %add3A_160 = arith.addi %add3A_158, %add3A_159 : i32
        %lt3A_161 = arith.constant 40 : i32
        %lt3A_162 = arith.cmpi slt, %add3A_160, %lt3A_161 : i32
        %convert_element_type3A_163 = arith.extui %lt3A_162 : i1 to i32
        %cond3A_164 = arith.constant 0 : i32
        %cond3A_165 = arith.cmpi ne, %convert_element_type3A_163, %cond3A_164 : i32
        scf.if %cond3A_165 {
          %add3A_166 = arith.constant 3 : i32
          %add3A_167 = arith.addi %mul3A_76, %add3A_166 : i32
          %dma_wait3A_168 = arith.constant 0 : i32
          %dma_wait3A_169 = tpu.memref_slice %arg8[%add3A_167, %dma_wait3A_168] : memref<40x64xi32, #tpu.memory_space<vmem>> -> memref<1x64xi32, #tpu.memory_space<vmem>>
          %dma_wait3A_170 = tpu.memref_squeeze %dma_wait3A_169 : memref<1x64xi32, #tpu.memory_space<vmem>> -> memref<64xi32, #tpu.memory_space<vmem>>
          %dma_wait3A_171 = arith.constant 0 : i32
          %dma_wait3A_172 = arith.constant 0 : i32
          %dma_wait3A_173 = tpu.memref_slice %arg13[%dma_wait3A_171, %dma_wait3A_172] : memref<10240x128xf32, #tpu.memory_space<vmem_shared>> -> memref<10240x128xf32, #tpu.memory_space<vmem_shared>>
          tpu.wait_indirect_dma semaphore(%arg21 : memref<!tpu.dma_semaphore, #tpu.memory_space<semaphore_mem>>) src(%arg12 : memref<64x128xf32, #tpu.memory_space<vmem>>) dst(%dma_wait3A_173 : memref<10240x128xf32, #tpu.memory_space<vmem_shared>>)
          %dma_start3A_174 = arith.constant 0 : i32
          %dma_start3A_175 = tpu.memref_slice %arg7[%add3A_160, %dma_start3A_174] : memref<40x64xi32, #tpu.memory_space<vmem>> -> memref<1x64xi32, #tpu.memory_space<vmem>>
          %dma_start3A_176 = tpu.memref_squeeze %dma_start3A_175 : memref<1x64xi32, #tpu.memory_space<vmem>> -> memref<64xi32, #tpu.memory_space<vmem>>
          %dma_start3A_177 = arith.constant 0 : i32
          %dma_start3A_178 = arith.constant 0 : i32
          %dma_start3A_179 = tpu.memref_slice %arg2[%dma_start3A_177, %dma_start3A_178] : memref<10240x128xf32, #tpu.memory_space<hbm>> -> memref<10240x128xf32, #tpu.memory_space<hbm>>
          tpu.enqueue_indirect_dma source(%dma_start3A_179 : memref<10240x128xf32, #tpu.memory_space<hbm>>) target(%arg12 : memref<64x128xf32, #tpu.memory_space<vmem>>) offsets(%dma_start3A_176 : memref<64xi32, #tpu.memory_space<vmem>>) semaphore(%arg17 : memref<!tpu.dma_semaphore, #tpu.memory_space<semaphore_mem>>)
        } else {
        }
      }
      %scan3A_46 = arith.constant 10 : i32
      %dma_wait3A = arith.constant 36 : i32
      %dma_wait3A_47 = arith.constant 0 : i32
      %dma_wait3A_48 = tpu.memref_slice %arg8[%dma_wait3A, %dma_wait3A_47] : memref<40x64xi32, #tpu.memory_space<vmem>> -> memref<1x64xi32, #tpu.memory_space<vmem>>
      %dma_wait3A_49 = tpu.memref_squeeze %dma_wait3A_48 : memref<1x64xi32, #tpu.memory_space<vmem>> -> memref<64xi32, #tpu.memory_space<vmem>>
      %dma_wait3A_50 = arith.constant 0 : i32
      %dma_wait3A_51 = arith.constant 0 : i32
      %dma_wait3A_52 = tpu.memref_slice %arg13[%dma_wait3A_50, %dma_wait3A_51] : memref<10240x128xf32, #tpu.memory_space<vmem_shared>> -> memref<10240x128xf32, #tpu.memory_space<vmem_shared>>
      tpu.wait_indirect_dma semaphore(%arg18 : memref<!tpu.dma_semaphore, #tpu.memory_space<semaphore_mem>>) src(%arg9 : memref<64x128xf32, #tpu.memory_space<vmem>>) dst(%dma_wait3A_52 : memref<10240x128xf32, #tpu.memory_space<vmem_shared>>)
      %dma_wait3A_53 = arith.constant 37 : i32
      %dma_wait3A_54 = arith.constant 0 : i32
      %dma_wait3A_55 = tpu.memref_slice %arg8[%dma_wait3A_53, %dma_wait3A_54] : memref<40x64xi32, #tpu.memory_space<vmem>> -> memref<1x64xi32, #tpu.memory_space<vmem>>
      %dma_wait3A_56 = tpu.memref_squeeze %dma_wait3A_55 : memref<1x64xi32, #tpu.memory_space<vmem>> -> memref<64xi32, #tpu.memory_space<vmem>>
      %dma_wait3A_57 = arith.constant 0 : i32
      %dma_wait3A_58 = arith.constant 0 : i32
      %dma_wait3A_59 = tpu.memref_slice %arg13[%dma_wait3A_57, %dma_wait3A_58] : memref<10240x128xf32, #tpu.memory_space<vmem_shared>> -> memref<10240x128xf32, #tpu.memory_space<vmem_shared>>
      tpu.wait_indirect_dma semaphore(%arg19 : memref<!tpu.dma_semaphore, #tpu.memory_space<semaphore_mem>>) src(%arg10 : memref<64x128xf32, #tpu.memory_space<vmem>>) dst(%dma_wait3A_59 : memref<10240x128xf32, #tpu.memory_space<vmem_shared>>)
      %dma_wait3A_60 = arith.constant 38 : i32
      %dma_wait3A_61 = arith.constant 0 : i32
      %dma_wait3A_62 = tpu.memref_slice %arg8[%dma_wait3A_60, %dma_wait3A_61] : memref<40x64xi32, #tpu.memory_space<vmem>> -> memref<1x64xi32, #tpu.memory_space<vmem>>
      %dma_wait3A_63 = tpu.memref_squeeze %dma_wait3A_62 : memref<1x64xi32, #tpu.memory_space<vmem>> -> memref<64xi32, #tpu.memory_space<vmem>>
      %dma_wait3A_64 = arith.constant 0 : i32
      %dma_wait3A_65 = arith.constant 0 : i32
      %dma_wait3A_66 = tpu.memref_slice %arg13[%dma_wait3A_64, %dma_wait3A_65] : memref<10240x128xf32, #tpu.memory_space<vmem_shared>> -> memref<10240x128xf32, #tpu.memory_space<vmem_shared>>
      tpu.wait_indirect_dma semaphore(%arg20 : memref<!tpu.dma_semaphore, #tpu.memory_space<semaphore_mem>>) src(%arg11 : memref<64x128xf32, #tpu.memory_space<vmem>>) dst(%dma_wait3A_66 : memref<10240x128xf32, #tpu.memory_space<vmem_shared>>)
      %dma_wait3A_67 = arith.constant 39 : i32
      %dma_wait3A_68 = arith.constant 0 : i32
      %dma_wait3A_69 = tpu.memref_slice %arg8[%dma_wait3A_67, %dma_wait3A_68] : memref<40x64xi32, #tpu.memory_space<vmem>> -> memref<1x64xi32, #tpu.memory_space<vmem>>
      %dma_wait3A_70 = tpu.memref_squeeze %dma_wait3A_69 : memref<1x64xi32, #tpu.memory_space<vmem>> -> memref<64xi32, #tpu.memory_space<vmem>>
      %dma_wait3A_71 = arith.constant 0 : i32
      %dma_wait3A_72 = arith.constant 0 : i32
      %dma_wait3A_73 = tpu.memref_slice %arg13[%dma_wait3A_71, %dma_wait3A_72] : memref<10240x128xf32, #tpu.memory_space<vmem_shared>> -> memref<10240x128xf32, #tpu.memory_space<vmem_shared>>
      tpu.wait_indirect_dma semaphore(%arg21 : memref<!tpu.dma_semaphore, #tpu.memory_space<semaphore_mem>>) src(%arg12 : memref<64x128xf32, #tpu.memory_space<vmem>>) dst(%dma_wait3A_73 : memref<10240x128xf32, #tpu.memory_space<vmem_shared>>)
    }
    %scan3A_7 = arith.constant 4 : i32
    "tpu.trace_stop"() : () -> ()
    "tpu.trace_start"() <{level = 10 : i32, message = "writeout_phase"}> : () -> ()
    %barrier3A_8 = arith.constant 0 : index
    tpu.barrier barrier_id(%barrier3A_8)
    "tpu.region"() ({
      %run_scoped3A = tpu.sem_alloc : memref<!tpu.dma_semaphore, #tpu.memory_space<semaphore_mem>>
      %dma_start3A = arith.constant 0 : i32
      %dma_start3A_9 = tpu.memref_slice %arg6[%arg0, %mul3A_2, %dma_start3A] : memref<2x10240x128xf32, #tpu.memory_space<hbm>> -> memref<1x640x128xf32, #tpu.memory_space<hbm>>
      %dma_start3A_10 = tpu.memref_squeeze %dma_start3A_9 : memref<1x640x128xf32, #tpu.memory_space<hbm>> -> memref<640x128xf32, #tpu.memory_space<hbm>>
      %dma_start3A_11 = arith.constant 0 : i32
      %dma_start3A_12 = tpu.memref_slice %arg13[%mul3A_2, %dma_start3A_11] : memref<10240x128xf32, #tpu.memory_space<vmem_shared>> -> memref<640x128xf32, #tpu.memory_space<vmem_shared>>
      tpu.enqueue_dma source(%dma_start3A_12 : memref<640x128xf32, #tpu.memory_space<vmem_shared>>) target(%dma_start3A_10 : memref<640x128xf32, #tpu.memory_space<hbm>>) target_semaphore(%run_scoped3A : memref<!tpu.dma_semaphore, #tpu.memory_space<semaphore_mem>>)
      %dma_wait3A = arith.constant 0 : i32
      %dma_wait3A_13 = tpu.memref_slice %arg6[%arg0, %mul3A_2, %dma_wait3A] : memref<2x10240x128xf32, #tpu.memory_space<hbm>> -> memref<1x640x128xf32, #tpu.memory_space<hbm>>
      %dma_wait3A_14 = tpu.memref_squeeze %dma_wait3A_13 : memref<1x640x128xf32, #tpu.memory_space<hbm>> -> memref<640x128xf32, #tpu.memory_space<hbm>>
      %dma_wait3A_15 = arith.constant 0 : i32
      %dma_wait3A_16 = tpu.memref_slice %arg13[%mul3A_2, %dma_wait3A_15] : memref<10240x128xf32, #tpu.memory_space<vmem_shared>> -> memref<640x128xf32, #tpu.memory_space<vmem_shared>>
      tpu.wait_dma2 semaphore(%run_scoped3A : memref<!tpu.dma_semaphore, #tpu.memory_space<semaphore_mem>>) src(%dma_wait3A_16 : memref<640x128xf32, #tpu.memory_space<vmem_shared>>) dst(%dma_wait3A_14 : memref<640x128xf32, #tpu.memory_space<hbm>>)
      tpu.yield
    }) : () -> ()
    "tpu.trace_stop"() : () -> ()
    return
  }
}

#map = affine_map<(d0, d1) -> (0, 0)>
#map1 = affine_map<(d0, d1) -> (0, 0, 0)>
module attributes {stable_mosaic.version = 14 : i64} {
  func.func @_sc_spmm(%arg0: i32, %arg1: i32, %arg2: memref<10240x128xf32, #tpu.memory_space<hbm>>, %arg3: memref<32x160x64xi32, #tpu.memory_space<hbm>>, %arg4: memref<32x160x64xi32, #tpu.memory_space<hbm>>, %arg5: memref<640x128xf32, #tpu.memory_space<hbm>>, %arg6: memref<2x10240x128xf32, #tpu.memory_space<hbm>>, %arg7: memref<40x64xi32, #tpu.memory_space<vmem>>, %arg8: memref<40x64xi32, #tpu.memory_space<vmem>>, %arg9: memref<64x128xf32, #tpu.memory_space<vmem>>, %arg10: memref<64x128xf32, #tpu.memory_space<vmem>>, %arg11: memref<64x128xf32, #tpu.memory_space<vmem>>, %arg12: memref<64x128xf32, #tpu.memory_space<vmem>>, %arg13: memref<10240x128xf32, #tpu.memory_space<vmem_shared>>, %arg14: memref<!tpu.dma_semaphore, #tpu.memory_space<semaphore_mem>>, %arg15: memref<!tpu.dma_semaphore, #tpu.memory_space<semaphore_mem>>, %arg16: memref<!tpu.dma_semaphore, #tpu.memory_space<semaphore_mem>>, %arg17: memref<!tpu.dma_semaphore, #tpu.memory_space<semaphore_mem>>, %arg18: memref<!tpu.dma_semaphore, #tpu.memory_space<semaphore_mem>>, %arg19: memref<!tpu.dma_semaphore, #tpu.memory_space<semaphore_mem>>, %arg20: memref<!tpu.dma_semaphore, #tpu.memory_space<semaphore_mem>>, %arg21: memref<!tpu.dma_semaphore, #tpu.memory_space<semaphore_mem>>) attributes {dimension_semantics = [#tpu.dimension_semantics<core_parallel>, #tpu.dimension_semantics<subcore_parallel>], iteration_bounds = array<i64: 2, 16>, scalar_prefetch = 0 : i64, scratch_operands = 15 : i64, tpu.core_type = #tpu.core_type<sc_vector_subcore>, window_params = [{transform_indices = #map}, {transform_indices = #map1}, {transform_indices = #map1}, {transform_indices = #map}, {transform_indices = #map1}]} {
    %mul3A = arith.constant 2 : i32
    %mul3A_0 = arith.muli %arg1, %mul3A : i32
    %add3A = arith.addi %mul3A_0, %arg0 : i32
    "tpu.trace_start"() <{level = 10 : i32, message = "zero_phase"}> : () -> ()
    %mul3A_1 = arith.constant 640 : i32
    %mul3A_2 = arith.muli %arg1, %mul3A_1 : i32
    "tpu.region"() ({
      %run_scoped3A = tpu.sem_alloc : memref<!tpu.dma_semaphore, #tpu.memory_space<semaphore_mem>>
      %dma_start3A = arith.constant 0 : i32
      %dma_start3A_9 = tpu.memref_slice %arg13[%mul3A_2, %dma_start3A] : memref<10240x128xf32, #tpu.memory_space<vmem_shared>> -> memref<640x128xf32, #tpu.memory_space<vmem_shared>>
      tpu.enqueue_dma source(%arg5 : memref<640x128xf32, #tpu.memory_space<hbm>>) target(%dma_start3A_9 : memref<640x128xf32, #tpu.memory_space<vmem_shared>>) target_semaphore(%run_scoped3A : memref<!tpu.dma_semaphore, #tpu.memory_space<semaphore_mem>>)
      %dma_wait3A = arith.constant 0 : i32
      %dma_wait3A_10 = tpu.memref_slice %arg13[%mul3A_2, %dma_wait3A] : memref<10240x128xf32, #tpu.memory_space<vmem_shared>> -> memref<640x128xf32, #tpu.memory_space<vmem_shared>>
      tpu.wait_dma2 semaphore(%run_scoped3A : memref<!tpu.dma_semaphore, #tpu.memory_space<semaphore_mem>>) src(%arg5 : memref<640x128xf32, #tpu.memory_space<hbm>>) dst(%dma_wait3A_10 : memref<640x128xf32, #tpu.memory_space<vmem_shared>>)
      tpu.yield
    }) : () -> ()
    %barrier3A = arith.constant 0 : index
    tpu.barrier barrier_id(%barrier3A)
    "tpu.trace_stop"() : () -> ()
    "tpu.trace_start"() <{level = 10 : i32, message = "edge_phase"}> : () -> ()
    %scan3A = arith.constant 0 : i32
    %scan3A_3 = arith.constant 0 : i32
    %scan3A_4 = arith.constant 4 : i32
    %scan3A_5 = arith.addi %scan3A_3, %scan3A_4 : i32
    %scan3A_6 = arith.constant 1 : i32
    scf.for %scan3A_9 = %scan3A_3 to %scan3A_5 step %scan3A_6  : i32 {
      %mul3A_10 = arith.constant 40 : i32
      %mul3A_11 = arith.muli %scan3A_9, %mul3A_10 : i32
      "tpu.region"() ({
        %run_scoped3A = tpu.sem_alloc : memref<!tpu.dma_semaphore, #tpu.memory_space<semaphore_mem>>
        %dma_start3A_74 = arith.constant 0 : i32
        %dma_start3A_75 = tpu.memref_slice %arg3[%add3A, %mul3A_11, %dma_start3A_74] : memref<32x160x64xi32, #tpu.memory_space<hbm>> -> memref<1x40x64xi32, #tpu.memory_space<hbm>>
        %dma_start3A_76 = tpu.memref_squeeze %dma_start3A_75 : memref<1x40x64xi32, #tpu.memory_space<hbm>> -> memref<40x64xi32, #tpu.memory_space<hbm>>
        %dma_start3A_77 = arith.constant 0 : i32
        %dma_start3A_78 = tpu.memref_slice %arg3[%add3A, %mul3A_11, %dma_start3A_77] : memref<32x160x64xi32, #tpu.memory_space<hbm>> -> memref<1x40x64xi32, #tpu.memory_space<hbm>>
        %dma_start3A_79 = tpu.memref_squeeze %dma_start3A_78 : memref<1x40x64xi32, #tpu.memory_space<hbm>> -> memref<40x64xi32, #tpu.memory_space<hbm>>
        tpu.enqueue_dma source(%dma_start3A_79 : memref<40x64xi32, #tpu.memory_space<hbm>>) target(%arg7 : memref<40x64xi32, #tpu.memory_space<vmem>>) target_semaphore(%run_scoped3A : memref<!tpu.dma_semaphore, #tpu.memory_space<semaphore_mem>>)
        %dma_wait3A_80 = arith.constant 0 : i32
        %dma_wait3A_81 = tpu.memref_slice %arg3[%add3A, %mul3A_11, %dma_wait3A_80] : memref<32x160x64xi32, #tpu.memory_space<hbm>> -> memref<1x40x64xi32, #tpu.memory_space<hbm>>
        %dma_wait3A_82 = tpu.memref_squeeze %dma_wait3A_81 : memref<1x40x64xi32, #tpu.memory_space<hbm>> -> memref<40x64xi32, #tpu.memory_space<hbm>>
        %dma_wait3A_83 = arith.constant 0 : i32
        %dma_wait3A_84 = tpu.memref_slice %arg3[%add3A, %mul3A_11, %dma_wait3A_83] : memref<32x160x64xi32, #tpu.memory_space<hbm>> -> memref<1x40x64xi32, #tpu.memory_space<hbm>>
        %dma_wait3A_85 = tpu.memref_squeeze %dma_wait3A_84 : memref<1x40x64xi32, #tpu.memory_space<hbm>> -> memref<40x64xi32, #tpu.memory_space<hbm>>
        tpu.wait_dma2 semaphore(%run_scoped3A : memref<!tpu.dma_semaphore, #tpu.memory_space<semaphore_mem>>) src(%dma_wait3A_85 : memref<40x64xi32, #tpu.memory_space<hbm>>) dst(%arg7 : memref<40x64xi32, #tpu.memory_space<vmem>>)
        tpu.yield
      }) : () -> ()
      %mul3A_12 = arith.constant 40 : i32
      %mul3A_13 = arith.muli %scan3A_9, %mul3A_12 : i32
      "tpu.region"() ({
        %run_scoped3A = tpu.sem_alloc : memref<!tpu.dma_semaphore, #tpu.memory_space<semaphore_mem>>
        %dma_start3A_74 = arith.constant 0 : i32
        %dma_start3A_75 = tpu.memref_slice %arg4[%add3A, %mul3A_13, %dma_start3A_74] : memref<32x160x64xi32, #tpu.memory_space<hbm>> -> memref<1x40x64xi32, #tpu.memory_space<hbm>>
        %dma_start3A_76 = tpu.memref_squeeze %dma_start3A_75 : memref<1x40x64xi32, #tpu.memory_space<hbm>> -> memref<40x64xi32, #tpu.memory_space<hbm>>
        %dma_start3A_77 = arith.constant 0 : i32
        %dma_start3A_78 = tpu.memref_slice %arg4[%add3A, %mul3A_13, %dma_start3A_77] : memref<32x160x64xi32, #tpu.memory_space<hbm>> -> memref<1x40x64xi32, #tpu.memory_space<hbm>>
        %dma_start3A_79 = tpu.memref_squeeze %dma_start3A_78 : memref<1x40x64xi32, #tpu.memory_space<hbm>> -> memref<40x64xi32, #tpu.memory_space<hbm>>
        tpu.enqueue_dma source(%dma_start3A_79 : memref<40x64xi32, #tpu.memory_space<hbm>>) target(%arg8 : memref<40x64xi32, #tpu.memory_space<vmem>>) target_semaphore(%run_scoped3A : memref<!tpu.dma_semaphore, #tpu.memory_space<semaphore_mem>>)
        %dma_wait3A_80 = arith.constant 0 : i32
        %dma_wait3A_81 = tpu.memref_slice %arg4[%add3A, %mul3A_13, %dma_wait3A_80] : memref<32x160x64xi32, #tpu.memory_space<hbm>> -> memref<1x40x64xi32, #tpu.memory_space<hbm>>
        %dma_wait3A_82 = tpu.memref_squeeze %dma_wait3A_81 : memref<1x40x64xi32, #tpu.memory_space<hbm>> -> memref<40x64xi32, #tpu.memory_space<hbm>>
        %dma_wait3A_83 = arith.constant 0 : i32
        %dma_wait3A_84 = tpu.memref_slice %arg4[%add3A, %mul3A_13, %dma_wait3A_83] : memref<32x160x64xi32, #tpu.memory_space<hbm>> -> memref<1x40x64xi32, #tpu.memory_space<hbm>>
        %dma_wait3A_85 = tpu.memref_squeeze %dma_wait3A_84 : memref<1x40x64xi32, #tpu.memory_space<hbm>> -> memref<40x64xi32, #tpu.memory_space<hbm>>
        tpu.wait_dma2 semaphore(%run_scoped3A : memref<!tpu.dma_semaphore, #tpu.memory_space<semaphore_mem>>) src(%dma_wait3A_85 : memref<40x64xi32, #tpu.memory_space<hbm>>) dst(%arg8 : memref<40x64xi32, #tpu.memory_space<vmem>>)
        tpu.yield
      }) : () -> ()
      %dma_start3A = arith.constant 0 : i32
      %dma_start3A_14 = arith.constant 0 : i32
      %dma_start3A_15 = tpu.memref_slice %arg7[%dma_start3A, %dma_start3A_14] : memref<40x64xi32, #tpu.memory_space<vmem>> -> memref<1x64xi32, #tpu.memory_space<vmem>>
      %dma_start3A_16 = tpu.memref_squeeze %dma_start3A_15 : memref<1x64xi32, #tpu.memory_space<vmem>> -> memref<64xi32, #tpu.memory_space<vmem>>
      %dma_start3A_17 = arith.constant 0 : i32
      %dma_start3A_18 = arith.constant 0 : i32
      %dma_start3A_19 = tpu.memref_slice %arg2[%dma_start3A_17, %dma_start3A_18] : memref<10240x128xf32, #tpu.memory_space<hbm>> -> memref<10240x128xf32, #tpu.memory_space<hbm>>
      tpu.enqueue_indirect_dma source(%dma_start3A_19 : memref<10240x128xf32, #tpu.memory_space<hbm>>) target(%arg9 : memref<64x128xf32, #tpu.memory_space<vmem>>) offsets(%dma_start3A_16 : memref<64xi32, #tpu.memory_space<vmem>>) semaphore(%arg14 : memref<!tpu.dma_semaphore, #tpu.memory_space<semaphore_mem>>)
      %dma_start3A_20 = arith.constant 1 : i32
      %dma_start3A_21 = arith.constant 0 : i32
      %dma_start3A_22 = tpu.memref_slice %arg7[%dma_start3A_20, %dma_start3A_21] : memref<40x64xi32, #tpu.memory_space<vmem>> -> memref<1x64xi32, #tpu.memory_space<vmem>>
      %dma_start3A_23 = tpu.memref_squeeze %dma_start3A_22 : memref<1x64xi32, #tpu.memory_space<vmem>> -> memref<64xi32, #tpu.memory_space<vmem>>
      %dma_start3A_24 = arith.constant 0 : i32
      %dma_start3A_25 = arith.constant 0 : i32
      %dma_start3A_26 = tpu.memref_slice %arg2[%dma_start3A_24, %dma_start3A_25] : memref<10240x128xf32, #tpu.memory_space<hbm>> -> memref<10240x128xf32, #tpu.memory_space<hbm>>
      tpu.enqueue_indirect_dma source(%dma_start3A_26 : memref<10240x128xf32, #tpu.memory_space<hbm>>) target(%arg10 : memref<64x128xf32, #tpu.memory_space<vmem>>) offsets(%dma_start3A_23 : memref<64xi32, #tpu.memory_space<vmem>>) semaphore(%arg15 : memref<!tpu.dma_semaphore, #tpu.memory_space<semaphore_mem>>)
      %dma_start3A_27 = arith.constant 2 : i32
      %dma_start3A_28 = arith.constant 0 : i32
      %dma_start3A_29 = tpu.memref_slice %arg7[%dma_start3A_27, %dma_start3A_28] : memref<40x64xi32, #tpu.memory_space<vmem>> -> memref<1x64xi32, #tpu.memory_space<vmem>>
      %dma_start3A_30 = tpu.memref_squeeze %dma_start3A_29 : memref<1x64xi32, #tpu.memory_space<vmem>> -> memref<64xi32, #tpu.memory_space<vmem>>
      %dma_start3A_31 = arith.constant 0 : i32
      %dma_start3A_32 = arith.constant 0 : i32
      %dma_start3A_33 = tpu.memref_slice %arg2[%dma_start3A_31, %dma_start3A_32] : memref<10240x128xf32, #tpu.memory_space<hbm>> -> memref<10240x128xf32, #tpu.memory_space<hbm>>
      tpu.enqueue_indirect_dma source(%dma_start3A_33 : memref<10240x128xf32, #tpu.memory_space<hbm>>) target(%arg11 : memref<64x128xf32, #tpu.memory_space<vmem>>) offsets(%dma_start3A_30 : memref<64xi32, #tpu.memory_space<vmem>>) semaphore(%arg16 : memref<!tpu.dma_semaphore, #tpu.memory_space<semaphore_mem>>)
      %dma_start3A_34 = arith.constant 3 : i32
      %dma_start3A_35 = arith.constant 0 : i32
      %dma_start3A_36 = tpu.memref_slice %arg7[%dma_start3A_34, %dma_start3A_35] : memref<40x64xi32, #tpu.memory_space<vmem>> -> memref<1x64xi32, #tpu.memory_space<vmem>>
      %dma_start3A_37 = tpu.memref_squeeze %dma_start3A_36 : memref<1x64xi32, #tpu.memory_space<vmem>> -> memref<64xi32, #tpu.memory_space<vmem>>
      %dma_start3A_38 = arith.constant 0 : i32
      %dma_start3A_39 = arith.constant 0 : i32
      %dma_start3A_40 = tpu.memref_slice %arg2[%dma_start3A_38, %dma_start3A_39] : memref<10240x128xf32, #tpu.memory_space<hbm>> -> memref<10240x128xf32, #tpu.memory_space<hbm>>
      tpu.enqueue_indirect_dma source(%dma_start3A_40 : memref<10240x128xf32, #tpu.memory_space<hbm>>) target(%arg12 : memref<64x128xf32, #tpu.memory_space<vmem>>) offsets(%dma_start3A_37 : memref<64xi32, #tpu.memory_space<vmem>>) semaphore(%arg17 : memref<!tpu.dma_semaphore, #tpu.memory_space<semaphore_mem>>)
      %scan3A_41 = arith.constant 0 : i32
      %scan3A_42 = arith.constant 0 : i32
      %scan3A_43 = arith.constant 10 : i32
      %scan3A_44 = arith.addi %scan3A_42, %scan3A_43 : i32
      %scan3A_45 = arith.constant 1 : i32
      scf.for %scan3A_74 = %scan3A_42 to %scan3A_44 step %scan3A_45  : i32 {
        %mul3A_75 = arith.constant 4 : i32
        %mul3A_76 = arith.muli %mul3A_75, %scan3A_74 : i32
        %add3A_77 = arith.constant 0 : i32
        %add3A_78 = arith.addi %mul3A_76, %add3A_77 : i32
        %dma_wait3A_79 = arith.constant 0 : i32
        %dma_wait3A_80 = tpu.memref_slice %arg7[%add3A_78, %dma_wait3A_79] : memref<40x64xi32, #tpu.memory_space<vmem>> -> memref<1x64xi32, #tpu.memory_space<vmem>>
        %dma_wait3A_81 = tpu.memref_squeeze %dma_wait3A_80 : memref<1x64xi32, #tpu.memory_space<vmem>> -> memref<64xi32, #tpu.memory_space<vmem>>
        %dma_wait3A_82 = arith.constant 0 : i32
        %dma_wait3A_83 = arith.constant 0 : i32
        %dma_wait3A_84 = tpu.memref_slice %arg2[%dma_wait3A_82, %dma_wait3A_83] : memref<10240x128xf32, #tpu.memory_space<hbm>> -> memref<10240x128xf32, #tpu.memory_space<hbm>>
        tpu.wait_indirect_dma semaphore(%arg14 : memref<!tpu.dma_semaphore, #tpu.memory_space<semaphore_mem>>) src(%dma_wait3A_84 : memref<10240x128xf32, #tpu.memory_space<hbm>>) dst(%arg9 : memref<64x128xf32, #tpu.memory_space<vmem>>)
        %dma_start3A_85 = arith.constant 0 : i32
        %dma_start3A_86 = tpu.memref_slice %arg8[%add3A_78, %dma_start3A_85] : memref<40x64xi32, #tpu.memory_space<vmem>> -> memref<1x64xi32, #tpu.memory_space<vmem>>
        %dma_start3A_87 = tpu.memref_squeeze %dma_start3A_86 : memref<1x64xi32, #tpu.memory_space<vmem>> -> memref<64xi32, #tpu.memory_space<vmem>>
        %dma_start3A_88 = arith.constant 0 : i32
        %dma_start3A_89 = arith.constant 0 : i32
        %dma_start3A_90 = tpu.memref_slice %arg13[%dma_start3A_88, %dma_start3A_89] : memref<10240x128xf32, #tpu.memory_space<vmem_shared>> -> memref<10240x128xf32, #tpu.memory_space<vmem_shared>>
        tpu.enqueue_indirect_dma source(%arg9 : memref<64x128xf32, #tpu.memory_space<vmem>>) target(%dma_start3A_90 : memref<10240x128xf32, #tpu.memory_space<vmem_shared>>) offsets(%dma_start3A_87 : memref<64xi32, #tpu.memory_space<vmem>>) semaphore(%arg18 : memref<!tpu.dma_semaphore, #tpu.memory_space<semaphore_mem>>) {add = true}
        %add3A_91 = arith.constant 1 : i32
        %add3A_92 = arith.addi %mul3A_76, %add3A_91 : i32
        %dma_wait3A_93 = arith.constant 0 : i32
        %dma_wait3A_94 = tpu.memref_slice %arg7[%add3A_92, %dma_wait3A_93] : memref<40x64xi32, #tpu.memory_space<vmem>> -> memref<1x64xi32, #tpu.memory_space<vmem>>
        %dma_wait3A_95 = tpu.memref_squeeze %dma_wait3A_94 : memref<1x64xi32, #tpu.memory_space<vmem>> -> memref<64xi32, #tpu.memory_space<vmem>>
        %dma_wait3A_96 = arith.constant 0 : i32
        %dma_wait3A_97 = arith.constant 0 : i32
        %dma_wait3A_98 = tpu.memref_slice %arg2[%dma_wait3A_96, %dma_wait3A_97] : memref<10240x128xf32, #tpu.memory_space<hbm>> -> memref<10240x128xf32, #tpu.memory_space<hbm>>
        tpu.wait_indirect_dma semaphore(%arg15 : memref<!tpu.dma_semaphore, #tpu.memory_space<semaphore_mem>>) src(%dma_wait3A_98 : memref<10240x128xf32, #tpu.memory_space<hbm>>) dst(%arg10 : memref<64x128xf32, #tpu.memory_space<vmem>>)
        %dma_start3A_99 = arith.constant 0 : i32
        %dma_start3A_100 = tpu.memref_slice %arg8[%add3A_92, %dma_start3A_99] : memref<40x64xi32, #tpu.memory_space<vmem>> -> memref<1x64xi32, #tpu.memory_space<vmem>>
        %dma_start3A_101 = tpu.memref_squeeze %dma_start3A_100 : memref<1x64xi32, #tpu.memory_space<vmem>> -> memref<64xi32, #tpu.memory_space<vmem>>
        %dma_start3A_102 = arith.constant 0 : i32
        %dma_start3A_103 = arith.constant 0 : i32
        %dma_start3A_104 = tpu.memref_slice %arg13[%dma_start3A_102, %dma_start3A_103] : memref<10240x128xf32, #tpu.memory_space<vmem_shared>> -> memref<10240x128xf32, #tpu.memory_space<vmem_shared>>
        tpu.enqueue_indirect_dma source(%arg10 : memref<64x128xf32, #tpu.memory_space<vmem>>) target(%dma_start3A_104 : memref<10240x128xf32, #tpu.memory_space<vmem_shared>>) offsets(%dma_start3A_101 : memref<64xi32, #tpu.memory_space<vmem>>) semaphore(%arg19 : memref<!tpu.dma_semaphore, #tpu.memory_space<semaphore_mem>>) {add = true}
        %add3A_105 = arith.constant 2 : i32
        %add3A_106 = arith.addi %mul3A_76, %add3A_105 : i32
        %dma_wait3A_107 = arith.constant 0 : i32
        %dma_wait3A_108 = tpu.memref_slice %arg7[%add3A_106, %dma_wait3A_107] : memref<40x64xi32, #tpu.memory_space<vmem>> -> memref<1x64xi32, #tpu.memory_space<vmem>>
        %dma_wait3A_109 = tpu.memref_squeeze %dma_wait3A_108 : memref<1x64xi32, #tpu.memory_space<vmem>> -> memref<64xi32, #tpu.memory_space<vmem>>
        %dma_wait3A_110 = arith.constant 0 : i32
        %dma_wait3A_111 = arith.constant 0 : i32
        %dma_wait3A_112 = tpu.memref_slice %arg2[%dma_wait3A_110, %dma_wait3A_111] : memref<10240x128xf32, #tpu.memory_space<hbm>> -> memref<10240x128xf32, #tpu.memory_space<hbm>>
        tpu.wait_indirect_dma semaphore(%arg16 : memref<!tpu.dma_semaphore, #tpu.memory_space<semaphore_mem>>) src(%dma_wait3A_112 : memref<10240x128xf32, #tpu.memory_space<hbm>>) dst(%arg11 : memref<64x128xf32, #tpu.memory_space<vmem>>)
        %dma_start3A_113 = arith.constant 0 : i32
        %dma_start3A_114 = tpu.memref_slice %arg8[%add3A_106, %dma_start3A_113] : memref<40x64xi32, #tpu.memory_space<vmem>> -> memref<1x64xi32, #tpu.memory_space<vmem>>
        %dma_start3A_115 = tpu.memref_squeeze %dma_start3A_114 : memref<1x64xi32, #tpu.memory_space<vmem>> -> memref<64xi32, #tpu.memory_space<vmem>>
        %dma_start3A_116 = arith.constant 0 : i32
        %dma_start3A_117 = arith.constant 0 : i32
        %dma_start3A_118 = tpu.memref_slice %arg13[%dma_start3A_116, %dma_start3A_117] : memref<10240x128xf32, #tpu.memory_space<vmem_shared>> -> memref<10240x128xf32, #tpu.memory_space<vmem_shared>>
        tpu.enqueue_indirect_dma source(%arg11 : memref<64x128xf32, #tpu.memory_space<vmem>>) target(%dma_start3A_118 : memref<10240x128xf32, #tpu.memory_space<vmem_shared>>) offsets(%dma_start3A_115 : memref<64xi32, #tpu.memory_space<vmem>>) semaphore(%arg20 : memref<!tpu.dma_semaphore, #tpu.memory_space<semaphore_mem>>) {add = true}
        %add3A_119 = arith.constant 3 : i32
        %add3A_120 = arith.addi %mul3A_76, %add3A_119 : i32
        %dma_wait3A_121 = arith.constant 0 : i32
        %dma_wait3A_122 = tpu.memref_slice %arg7[%add3A_120, %dma_wait3A_121] : memref<40x64xi32, #tpu.memory_space<vmem>> -> memref<1x64xi32, #tpu.memory_space<vmem>>
        %dma_wait3A_123 = tpu.memref_squeeze %dma_wait3A_122 : memref<1x64xi32, #tpu.memory_space<vmem>> -> memref<64xi32, #tpu.memory_space<vmem>>
        %dma_wait3A_124 = arith.constant 0 : i32
        %dma_wait3A_125 = arith.constant 0 : i32
        %dma_wait3A_126 = tpu.memref_slice %arg2[%dma_wait3A_124, %dma_wait3A_125] : memref<10240x128xf32, #tpu.memory_space<hbm>> -> memref<10240x128xf32, #tpu.memory_space<hbm>>
        tpu.wait_indirect_dma semaphore(%arg17 : memref<!tpu.dma_semaphore, #tpu.memory_space<semaphore_mem>>) src(%dma_wait3A_126 : memref<10240x128xf32, #tpu.memory_space<hbm>>) dst(%arg12 : memref<64x128xf32, #tpu.memory_space<vmem>>)
        %dma_start3A_127 = arith.constant 0 : i32
        %dma_start3A_128 = tpu.memref_slice %arg8[%add3A_120, %dma_start3A_127] : memref<40x64xi32, #tpu.memory_space<vmem>> -> memref<1x64xi32, #tpu.memory_space<vmem>>
        %dma_start3A_129 = tpu.memref_squeeze %dma_start3A_128 : memref<1x64xi32, #tpu.memory_space<vmem>> -> memref<64xi32, #tpu.memory_space<vmem>>
        %dma_start3A_130 = arith.constant 0 : i32
        %dma_start3A_131 = arith.constant 0 : i32
        %dma_start3A_132 = tpu.memref_slice %arg13[%dma_start3A_130, %dma_start3A_131] : memref<10240x128xf32, #tpu.memory_space<vmem_shared>> -> memref<10240x128xf32, #tpu.memory_space<vmem_shared>>
        tpu.enqueue_indirect_dma source(%arg12 : memref<64x128xf32, #tpu.memory_space<vmem>>) target(%dma_start3A_132 : memref<10240x128xf32, #tpu.memory_space<vmem_shared>>) offsets(%dma_start3A_129 : memref<64xi32, #tpu.memory_space<vmem>>) semaphore(%arg21 : memref<!tpu.dma_semaphore, #tpu.memory_space<semaphore_mem>>) {add = true}
        %add3A_133 = arith.constant 0 : i32
        %add3A_134 = arith.addi %mul3A_76, %add3A_133 : i32
        %add3A_135 = arith.constant 4 : i32
        %add3A_136 = arith.addi %add3A_134, %add3A_135 : i32
        %lt3A = arith.constant 40 : i32
        %lt3A_137 = arith.cmpi slt, %add3A_136, %lt3A : i32
        %convert_element_type3A = arith.extui %lt3A_137 : i1 to i32
        %cond3A = arith.constant 0 : i32
        %cond3A_138 = arith.cmpi ne, %convert_element_type3A, %cond3A : i32
        scf.if %cond3A_138 {
          %add3A_166 = arith.constant 0 : i32
          %add3A_167 = arith.addi %mul3A_76, %add3A_166 : i32
          %dma_wait3A_168 = arith.constant 0 : i32
          %dma_wait3A_169 = tpu.memref_slice %arg8[%add3A_167, %dma_wait3A_168] : memref<40x64xi32, #tpu.memory_space<vmem>> -> memref<1x64xi32, #tpu.memory_space<vmem>>
          %dma_wait3A_170 = tpu.memref_squeeze %dma_wait3A_169 : memref<1x64xi32, #tpu.memory_space<vmem>> -> memref<64xi32, #tpu.memory_space<vmem>>
          %dma_wait3A_171 = arith.constant 0 : i32
          %dma_wait3A_172 = arith.constant 0 : i32
          %dma_wait3A_173 = tpu.memref_slice %arg13[%dma_wait3A_171, %dma_wait3A_172] : memref<10240x128xf32, #tpu.memory_space<vmem_shared>> -> memref<10240x128xf32, #tpu.memory_space<vmem_shared>>
          tpu.wait_indirect_dma semaphore(%arg18 : memref<!tpu.dma_semaphore, #tpu.memory_space<semaphore_mem>>) src(%arg9 : memref<64x128xf32, #tpu.memory_space<vmem>>) dst(%dma_wait3A_173 : memref<10240x128xf32, #tpu.memory_space<vmem_shared>>)
          %dma_start3A_174 = arith.constant 0 : i32
          %dma_start3A_175 = tpu.memref_slice %arg7[%add3A_136, %dma_start3A_174] : memref<40x64xi32, #tpu.memory_space<vmem>> -> memref<1x64xi32, #tpu.memory_space<vmem>>
          %dma_start3A_176 = tpu.memref_squeeze %dma_start3A_175 : memref<1x64xi32, #tpu.memory_space<vmem>> -> memref<64xi32, #tpu.memory_space<vmem>>
          %dma_start3A_177 = arith.constant 0 : i32
          %dma_start3A_178 = arith.constant 0 : i32
          %dma_start3A_179 = tpu.memref_slice %arg2[%dma_start3A_177, %dma_start3A_178] : memref<10240x128xf32, #tpu.memory_space<hbm>> -> memref<10240x128xf32, #tpu.memory_space<hbm>>
          tpu.enqueue_indirect_dma source(%dma_start3A_179 : memref<10240x128xf32, #tpu.memory_space<hbm>>) target(%arg9 : memref<64x128xf32, #tpu.memory_space<vmem>>) offsets(%dma_start3A_176 : memref<64xi32, #tpu.memory_space<vmem>>) semaphore(%arg14 : memref<!tpu.dma_semaphore, #tpu.memory_space<semaphore_mem>>)
        } else {
        }
        %add3A_139 = arith.constant 1 : i32
        %add3A_140 = arith.addi %mul3A_76, %add3A_139 : i32
        %add3A_141 = arith.constant 4 : i32
        %add3A_142 = arith.addi %add3A_140, %add3A_141 : i32
        %lt3A_143 = arith.constant 40 : i32
        %lt3A_144 = arith.cmpi slt, %add3A_142, %lt3A_143 : i32
        %convert_element_type3A_145 = arith.extui %lt3A_144 : i1 to i32
        %cond3A_146 = arith.constant 0 : i32
        %cond3A_147 = arith.cmpi ne, %convert_element_type3A_145, %cond3A_146 : i32
        scf.if %cond3A_147 {
          %add3A_166 = arith.constant 1 : i32
          %add3A_167 = arith.addi %mul3A_76, %add3A_166 : i32
          %dma_wait3A_168 = arith.constant 0 : i32
          %dma_wait3A_169 = tpu.memref_slice %arg8[%add3A_167, %dma_wait3A_168] : memref<40x64xi32, #tpu.memory_space<vmem>> -> memref<1x64xi32, #tpu.memory_space<vmem>>
          %dma_wait3A_170 = tpu.memref_squeeze %dma_wait3A_169 : memref<1x64xi32, #tpu.memory_space<vmem>> -> memref<64xi32, #tpu.memory_space<vmem>>
          %dma_wait3A_171 = arith.constant 0 : i32
          %dma_wait3A_172 = arith.constant 0 : i32
          %dma_wait3A_173 = tpu.memref_slice %arg13[%dma_wait3A_171, %dma_wait3A_172] : memref<10240x128xf32, #tpu.memory_space<vmem_shared>> -> memref<10240x128xf32, #tpu.memory_space<vmem_shared>>
          tpu.wait_indirect_dma semaphore(%arg19 : memref<!tpu.dma_semaphore, #tpu.memory_space<semaphore_mem>>) src(%arg10 : memref<64x128xf32, #tpu.memory_space<vmem>>) dst(%dma_wait3A_173 : memref<10240x128xf32, #tpu.memory_space<vmem_shared>>)
          %dma_start3A_174 = arith.constant 0 : i32
          %dma_start3A_175 = tpu.memref_slice %arg7[%add3A_142, %dma_start3A_174] : memref<40x64xi32, #tpu.memory_space<vmem>> -> memref<1x64xi32, #tpu.memory_space<vmem>>
          %dma_start3A_176 = tpu.memref_squeeze %dma_start3A_175 : memref<1x64xi32, #tpu.memory_space<vmem>> -> memref<64xi32, #tpu.memory_space<vmem>>
          %dma_start3A_177 = arith.constant 0 : i32
          %dma_start3A_178 = arith.constant 0 : i32
          %dma_start3A_179 = tpu.memref_slice %arg2[%dma_start3A_177, %dma_start3A_178] : memref<10240x128xf32, #tpu.memory_space<hbm>> -> memref<10240x128xf32, #tpu.memory_space<hbm>>
          tpu.enqueue_indirect_dma source(%dma_start3A_179 : memref<10240x128xf32, #tpu.memory_space<hbm>>) target(%arg10 : memref<64x128xf32, #tpu.memory_space<vmem>>) offsets(%dma_start3A_176 : memref<64xi32, #tpu.memory_space<vmem>>) semaphore(%arg15 : memref<!tpu.dma_semaphore, #tpu.memory_space<semaphore_mem>>)
        } else {
        }
        %add3A_148 = arith.constant 2 : i32
        %add3A_149 = arith.addi %mul3A_76, %add3A_148 : i32
        %add3A_150 = arith.constant 4 : i32
        %add3A_151 = arith.addi %add3A_149, %add3A_150 : i32
        %lt3A_152 = arith.constant 40 : i32
        %lt3A_153 = arith.cmpi slt, %add3A_151, %lt3A_152 : i32
        %convert_element_type3A_154 = arith.extui %lt3A_153 : i1 to i32
        %cond3A_155 = arith.constant 0 : i32
        %cond3A_156 = arith.cmpi ne, %convert_element_type3A_154, %cond3A_155 : i32
        scf.if %cond3A_156 {
          %add3A_166 = arith.constant 2 : i32
          %add3A_167 = arith.addi %mul3A_76, %add3A_166 : i32
          %dma_wait3A_168 = arith.constant 0 : i32
          %dma_wait3A_169 = tpu.memref_slice %arg8[%add3A_167, %dma_wait3A_168] : memref<40x64xi32, #tpu.memory_space<vmem>> -> memref<1x64xi32, #tpu.memory_space<vmem>>
          %dma_wait3A_170 = tpu.memref_squeeze %dma_wait3A_169 : memref<1x64xi32, #tpu.memory_space<vmem>> -> memref<64xi32, #tpu.memory_space<vmem>>
          %dma_wait3A_171 = arith.constant 0 : i32
          %dma_wait3A_172 = arith.constant 0 : i32
          %dma_wait3A_173 = tpu.memref_slice %arg13[%dma_wait3A_171, %dma_wait3A_172] : memref<10240x128xf32, #tpu.memory_space<vmem_shared>> -> memref<10240x128xf32, #tpu.memory_space<vmem_shared>>
          tpu.wait_indirect_dma semaphore(%arg20 : memref<!tpu.dma_semaphore, #tpu.memory_space<semaphore_mem>>) src(%arg11 : memref<64x128xf32, #tpu.memory_space<vmem>>) dst(%dma_wait3A_173 : memref<10240x128xf32, #tpu.memory_space<vmem_shared>>)
          %dma_start3A_174 = arith.constant 0 : i32
          %dma_start3A_175 = tpu.memref_slice %arg7[%add3A_151, %dma_start3A_174] : memref<40x64xi32, #tpu.memory_space<vmem>> -> memref<1x64xi32, #tpu.memory_space<vmem>>
          %dma_start3A_176 = tpu.memref_squeeze %dma_start3A_175 : memref<1x64xi32, #tpu.memory_space<vmem>> -> memref<64xi32, #tpu.memory_space<vmem>>
          %dma_start3A_177 = arith.constant 0 : i32
          %dma_start3A_178 = arith.constant 0 : i32
          %dma_start3A_179 = tpu.memref_slice %arg2[%dma_start3A_177, %dma_start3A_178] : memref<10240x128xf32, #tpu.memory_space<hbm>> -> memref<10240x128xf32, #tpu.memory_space<hbm>>
          tpu.enqueue_indirect_dma source(%dma_start3A_179 : memref<10240x128xf32, #tpu.memory_space<hbm>>) target(%arg11 : memref<64x128xf32, #tpu.memory_space<vmem>>) offsets(%dma_start3A_176 : memref<64xi32, #tpu.memory_space<vmem>>) semaphore(%arg16 : memref<!tpu.dma_semaphore, #tpu.memory_space<semaphore_mem>>)
        } else {
        }
        %add3A_157 = arith.constant 3 : i32
        %add3A_158 = arith.addi %mul3A_76, %add3A_157 : i32
        %add3A_159 = arith.constant 4 : i32
        %add3A_160 = arith.addi %add3A_158, %add3A_159 : i32
        %lt3A_161 = arith.constant 40 : i32
        %lt3A_162 = arith.cmpi slt, %add3A_160, %lt3A_161 : i32
        %convert_element_type3A_163 = arith.extui %lt3A_162 : i1 to i32
        %cond3A_164 = arith.constant 0 : i32
        %cond3A_165 = arith.cmpi ne, %convert_element_type3A_163, %cond3A_164 : i32
        scf.if %cond3A_165 {
          %add3A_166 = arith.constant 3 : i32
          %add3A_167 = arith.addi %mul3A_76, %add3A_166 : i32
          %dma_wait3A_168 = arith.constant 0 : i32
          %dma_wait3A_169 = tpu.memref_slice %arg8[%add3A_167, %dma_wait3A_168] : memref<40x64xi32, #tpu.memory_space<vmem>> -> memref<1x64xi32, #tpu.memory_space<vmem>>
          %dma_wait3A_170 = tpu.memref_squeeze %dma_wait3A_169 : memref<1x64xi32, #tpu.memory_space<vmem>> -> memref<64xi32, #tpu.memory_space<vmem>>
          %dma_wait3A_171 = arith.constant 0 : i32
          %dma_wait3A_172 = arith.constant 0 : i32
          %dma_wait3A_173 = tpu.memref_slice %arg13[%dma_wait3A_171, %dma_wait3A_172] : memref<10240x128xf32, #tpu.memory_space<vmem_shared>> -> memref<10240x128xf32, #tpu.memory_space<vmem_shared>>
          tpu.wait_indirect_dma semaphore(%arg21 : memref<!tpu.dma_semaphore, #tpu.memory_space<semaphore_mem>>) src(%arg12 : memref<64x128xf32, #tpu.memory_space<vmem>>) dst(%dma_wait3A_173 : memref<10240x128xf32, #tpu.memory_space<vmem_shared>>)
          %dma_start3A_174 = arith.constant 0 : i32
          %dma_start3A_175 = tpu.memref_slice %arg7[%add3A_160, %dma_start3A_174] : memref<40x64xi32, #tpu.memory_space<vmem>> -> memref<1x64xi32, #tpu.memory_space<vmem>>
          %dma_start3A_176 = tpu.memref_squeeze %dma_start3A_175 : memref<1x64xi32, #tpu.memory_space<vmem>> -> memref<64xi32, #tpu.memory_space<vmem>>
          %dma_start3A_177 = arith.constant 0 : i32
          %dma_start3A_178 = arith.constant 0 : i32
          %dma_start3A_179 = tpu.memref_slice %arg2[%dma_start3A_177, %dma_start3A_178] : memref<10240x128xf32, #tpu.memory_space<hbm>> -> memref<10240x128xf32, #tpu.memory_space<hbm>>
          tpu.enqueue_indirect_dma source(%dma_start3A_179 : memref<10240x128xf32, #tpu.memory_space<hbm>>) target(%arg12 : memref<64x128xf32, #tpu.memory_space<vmem>>) offsets(%dma_start3A_176 : memref<64xi32, #tpu.memory_space<vmem>>) semaphore(%arg17 : memref<!tpu.dma_semaphore, #tpu.memory_space<semaphore_mem>>)
        } else {
        }
      }
      %scan3A_46 = arith.constant 10 : i32
      %dma_wait3A = arith.constant 36 : i32
      %dma_wait3A_47 = arith.constant 0 : i32
      %dma_wait3A_48 = tpu.memref_slice %arg8[%dma_wait3A, %dma_wait3A_47] : memref<40x64xi32, #tpu.memory_space<vmem>> -> memref<1x64xi32, #tpu.memory_space<vmem>>
      %dma_wait3A_49 = tpu.memref_squeeze %dma_wait3A_48 : memref<1x64xi32, #tpu.memory_space<vmem>> -> memref<64xi32, #tpu.memory_space<vmem>>
      %dma_wait3A_50 = arith.constant 0 : i32
      %dma_wait3A_51 = arith.constant 0 : i32
      %dma_wait3A_52 = tpu.memref_slice %arg13[%dma_wait3A_50, %dma_wait3A_51] : memref<10240x128xf32, #tpu.memory_space<vmem_shared>> -> memref<10240x128xf32, #tpu.memory_space<vmem_shared>>
      tpu.wait_indirect_dma semaphore(%arg18 : memref<!tpu.dma_semaphore, #tpu.memory_space<semaphore_mem>>) src(%arg9 : memref<64x128xf32, #tpu.memory_space<vmem>>) dst(%dma_wait3A_52 : memref<10240x128xf32, #tpu.memory_space<vmem_shared>>)
      %dma_wait3A_53 = arith.constant 37 : i32
      %dma_wait3A_54 = arith.constant 0 : i32
      %dma_wait3A_55 = tpu.memref_slice %arg8[%dma_wait3A_53, %dma_wait3A_54] : memref<40x64xi32, #tpu.memory_space<vmem>> -> memref<1x64xi32, #tpu.memory_space<vmem>>
      %dma_wait3A_56 = tpu.memref_squeeze %dma_wait3A_55 : memref<1x64xi32, #tpu.memory_space<vmem>> -> memref<64xi32, #tpu.memory_space<vmem>>
      %dma_wait3A_57 = arith.constant 0 : i32
      %dma_wait3A_58 = arith.constant 0 : i32
      %dma_wait3A_59 = tpu.memref_slice %arg13[%dma_wait3A_57, %dma_wait3A_58] : memref<10240x128xf32, #tpu.memory_space<vmem_shared>> -> memref<10240x128xf32, #tpu.memory_space<vmem_shared>>
      tpu.wait_indirect_dma semaphore(%arg19 : memref<!tpu.dma_semaphore, #tpu.memory_space<semaphore_mem>>) src(%arg10 : memref<64x128xf32, #tpu.memory_space<vmem>>) dst(%dma_wait3A_59 : memref<10240x128xf32, #tpu.memory_space<vmem_shared>>)
      %dma_wait3A_60 = arith.constant 38 : i32
      %dma_wait3A_61 = arith.constant 0 : i32
      %dma_wait3A_62 = tpu.memref_slice %arg8[%dma_wait3A_60, %dma_wait3A_61] : memref<40x64xi32, #tpu.memory_space<vmem>> -> memref<1x64xi32, #tpu.memory_space<vmem>>
      %dma_wait3A_63 = tpu.memref_squeeze %dma_wait3A_62 : memref<1x64xi32, #tpu.memory_space<vmem>> -> memref<64xi32, #tpu.memory_space<vmem>>
      %dma_wait3A_64 = arith.constant 0 : i32
      %dma_wait3A_65 = arith.constant 0 : i32
      %dma_wait3A_66 = tpu.memref_slice %arg13[%dma_wait3A_64, %dma_wait3A_65] : memref<10240x128xf32, #tpu.memory_space<vmem_shared>> -> memref<10240x128xf32, #tpu.memory_space<vmem_shared>>
      tpu.wait_indirect_dma semaphore(%arg20 : memref<!tpu.dma_semaphore, #tpu.memory_space<semaphore_mem>>) src(%arg11 : memref<64x128xf32, #tpu.memory_space<vmem>>) dst(%dma_wait3A_66 : memref<10240x128xf32, #tpu.memory_space<vmem_shared>>)
      %dma_wait3A_67 = arith.constant 39 : i32
      %dma_wait3A_68 = arith.constant 0 : i32
      %dma_wait3A_69 = tpu.memref_slice %arg8[%dma_wait3A_67, %dma_wait3A_68] : memref<40x64xi32, #tpu.memory_space<vmem>> -> memref<1x64xi32, #tpu.memory_space<vmem>>
      %dma_wait3A_70 = tpu.memref_squeeze %dma_wait3A_69 : memref<1x64xi32, #tpu.memory_space<vmem>> -> memref<64xi32, #tpu.memory_space<vmem>>
      %dma_wait3A_71 = arith.constant 0 : i32
      %dma_wait3A_72 = arith.constant 0 : i32
      %dma_wait3A_73 = tpu.memref_slice %arg13[%dma_wait3A_71, %dma_wait3A_72] : memref<10240x128xf32, #tpu.memory_space<vmem_shared>> -> memref<10240x128xf32, #tpu.memory_space<vmem_shared>>
      tpu.wait_indirect_dma semaphore(%arg21 : memref<!tpu.dma_semaphore, #tpu.memory_space<semaphore_mem>>) src(%arg12 : memref<64x128xf32, #tpu.memory_space<vmem>>) dst(%dma_wait3A_73 : memref<10240x128xf32, #tpu.memory_space<vmem_shared>>)
    }
    %scan3A_7 = arith.constant 4 : i32
    "tpu.trace_stop"() : () -> ()
    "tpu.trace_start"() <{level = 10 : i32, message = "writeout_phase"}> : () -> ()
    %barrier3A_8 = arith.constant 0 : index
    tpu.barrier barrier_id(%barrier3A_8)
    "tpu.region"() ({
      %run_scoped3A = tpu.sem_alloc : memref<!tpu.dma_semaphore, #tpu.memory_space<semaphore_mem>>
      %dma_start3A = arith.constant 0 : i32
      %dma_start3A_9 = tpu.memref_slice %arg6[%arg0, %mul3A_2, %dma_start3A] : memref<2x10240x128xf32, #tpu.memory_space<hbm>> -> memref<1x640x128xf32, #tpu.memory_space<hbm>>
      %dma_start3A_10 = tpu.memref_squeeze %dma_start3A_9 : memref<1x640x128xf32, #tpu.memory_space<hbm>> -> memref<640x128xf32, #tpu.memory_space<hbm>>
      %dma_start3A_11 = arith.constant 0 : i32
      %dma_start3A_12 = tpu.memref_slice %arg13[%mul3A_2, %dma_start3A_11] : memref<10240x128xf32, #tpu.memory_space<vmem_shared>> -> memref<640x128xf32, #tpu.memory_space<vmem_shared>>
      tpu.enqueue_dma source(%dma_start3A_12 : memref<640x128xf32, #tpu.memory_space<vmem_shared>>) target(%dma_start3A_10 : memref<640x128xf32, #tpu.memory_space<hbm>>) target_semaphore(%run_scoped3A : memref<!tpu.dma_semaphore, #tpu.memory_space<semaphore_mem>>)
      %dma_wait3A = arith.constant 0 : i32
      %dma_wait3A_13 = tpu.memref_slice %arg6[%arg0, %mul3A_2, %dma_wait3A] : memref<2x10240x128xf32, #tpu.memory_space<hbm>> -> memref<1x640x128xf32, #tpu.memory_space<hbm>>
      %dma_wait3A_14 = tpu.memref_squeeze %dma_wait3A_13 : memref<1x640x128xf32, #tpu.memory_space<hbm>> -> memref<640x128xf32, #tpu.memory_space<hbm>>
      %dma_wait3A_15 = arith.constant 0 : i32
      %dma_wait3A_16 = tpu.memref_slice %arg13[%mul3A_2, %dma_wait3A_15] : memref<10240x128xf32, #tpu.memory_space<vmem_shared>> -> memref<640x128xf32, #tpu.memory_space<vmem_shared>>
      tpu.wait_dma2 semaphore(%run_scoped3A : memref<!tpu.dma_semaphore, #tpu.memory_space<semaphore_mem>>) src(%dma_wait3A_16 : memref<640x128xf32, #tpu.memory_space<vmem_shared>>) dst(%dma_wait3A_14 : memref<640x128xf32, #tpu.memory_space<hbm>>)
      tpu.yield
    }) : () -> ()
    "tpu.trace_stop"() : () -> ()
    return
  }
}

#map = affine_map<(d0, d1) -> (0, 0)>
#map1 = affine_map<(d0, d1) -> (0, 0, 0)>
module attributes {stable_mosaic.version = 14 : i64} {
  func.func @_sc_spmm(%arg0: i32, %arg1: i32, %arg2: memref<10240x128xf32, #tpu.memory_space<hbm>>, %arg3: memref<32x160x64xi32, #tpu.memory_space<hbm>>, %arg4: memref<32x160x64xi32, #tpu.memory_space<hbm>>, %arg5: memref<640x128xf32, #tpu.memory_space<hbm>>, %arg6: memref<2x10240x128xf32, #tpu.memory_space<hbm>>, %arg7: memref<40x64xi32, #tpu.memory_space<vmem>>, %arg8: memref<40x64xi32, #tpu.memory_space<vmem>>, %arg9: memref<64x128xf32, #tpu.memory_space<vmem>>, %arg10: memref<64x128xf32, #tpu.memory_space<vmem>>, %arg11: memref<64x128xf32, #tpu.memory_space<vmem>>, %arg12: memref<64x128xf32, #tpu.memory_space<vmem>>, %arg13: memref<10240x128xf32, #tpu.memory_space<vmem_shared>>, %arg14: memref<!tpu.dma_semaphore, #tpu.memory_space<semaphore_mem>>, %arg15: memref<!tpu.dma_semaphore, #tpu.memory_space<semaphore_mem>>, %arg16: memref<!tpu.dma_semaphore, #tpu.memory_space<semaphore_mem>>, %arg17: memref<!tpu.dma_semaphore, #tpu.memory_space<semaphore_mem>>, %arg18: memref<!tpu.dma_semaphore, #tpu.memory_space<semaphore_mem>>, %arg19: memref<!tpu.dma_semaphore, #tpu.memory_space<semaphore_mem>>, %arg20: memref<!tpu.dma_semaphore, #tpu.memory_space<semaphore_mem>>, %arg21: memref<!tpu.dma_semaphore, #tpu.memory_space<semaphore_mem>>) attributes {dimension_semantics = [#tpu.dimension_semantics<core_parallel>, #tpu.dimension_semantics<subcore_parallel>], iteration_bounds = array<i64: 2, 16>, scalar_prefetch = 0 : i64, scratch_operands = 15 : i64, tpu.core_type = #tpu.core_type<sc_vector_subcore>, window_params = [{transform_indices = #map}, {transform_indices = #map1}, {transform_indices = #map1}, {transform_indices = #map}, {transform_indices = #map1}]} {
    %mul3A = arith.constant 2 : i32
    %mul3A_0 = arith.muli %arg1, %mul3A : i32
    %add3A = arith.addi %mul3A_0, %arg0 : i32
    "tpu.trace_start"() <{level = 10 : i32, message = "zero_phase"}> : () -> ()
    %mul3A_1 = arith.constant 640 : i32
    %mul3A_2 = arith.muli %arg1, %mul3A_1 : i32
    "tpu.region"() ({
      %run_scoped3A = tpu.sem_alloc : memref<!tpu.dma_semaphore, #tpu.memory_space<semaphore_mem>>
      %dma_start3A = arith.constant 0 : i32
      %dma_start3A_9 = tpu.memref_slice %arg13[%mul3A_2, %dma_start3A] : memref<10240x128xf32, #tpu.memory_space<vmem_shared>> -> memref<640x128xf32, #tpu.memory_space<vmem_shared>>
      tpu.enqueue_dma source(%arg5 : memref<640x128xf32, #tpu.memory_space<hbm>>) target(%dma_start3A_9 : memref<640x128xf32, #tpu.memory_space<vmem_shared>>) target_semaphore(%run_scoped3A : memref<!tpu.dma_semaphore, #tpu.memory_space<semaphore_mem>>)
      %dma_wait3A = arith.constant 0 : i32
      %dma_wait3A_10 = tpu.memref_slice %arg13[%mul3A_2, %dma_wait3A] : memref<10240x128xf32, #tpu.memory_space<vmem_shared>> -> memref<640x128xf32, #tpu.memory_space<vmem_shared>>
      tpu.wait_dma2 semaphore(%run_scoped3A : memref<!tpu.dma_semaphore, #tpu.memory_space<semaphore_mem>>) src(%arg5 : memref<640x128xf32, #tpu.memory_space<hbm>>) dst(%dma_wait3A_10 : memref<640x128xf32, #tpu.memory_space<vmem_shared>>)
      tpu.yield
    }) : () -> ()
    %barrier3A = arith.constant 0 : index
    tpu.barrier barrier_id(%barrier3A)
    "tpu.trace_stop"() : () -> ()
    "tpu.trace_start"() <{level = 10 : i32, message = "edge_phase"}> : () -> ()
    %scan3A = arith.constant 0 : i32
    %scan3A_3 = arith.constant 0 : i32
    %scan3A_4 = arith.constant 4 : i32
    %scan3A_5 = arith.addi %scan3A_3, %scan3A_4 : i32
    %scan3A_6 = arith.constant 1 : i32
    scf.for %scan3A_9 = %scan3A_3 to %scan3A_5 step %scan3A_6  : i32 {
      %mul3A_10 = arith.constant 40 : i32
      %mul3A_11 = arith.muli %scan3A_9, %mul3A_10 : i32
      "tpu.region"() ({
        %run_scoped3A = tpu.sem_alloc : memref<!tpu.dma_semaphore, #tpu.memory_space<semaphore_mem>>
        %dma_start3A_74 = arith.constant 0 : i32
        %dma_start3A_75 = tpu.memref_slice %arg3[%add3A, %mul3A_11, %dma_start3A_74] : memref<32x160x64xi32, #tpu.memory_space<hbm>> -> memref<1x40x64xi32, #tpu.memory_space<hbm>>
        %dma_start3A_76 = tpu.memref_squeeze %dma_start3A_75 : memref<1x40x64xi32, #tpu.memory_space<hbm>> -> memref<40x64xi32, #tpu.memory_space<hbm>>
        %dma_start3A_77 = arith.constant 0 : i32
        %dma_start3A_78 = tpu.memref_slice %arg3[%add3A, %mul3A_11, %dma_start3A_77] : memref<32x160x64xi32, #tpu.memory_space<hbm>> -> memref<1x40x64xi32, #tpu.memory_space<hbm>>
        %dma_start3A_79 = tpu.memref_squeeze %dma_start3A_78 : memref<1x40x64xi32, #tpu.memory_space<hbm>> -> memref<40x64xi32, #tpu.memory_space<hbm>>
        tpu.enqueue_dma source(%dma_start3A_79 : memref<40x64xi32, #tpu.memory_space<hbm>>) target(%arg7 : memref<40x64xi32, #tpu.memory_space<vmem>>) target_semaphore(%run_scoped3A : memref<!tpu.dma_semaphore, #tpu.memory_space<semaphore_mem>>)
        %dma_wait3A_80 = arith.constant 0 : i32
        %dma_wait3A_81 = tpu.memref_slice %arg3[%add3A, %mul3A_11, %dma_wait3A_80] : memref<32x160x64xi32, #tpu.memory_space<hbm>> -> memref<1x40x64xi32, #tpu.memory_space<hbm>>
        %dma_wait3A_82 = tpu.memref_squeeze %dma_wait3A_81 : memref<1x40x64xi32, #tpu.memory_space<hbm>> -> memref<40x64xi32, #tpu.memory_space<hbm>>
        %dma_wait3A_83 = arith.constant 0 : i32
        %dma_wait3A_84 = tpu.memref_slice %arg3[%add3A, %mul3A_11, %dma_wait3A_83] : memref<32x160x64xi32, #tpu.memory_space<hbm>> -> memref<1x40x64xi32, #tpu.memory_space<hbm>>
        %dma_wait3A_85 = tpu.memref_squeeze %dma_wait3A_84 : memref<1x40x64xi32, #tpu.memory_space<hbm>> -> memref<40x64xi32, #tpu.memory_space<hbm>>
        tpu.wait_dma2 semaphore(%run_scoped3A : memref<!tpu.dma_semaphore, #tpu.memory_space<semaphore_mem>>) src(%dma_wait3A_85 : memref<40x64xi32, #tpu.memory_space<hbm>>) dst(%arg7 : memref<40x64xi32, #tpu.memory_space<vmem>>)
        tpu.yield
      }) : () -> ()
      %mul3A_12 = arith.constant 40 : i32
      %mul3A_13 = arith.muli %scan3A_9, %mul3A_12 : i32
      "tpu.region"() ({
        %run_scoped3A = tpu.sem_alloc : memref<!tpu.dma_semaphore, #tpu.memory_space<semaphore_mem>>
        %dma_start3A_74 = arith.constant 0 : i32
        %dma_start3A_75 = tpu.memref_slice %arg4[%add3A, %mul3A_13, %dma_start3A_74] : memref<32x160x64xi32, #tpu.memory_space<hbm>> -> memref<1x40x64xi32, #tpu.memory_space<hbm>>
        %dma_start3A_76 = tpu.memref_squeeze %dma_start3A_75 : memref<1x40x64xi32, #tpu.memory_space<hbm>> -> memref<40x64xi32, #tpu.memory_space<hbm>>
        %dma_start3A_77 = arith.constant 0 : i32
        %dma_start3A_78 = tpu.memref_slice %arg4[%add3A, %mul3A_13, %dma_start3A_77] : memref<32x160x64xi32, #tpu.memory_space<hbm>> -> memref<1x40x64xi32, #tpu.memory_space<hbm>>
        %dma_start3A_79 = tpu.memref_squeeze %dma_start3A_78 : memref<1x40x64xi32, #tpu.memory_space<hbm>> -> memref<40x64xi32, #tpu.memory_space<hbm>>
        tpu.enqueue_dma source(%dma_start3A_79 : memref<40x64xi32, #tpu.memory_space<hbm>>) target(%arg8 : memref<40x64xi32, #tpu.memory_space<vmem>>) target_semaphore(%run_scoped3A : memref<!tpu.dma_semaphore, #tpu.memory_space<semaphore_mem>>)
        %dma_wait3A_80 = arith.constant 0 : i32
        %dma_wait3A_81 = tpu.memref_slice %arg4[%add3A, %mul3A_13, %dma_wait3A_80] : memref<32x160x64xi32, #tpu.memory_space<hbm>> -> memref<1x40x64xi32, #tpu.memory_space<hbm>>
        %dma_wait3A_82 = tpu.memref_squeeze %dma_wait3A_81 : memref<1x40x64xi32, #tpu.memory_space<hbm>> -> memref<40x64xi32, #tpu.memory_space<hbm>>
        %dma_wait3A_83 = arith.constant 0 : i32
        %dma_wait3A_84 = tpu.memref_slice %arg4[%add3A, %mul3A_13, %dma_wait3A_83] : memref<32x160x64xi32, #tpu.memory_space<hbm>> -> memref<1x40x64xi32, #tpu.memory_space<hbm>>
        %dma_wait3A_85 = tpu.memref_squeeze %dma_wait3A_84 : memref<1x40x64xi32, #tpu.memory_space<hbm>> -> memref<40x64xi32, #tpu.memory_space<hbm>>
        tpu.wait_dma2 semaphore(%run_scoped3A : memref<!tpu.dma_semaphore, #tpu.memory_space<semaphore_mem>>) src(%dma_wait3A_85 : memref<40x64xi32, #tpu.memory_space<hbm>>) dst(%arg8 : memref<40x64xi32, #tpu.memory_space<vmem>>)
        tpu.yield
      }) : () -> ()
      %dma_start3A = arith.constant 0 : i32
      %dma_start3A_14 = arith.constant 0 : i32
      %dma_start3A_15 = tpu.memref_slice %arg7[%dma_start3A, %dma_start3A_14] : memref<40x64xi32, #tpu.memory_space<vmem>> -> memref<1x64xi32, #tpu.memory_space<vmem>>
      %dma_start3A_16 = tpu.memref_squeeze %dma_start3A_15 : memref<1x64xi32, #tpu.memory_space<vmem>> -> memref<64xi32, #tpu.memory_space<vmem>>
      %dma_start3A_17 = arith.constant 0 : i32
      %dma_start3A_18 = arith.constant 0 : i32
      %dma_start3A_19 = tpu.memref_slice %arg2[%dma_start3A_17, %dma_start3A_18] : memref<10240x128xf32, #tpu.memory_space<hbm>> -> memref<10240x128xf32, #tpu.memory_space<hbm>>
      tpu.enqueue_indirect_dma source(%dma_start3A_19 : memref<10240x128xf32, #tpu.memory_space<hbm>>) target(%arg9 : memref<64x128xf32, #tpu.memory_space<vmem>>) offsets(%dma_start3A_16 : memref<64xi32, #tpu.memory_space<vmem>>) semaphore(%arg14 : memref<!tpu.dma_semaphore, #tpu.memory_space<semaphore_mem>>)
      %dma_start3A_20 = arith.constant 1 : i32
      %dma_start3A_21 = arith.constant 0 : i32
      %dma_start3A_22 = tpu.memref_slice %arg7[%dma_start3A_20, %dma_start3A_21] : memref<40x64xi32, #tpu.memory_space<vmem>> -> memref<1x64xi32, #tpu.memory_space<vmem>>
      %dma_start3A_23 = tpu.memref_squeeze %dma_start3A_22 : memref<1x64xi32, #tpu.memory_space<vmem>> -> memref<64xi32, #tpu.memory_space<vmem>>
      %dma_start3A_24 = arith.constant 0 : i32
      %dma_start3A_25 = arith.constant 0 : i32
      %dma_start3A_26 = tpu.memref_slice %arg2[%dma_start3A_24, %dma_start3A_25] : memref<10240x128xf32, #tpu.memory_space<hbm>> -> memref<10240x128xf32, #tpu.memory_space<hbm>>
      tpu.enqueue_indirect_dma source(%dma_start3A_26 : memref<10240x128xf32, #tpu.memory_space<hbm>>) target(%arg10 : memref<64x128xf32, #tpu.memory_space<vmem>>) offsets(%dma_start3A_23 : memref<64xi32, #tpu.memory_space<vmem>>) semaphore(%arg15 : memref<!tpu.dma_semaphore, #tpu.memory_space<semaphore_mem>>)
      %dma_start3A_27 = arith.constant 2 : i32
      %dma_start3A_28 = arith.constant 0 : i32
      %dma_start3A_29 = tpu.memref_slice %arg7[%dma_start3A_27, %dma_start3A_28] : memref<40x64xi32, #tpu.memory_space<vmem>> -> memref<1x64xi32, #tpu.memory_space<vmem>>
      %dma_start3A_30 = tpu.memref_squeeze %dma_start3A_29 : memref<1x64xi32, #tpu.memory_space<vmem>> -> memref<64xi32, #tpu.memory_space<vmem>>
      %dma_start3A_31 = arith.constant 0 : i32
      %dma_start3A_32 = arith.constant 0 : i32
      %dma_start3A_33 = tpu.memref_slice %arg2[%dma_start3A_31, %dma_start3A_32] : memref<10240x128xf32, #tpu.memory_space<hbm>> -> memref<10240x128xf32, #tpu.memory_space<hbm>>
      tpu.enqueue_indirect_dma source(%dma_start3A_33 : memref<10240x128xf32, #tpu.memory_space<hbm>>) target(%arg11 : memref<64x128xf32, #tpu.memory_space<vmem>>) offsets(%dma_start3A_30 : memref<64xi32, #tpu.memory_space<vmem>>) semaphore(%arg16 : memref<!tpu.dma_semaphore, #tpu.memory_space<semaphore_mem>>)
      %dma_start3A_34 = arith.constant 3 : i32
      %dma_start3A_35 = arith.constant 0 : i32
      %dma_start3A_36 = tpu.memref_slice %arg7[%dma_start3A_34, %dma_start3A_35] : memref<40x64xi32, #tpu.memory_space<vmem>> -> memref<1x64xi32, #tpu.memory_space<vmem>>
      %dma_start3A_37 = tpu.memref_squeeze %dma_start3A_36 : memref<1x64xi32, #tpu.memory_space<vmem>> -> memref<64xi32, #tpu.memory_space<vmem>>
      %dma_start3A_38 = arith.constant 0 : i32
      %dma_start3A_39 = arith.constant 0 : i32
      %dma_start3A_40 = tpu.memref_slice %arg2[%dma_start3A_38, %dma_start3A_39] : memref<10240x128xf32, #tpu.memory_space<hbm>> -> memref<10240x128xf32, #tpu.memory_space<hbm>>
      tpu.enqueue_indirect_dma source(%dma_start3A_40 : memref<10240x128xf32, #tpu.memory_space<hbm>>) target(%arg12 : memref<64x128xf32, #tpu.memory_space<vmem>>) offsets(%dma_start3A_37 : memref<64xi32, #tpu.memory_space<vmem>>) semaphore(%arg17 : memref<!tpu.dma_semaphore, #tpu.memory_space<semaphore_mem>>)
      %scan3A_41 = arith.constant 0 : i32
      %scan3A_42 = arith.constant 0 : i32
      %scan3A_43 = arith.constant 10 : i32
      %scan3A_44 = arith.addi %scan3A_42, %scan3A_43 : i32
      %scan3A_45 = arith.constant 1 : i32
      scf.for %scan3A_74 = %scan3A_42 to %scan3A_44 step %scan3A_45  : i32 {
        %mul3A_75 = arith.constant 4 : i32
        %mul3A_76 = arith.muli %mul3A_75, %scan3A_74 : i32
        %add3A_77 = arith.constant 0 : i32
        %add3A_78 = arith.addi %mul3A_76, %add3A_77 : i32
        %dma_wait3A_79 = arith.constant 0 : i32
        %dma_wait3A_80 = tpu.memref_slice %arg7[%add3A_78, %dma_wait3A_79] : memref<40x64xi32, #tpu.memory_space<vmem>> -> memref<1x64xi32, #tpu.memory_space<vmem>>
        %dma_wait3A_81 = tpu.memref_squeeze %dma_wait3A_80 : memref<1x64xi32, #tpu.memory_space<vmem>> -> memref<64xi32, #tpu.memory_space<vmem>>
        %dma_wait3A_82 = arith.constant 0 : i32
        %dma_wait3A_83 = arith.constant 0 : i32
        %dma_wait3A_84 = tpu.memref_slice %arg2[%dma_wait3A_82, %dma_wait3A_83] : memref<10240x128xf32, #tpu.memory_space<hbm>> -> memref<10240x128xf32, #tpu.memory_space<hbm>>
        tpu.wait_indirect_dma semaphore(%arg14 : memref<!tpu.dma_semaphore, #tpu.memory_space<semaphore_mem>>) src(%dma_wait3A_84 : memref<10240x128xf32, #tpu.memory_space<hbm>>) dst(%arg9 : memref<64x128xf32, #tpu.memory_space<vmem>>)
        %dma_start3A_85 = arith.constant 0 : i32
        %dma_start3A_86 = tpu.memref_slice %arg8[%add3A_78, %dma_start3A_85] : memref<40x64xi32, #tpu.memory_space<vmem>> -> memref<1x64xi32, #tpu.memory_space<vmem>>
        %dma_start3A_87 = tpu.memref_squeeze %dma_start3A_86 : memref<1x64xi32, #tpu.memory_space<vmem>> -> memref<64xi32, #tpu.memory_space<vmem>>
        %dma_start3A_88 = arith.constant 0 : i32
        %dma_start3A_89 = arith.constant 0 : i32
        %dma_start3A_90 = tpu.memref_slice %arg13[%dma_start3A_88, %dma_start3A_89] : memref<10240x128xf32, #tpu.memory_space<vmem_shared>> -> memref<10240x128xf32, #tpu.memory_space<vmem_shared>>
        tpu.enqueue_indirect_dma source(%arg9 : memref<64x128xf32, #tpu.memory_space<vmem>>) target(%dma_start3A_90 : memref<10240x128xf32, #tpu.memory_space<vmem_shared>>) offsets(%dma_start3A_87 : memref<64xi32, #tpu.memory_space<vmem>>) semaphore(%arg18 : memref<!tpu.dma_semaphore, #tpu.memory_space<semaphore_mem>>) {add = true}
        %add3A_91 = arith.constant 1 : i32
        %add3A_92 = arith.addi %mul3A_76, %add3A_91 : i32
        %dma_wait3A_93 = arith.constant 0 : i32
        %dma_wait3A_94 = tpu.memref_slice %arg7[%add3A_92, %dma_wait3A_93] : memref<40x64xi32, #tpu.memory_space<vmem>> -> memref<1x64xi32, #tpu.memory_space<vmem>>
        %dma_wait3A_95 = tpu.memref_squeeze %dma_wait3A_94 : memref<1x64xi32, #tpu.memory_space<vmem>> -> memref<64xi32, #tpu.memory_space<vmem>>
        %dma_wait3A_96 = arith.constant 0 : i32
        %dma_wait3A_97 = arith.constant 0 : i32
        %dma_wait3A_98 = tpu.memref_slice %arg2[%dma_wait3A_96, %dma_wait3A_97] : memref<10240x128xf32, #tpu.memory_space<hbm>> -> memref<10240x128xf32, #tpu.memory_space<hbm>>
        tpu.wait_indirect_dma semaphore(%arg15 : memref<!tpu.dma_semaphore, #tpu.memory_space<semaphore_mem>>) src(%dma_wait3A_98 : memref<10240x128xf32, #tpu.memory_space<hbm>>) dst(%arg10 : memref<64x128xf32, #tpu.memory_space<vmem>>)
        %dma_start3A_99 = arith.constant 0 : i32
        %dma_start3A_100 = tpu.memref_slice %arg8[%add3A_92, %dma_start3A_99] : memref<40x64xi32, #tpu.memory_space<vmem>> -> memref<1x64xi32, #tpu.memory_space<vmem>>
        %dma_start3A_101 = tpu.memref_squeeze %dma_start3A_100 : memref<1x64xi32, #tpu.memory_space<vmem>> -> memref<64xi32, #tpu.memory_space<vmem>>
        %dma_start3A_102 = arith.constant 0 : i32
        %dma_start3A_103 = arith.constant 0 : i32
        %dma_start3A_104 = tpu.memref_slice %arg13[%dma_start3A_102, %dma_start3A_103] : memref<10240x128xf32, #tpu.memory_space<vmem_shared>> -> memref<10240x128xf32, #tpu.memory_space<vmem_shared>>
        tpu.enqueue_indirect_dma source(%arg10 : memref<64x128xf32, #tpu.memory_space<vmem>>) target(%dma_start3A_104 : memref<10240x128xf32, #tpu.memory_space<vmem_shared>>) offsets(%dma_start3A_101 : memref<64xi32, #tpu.memory_space<vmem>>) semaphore(%arg19 : memref<!tpu.dma_semaphore, #tpu.memory_space<semaphore_mem>>) {add = true}
        %add3A_105 = arith.constant 2 : i32
        %add3A_106 = arith.addi %mul3A_76, %add3A_105 : i32
        %dma_wait3A_107 = arith.constant 0 : i32
        %dma_wait3A_108 = tpu.memref_slice %arg7[%add3A_106, %dma_wait3A_107] : memref<40x64xi32, #tpu.memory_space<vmem>> -> memref<1x64xi32, #tpu.memory_space<vmem>>
        %dma_wait3A_109 = tpu.memref_squeeze %dma_wait3A_108 : memref<1x64xi32, #tpu.memory_space<vmem>> -> memref<64xi32, #tpu.memory_space<vmem>>
        %dma_wait3A_110 = arith.constant 0 : i32
        %dma_wait3A_111 = arith.constant 0 : i32
        %dma_wait3A_112 = tpu.memref_slice %arg2[%dma_wait3A_110, %dma_wait3A_111] : memref<10240x128xf32, #tpu.memory_space<hbm>> -> memref<10240x128xf32, #tpu.memory_space<hbm>>
        tpu.wait_indirect_dma semaphore(%arg16 : memref<!tpu.dma_semaphore, #tpu.memory_space<semaphore_mem>>) src(%dma_wait3A_112 : memref<10240x128xf32, #tpu.memory_space<hbm>>) dst(%arg11 : memref<64x128xf32, #tpu.memory_space<vmem>>)
        %dma_start3A_113 = arith.constant 0 : i32
        %dma_start3A_114 = tpu.memref_slice %arg8[%add3A_106, %dma_start3A_113] : memref<40x64xi32, #tpu.memory_space<vmem>> -> memref<1x64xi32, #tpu.memory_space<vmem>>
        %dma_start3A_115 = tpu.memref_squeeze %dma_start3A_114 : memref<1x64xi32, #tpu.memory_space<vmem>> -> memref<64xi32, #tpu.memory_space<vmem>>
        %dma_start3A_116 = arith.constant 0 : i32
        %dma_start3A_117 = arith.constant 0 : i32
        %dma_start3A_118 = tpu.memref_slice %arg13[%dma_start3A_116, %dma_start3A_117] : memref<10240x128xf32, #tpu.memory_space<vmem_shared>> -> memref<10240x128xf32, #tpu.memory_space<vmem_shared>>
        tpu.enqueue_indirect_dma source(%arg11 : memref<64x128xf32, #tpu.memory_space<vmem>>) target(%dma_start3A_118 : memref<10240x128xf32, #tpu.memory_space<vmem_shared>>) offsets(%dma_start3A_115 : memref<64xi32, #tpu.memory_space<vmem>>) semaphore(%arg20 : memref<!tpu.dma_semaphore, #tpu.memory_space<semaphore_mem>>) {add = true}
        %add3A_119 = arith.constant 3 : i32
        %add3A_120 = arith.addi %mul3A_76, %add3A_119 : i32
        %dma_wait3A_121 = arith.constant 0 : i32
        %dma_wait3A_122 = tpu.memref_slice %arg7[%add3A_120, %dma_wait3A_121] : memref<40x64xi32, #tpu.memory_space<vmem>> -> memref<1x64xi32, #tpu.memory_space<vmem>>
        %dma_wait3A_123 = tpu.memref_squeeze %dma_wait3A_122 : memref<1x64xi32, #tpu.memory_space<vmem>> -> memref<64xi32, #tpu.memory_space<vmem>>
        %dma_wait3A_124 = arith.constant 0 : i32
        %dma_wait3A_125 = arith.constant 0 : i32
        %dma_wait3A_126 = tpu.memref_slice %arg2[%dma_wait3A_124, %dma_wait3A_125] : memref<10240x128xf32, #tpu.memory_space<hbm>> -> memref<10240x128xf32, #tpu.memory_space<hbm>>
        tpu.wait_indirect_dma semaphore(%arg17 : memref<!tpu.dma_semaphore, #tpu.memory_space<semaphore_mem>>) src(%dma_wait3A_126 : memref<10240x128xf32, #tpu.memory_space<hbm>>) dst(%arg12 : memref<64x128xf32, #tpu.memory_space<vmem>>)
        %dma_start3A_127 = arith.constant 0 : i32
        %dma_start3A_128 = tpu.memref_slice %arg8[%add3A_120, %dma_start3A_127] : memref<40x64xi32, #tpu.memory_space<vmem>> -> memref<1x64xi32, #tpu.memory_space<vmem>>
        %dma_start3A_129 = tpu.memref_squeeze %dma_start3A_128 : memref<1x64xi32, #tpu.memory_space<vmem>> -> memref<64xi32, #tpu.memory_space<vmem>>
        %dma_start3A_130 = arith.constant 0 : i32
        %dma_start3A_131 = arith.constant 0 : i32
        %dma_start3A_132 = tpu.memref_slice %arg13[%dma_start3A_130, %dma_start3A_131] : memref<10240x128xf32, #tpu.memory_space<vmem_shared>> -> memref<10240x128xf32, #tpu.memory_space<vmem_shared>>
        tpu.enqueue_indirect_dma source(%arg12 : memref<64x128xf32, #tpu.memory_space<vmem>>) target(%dma_start3A_132 : memref<10240x128xf32, #tpu.memory_space<vmem_shared>>) offsets(%dma_start3A_129 : memref<64xi32, #tpu.memory_space<vmem>>) semaphore(%arg21 : memref<!tpu.dma_semaphore, #tpu.memory_space<semaphore_mem>>) {add = true}
        %add3A_133 = arith.constant 0 : i32
        %add3A_134 = arith.addi %mul3A_76, %add3A_133 : i32
        %add3A_135 = arith.constant 4 : i32
        %add3A_136 = arith.addi %add3A_134, %add3A_135 : i32
        %lt3A = arith.constant 40 : i32
        %lt3A_137 = arith.cmpi slt, %add3A_136, %lt3A : i32
        %convert_element_type3A = arith.extui %lt3A_137 : i1 to i32
        %cond3A = arith.constant 0 : i32
        %cond3A_138 = arith.cmpi ne, %convert_element_type3A, %cond3A : i32
        scf.if %cond3A_138 {
          %add3A_166 = arith.constant 0 : i32
          %add3A_167 = arith.addi %mul3A_76, %add3A_166 : i32
          %dma_wait3A_168 = arith.constant 0 : i32
          %dma_wait3A_169 = tpu.memref_slice %arg8[%add3A_167, %dma_wait3A_168] : memref<40x64xi32, #tpu.memory_space<vmem>> -> memref<1x64xi32, #tpu.memory_space<vmem>>
          %dma_wait3A_170 = tpu.memref_squeeze %dma_wait3A_169 : memref<1x64xi32, #tpu.memory_space<vmem>> -> memref<64xi32, #tpu.memory_space<vmem>>
          %dma_wait3A_171 = arith.constant 0 : i32
          %dma_wait3A_172 = arith.constant 0 : i32
          %dma_wait3A_173 = tpu.memref_slice %arg13[%dma_wait3A_171, %dma_wait3A_172] : memref<10240x128xf32, #tpu.memory_space<vmem_shared>> -> memref<10240x128xf32, #tpu.memory_space<vmem_shared>>
          tpu.wait_indirect_dma semaphore(%arg18 : memref<!tpu.dma_semaphore, #tpu.memory_space<semaphore_mem>>) src(%arg9 : memref<64x128xf32, #tpu.memory_space<vmem>>) dst(%dma_wait3A_173 : memref<10240x128xf32, #tpu.memory_space<vmem_shared>>)
          %dma_start3A_174 = arith.constant 0 : i32
          %dma_start3A_175 = tpu.memref_slice %arg7[%add3A_136, %dma_start3A_174] : memref<40x64xi32, #tpu.memory_space<vmem>> -> memref<1x64xi32, #tpu.memory_space<vmem>>
          %dma_start3A_176 = tpu.memref_squeeze %dma_start3A_175 : memref<1x64xi32, #tpu.memory_space<vmem>> -> memref<64xi32, #tpu.memory_space<vmem>>
          %dma_start3A_177 = arith.constant 0 : i32
          %dma_start3A_178 = arith.constant 0 : i32
          %dma_start3A_179 = tpu.memref_slice %arg2[%dma_start3A_177, %dma_start3A_178] : memref<10240x128xf32, #tpu.memory_space<hbm>> -> memref<10240x128xf32, #tpu.memory_space<hbm>>
          tpu.enqueue_indirect_dma source(%dma_start3A_179 : memref<10240x128xf32, #tpu.memory_space<hbm>>) target(%arg9 : memref<64x128xf32, #tpu.memory_space<vmem>>) offsets(%dma_start3A_176 : memref<64xi32, #tpu.memory_space<vmem>>) semaphore(%arg14 : memref<!tpu.dma_semaphore, #tpu.memory_space<semaphore_mem>>)
        } else {
        }
        %add3A_139 = arith.constant 1 : i32
        %add3A_140 = arith.addi %mul3A_76, %add3A_139 : i32
        %add3A_141 = arith.constant 4 : i32
        %add3A_142 = arith.addi %add3A_140, %add3A_141 : i32
        %lt3A_143 = arith.constant 40 : i32
        %lt3A_144 = arith.cmpi slt, %add3A_142, %lt3A_143 : i32
        %convert_element_type3A_145 = arith.extui %lt3A_144 : i1 to i32
        %cond3A_146 = arith.constant 0 : i32
        %cond3A_147 = arith.cmpi ne, %convert_element_type3A_145, %cond3A_146 : i32
        scf.if %cond3A_147 {
          %add3A_166 = arith.constant 1 : i32
          %add3A_167 = arith.addi %mul3A_76, %add3A_166 : i32
          %dma_wait3A_168 = arith.constant 0 : i32
          %dma_wait3A_169 = tpu.memref_slice %arg8[%add3A_167, %dma_wait3A_168] : memref<40x64xi32, #tpu.memory_space<vmem>> -> memref<1x64xi32, #tpu.memory_space<vmem>>
          %dma_wait3A_170 = tpu.memref_squeeze %dma_wait3A_169 : memref<1x64xi32, #tpu.memory_space<vmem>> -> memref<64xi32, #tpu.memory_space<vmem>>
          %dma_wait3A_171 = arith.constant 0 : i32
          %dma_wait3A_172 = arith.constant 0 : i32
          %dma_wait3A_173 = tpu.memref_slice %arg13[%dma_wait3A_171, %dma_wait3A_172] : memref<10240x128xf32, #tpu.memory_space<vmem_shared>> -> memref<10240x128xf32, #tpu.memory_space<vmem_shared>>
          tpu.wait_indirect_dma semaphore(%arg19 : memref<!tpu.dma_semaphore, #tpu.memory_space<semaphore_mem>>) src(%arg10 : memref<64x128xf32, #tpu.memory_space<vmem>>) dst(%dma_wait3A_173 : memref<10240x128xf32, #tpu.memory_space<vmem_shared>>)
          %dma_start3A_174 = arith.constant 0 : i32
          %dma_start3A_175 = tpu.memref_slice %arg7[%add3A_142, %dma_start3A_174] : memref<40x64xi32, #tpu.memory_space<vmem>> -> memref<1x64xi32, #tpu.memory_space<vmem>>
          %dma_start3A_176 = tpu.memref_squeeze %dma_start3A_175 : memref<1x64xi32, #tpu.memory_space<vmem>> -> memref<64xi32, #tpu.memory_space<vmem>>
          %dma_start3A_177 = arith.constant 0 : i32
          %dma_start3A_178 = arith.constant 0 : i32
          %dma_start3A_179 = tpu.memref_slice %arg2[%dma_start3A_177, %dma_start3A_178] : memref<10240x128xf32, #tpu.memory_space<hbm>> -> memref<10240x128xf32, #tpu.memory_space<hbm>>
          tpu.enqueue_indirect_dma source(%dma_start3A_179 : memref<10240x128xf32, #tpu.memory_space<hbm>>) target(%arg10 : memref<64x128xf32, #tpu.memory_space<vmem>>) offsets(%dma_start3A_176 : memref<64xi32, #tpu.memory_space<vmem>>) semaphore(%arg15 : memref<!tpu.dma_semaphore, #tpu.memory_space<semaphore_mem>>)
        } else {
        }
        %add3A_148 = arith.constant 2 : i32
        %add3A_149 = arith.addi %mul3A_76, %add3A_148 : i32
        %add3A_150 = arith.constant 4 : i32
        %add3A_151 = arith.addi %add3A_149, %add3A_150 : i32
        %lt3A_152 = arith.constant 40 : i32
        %lt3A_153 = arith.cmpi slt, %add3A_151, %lt3A_152 : i32
        %convert_element_type3A_154 = arith.extui %lt3A_153 : i1 to i32
        %cond3A_155 = arith.constant 0 : i32
        %cond3A_156 = arith.cmpi ne, %convert_element_type3A_154, %cond3A_155 : i32
        scf.if %cond3A_156 {
          %add3A_166 = arith.constant 2 : i32
          %add3A_167 = arith.addi %mul3A_76, %add3A_166 : i32
          %dma_wait3A_168 = arith.constant 0 : i32
          %dma_wait3A_169 = tpu.memref_slice %arg8[%add3A_167, %dma_wait3A_168] : memref<40x64xi32, #tpu.memory_space<vmem>> -> memref<1x64xi32, #tpu.memory_space<vmem>>
          %dma_wait3A_170 = tpu.memref_squeeze %dma_wait3A_169 : memref<1x64xi32, #tpu.memory_space<vmem>> -> memref<64xi32, #tpu.memory_space<vmem>>
          %dma_wait3A_171 = arith.constant 0 : i32
          %dma_wait3A_172 = arith.constant 0 : i32
          %dma_wait3A_173 = tpu.memref_slice %arg13[%dma_wait3A_171, %dma_wait3A_172] : memref<10240x128xf32, #tpu.memory_space<vmem_shared>> -> memref<10240x128xf32, #tpu.memory_space<vmem_shared>>
          tpu.wait_indirect_dma semaphore(%arg20 : memref<!tpu.dma_semaphore, #tpu.memory_space<semaphore_mem>>) src(%arg11 : memref<64x128xf32, #tpu.memory_space<vmem>>) dst(%dma_wait3A_173 : memref<10240x128xf32, #tpu.memory_space<vmem_shared>>)
          %dma_start3A_174 = arith.constant 0 : i32
          %dma_start3A_175 = tpu.memref_slice %arg7[%add3A_151, %dma_start3A_174] : memref<40x64xi32, #tpu.memory_space<vmem>> -> memref<1x64xi32, #tpu.memory_space<vmem>>
          %dma_start3A_176 = tpu.memref_squeeze %dma_start3A_175 : memref<1x64xi32, #tpu.memory_space<vmem>> -> memref<64xi32, #tpu.memory_space<vmem>>
          %dma_start3A_177 = arith.constant 0 : i32
          %dma_start3A_178 = arith.constant 0 : i32
          %dma_start3A_179 = tpu.memref_slice %arg2[%dma_start3A_177, %dma_start3A_178] : memref<10240x128xf32, #tpu.memory_space<hbm>> -> memref<10240x128xf32, #tpu.memory_space<hbm>>
          tpu.enqueue_indirect_dma source(%dma_start3A_179 : memref<10240x128xf32, #tpu.memory_space<hbm>>) target(%arg11 : memref<64x128xf32, #tpu.memory_space<vmem>>) offsets(%dma_start3A_176 : memref<64xi32, #tpu.memory_space<vmem>>) semaphore(%arg16 : memref<!tpu.dma_semaphore, #tpu.memory_space<semaphore_mem>>)
        } else {
        }
        %add3A_157 = arith.constant 3 : i32
        %add3A_158 = arith.addi %mul3A_76, %add3A_157 : i32
        %add3A_159 = arith.constant 4 : i32
        %add3A_160 = arith.addi %add3A_158, %add3A_159 : i32
        %lt3A_161 = arith.constant 40 : i32
        %lt3A_162 = arith.cmpi slt, %add3A_160, %lt3A_161 : i32
        %convert_element_type3A_163 = arith.extui %lt3A_162 : i1 to i32
        %cond3A_164 = arith.constant 0 : i32
        %cond3A_165 = arith.cmpi ne, %convert_element_type3A_163, %cond3A_164 : i32
        scf.if %cond3A_165 {
          %add3A_166 = arith.constant 3 : i32
          %add3A_167 = arith.addi %mul3A_76, %add3A_166 : i32
          %dma_wait3A_168 = arith.constant 0 : i32
          %dma_wait3A_169 = tpu.memref_slice %arg8[%add3A_167, %dma_wait3A_168] : memref<40x64xi32, #tpu.memory_space<vmem>> -> memref<1x64xi32, #tpu.memory_space<vmem>>
          %dma_wait3A_170 = tpu.memref_squeeze %dma_wait3A_169 : memref<1x64xi32, #tpu.memory_space<vmem>> -> memref<64xi32, #tpu.memory_space<vmem>>
          %dma_wait3A_171 = arith.constant 0 : i32
          %dma_wait3A_172 = arith.constant 0 : i32
          %dma_wait3A_173 = tpu.memref_slice %arg13[%dma_wait3A_171, %dma_wait3A_172] : memref<10240x128xf32, #tpu.memory_space<vmem_shared>> -> memref<10240x128xf32, #tpu.memory_space<vmem_shared>>
          tpu.wait_indirect_dma semaphore(%arg21 : memref<!tpu.dma_semaphore, #tpu.memory_space<semaphore_mem>>) src(%arg12 : memref<64x128xf32, #tpu.memory_space<vmem>>) dst(%dma_wait3A_173 : memref<10240x128xf32, #tpu.memory_space<vmem_shared>>)
          %dma_start3A_174 = arith.constant 0 : i32
          %dma_start3A_175 = tpu.memref_slice %arg7[%add3A_160, %dma_start3A_174] : memref<40x64xi32, #tpu.memory_space<vmem>> -> memref<1x64xi32, #tpu.memory_space<vmem>>
          %dma_start3A_176 = tpu.memref_squeeze %dma_start3A_175 : memref<1x64xi32, #tpu.memory_space<vmem>> -> memref<64xi32, #tpu.memory_space<vmem>>
          %dma_start3A_177 = arith.constant 0 : i32
          %dma_start3A_178 = arith.constant 0 : i32
          %dma_start3A_179 = tpu.memref_slice %arg2[%dma_start3A_177, %dma_start3A_178] : memref<10240x128xf32, #tpu.memory_space<hbm>> -> memref<10240x128xf32, #tpu.memory_space<hbm>>
          tpu.enqueue_indirect_dma source(%dma_start3A_179 : memref<10240x128xf32, #tpu.memory_space<hbm>>) target(%arg12 : memref<64x128xf32, #tpu.memory_space<vmem>>) offsets(%dma_start3A_176 : memref<64xi32, #tpu.memory_space<vmem>>) semaphore(%arg17 : memref<!tpu.dma_semaphore, #tpu.memory_space<semaphore_mem>>)
        } else {
        }
      }
      %scan3A_46 = arith.constant 10 : i32
      %dma_wait3A = arith.constant 36 : i32
      %dma_wait3A_47 = arith.constant 0 : i32
      %dma_wait3A_48 = tpu.memref_slice %arg8[%dma_wait3A, %dma_wait3A_47] : memref<40x64xi32, #tpu.memory_space<vmem>> -> memref<1x64xi32, #tpu.memory_space<vmem>>
      %dma_wait3A_49 = tpu.memref_squeeze %dma_wait3A_48 : memref<1x64xi32, #tpu.memory_space<vmem>> -> memref<64xi32, #tpu.memory_space<vmem>>
      %dma_wait3A_50 = arith.constant 0 : i32
      %dma_wait3A_51 = arith.constant 0 : i32
      %dma_wait3A_52 = tpu.memref_slice %arg13[%dma_wait3A_50, %dma_wait3A_51] : memref<10240x128xf32, #tpu.memory_space<vmem_shared>> -> memref<10240x128xf32, #tpu.memory_space<vmem_shared>>
      tpu.wait_indirect_dma semaphore(%arg18 : memref<!tpu.dma_semaphore, #tpu.memory_space<semaphore_mem>>) src(%arg9 : memref<64x128xf32, #tpu.memory_space<vmem>>) dst(%dma_wait3A_52 : memref<10240x128xf32, #tpu.memory_space<vmem_shared>>)
      %dma_wait3A_53 = arith.constant 37 : i32
      %dma_wait3A_54 = arith.constant 0 : i32
      %dma_wait3A_55 = tpu.memref_slice %arg8[%dma_wait3A_53, %dma_wait3A_54] : memref<40x64xi32, #tpu.memory_space<vmem>> -> memref<1x64xi32, #tpu.memory_space<vmem>>
      %dma_wait3A_56 = tpu.memref_squeeze %dma_wait3A_55 : memref<1x64xi32, #tpu.memory_space<vmem>> -> memref<64xi32, #tpu.memory_space<vmem>>
      %dma_wait3A_57 = arith.constant 0 : i32
      %dma_wait3A_58 = arith.constant 0 : i32
      %dma_wait3A_59 = tpu.memref_slice %arg13[%dma_wait3A_57, %dma_wait3A_58] : memref<10240x128xf32, #tpu.memory_space<vmem_shared>> -> memref<10240x128xf32, #tpu.memory_space<vmem_shared>>
      tpu.wait_indirect_dma semaphore(%arg19 : memref<!tpu.dma_semaphore, #tpu.memory_space<semaphore_mem>>) src(%arg10 : memref<64x128xf32, #tpu.memory_space<vmem>>) dst(%dma_wait3A_59 : memref<10240x128xf32, #tpu.memory_space<vmem_shared>>)
      %dma_wait3A_60 = arith.constant 38 : i32
      %dma_wait3A_61 = arith.constant 0 : i32
      %dma_wait3A_62 = tpu.memref_slice %arg8[%dma_wait3A_60, %dma_wait3A_61] : memref<40x64xi32, #tpu.memory_space<vmem>> -> memref<1x64xi32, #tpu.memory_space<vmem>>
      %dma_wait3A_63 = tpu.memref_squeeze %dma_wait3A_62 : memref<1x64xi32, #tpu.memory_space<vmem>> -> memref<64xi32, #tpu.memory_space<vmem>>
      %dma_wait3A_64 = arith.constant 0 : i32
      %dma_wait3A_65 = arith.constant 0 : i32
      %dma_wait3A_66 = tpu.memref_slice %arg13[%dma_wait3A_64, %dma_wait3A_65] : memref<10240x128xf32, #tpu.memory_space<vmem_shared>> -> memref<10240x128xf32, #tpu.memory_space<vmem_shared>>
      tpu.wait_indirect_dma semaphore(%arg20 : memref<!tpu.dma_semaphore, #tpu.memory_space<semaphore_mem>>) src(%arg11 : memref<64x128xf32, #tpu.memory_space<vmem>>) dst(%dma_wait3A_66 : memref<10240x128xf32, #tpu.memory_space<vmem_shared>>)
      %dma_wait3A_67 = arith.constant 39 : i32
      %dma_wait3A_68 = arith.constant 0 : i32
      %dma_wait3A_69 = tpu.memref_slice %arg8[%dma_wait3A_67, %dma_wait3A_68] : memref<40x64xi32, #tpu.memory_space<vmem>> -> memref<1x64xi32, #tpu.memory_space<vmem>>
      %dma_wait3A_70 = tpu.memref_squeeze %dma_wait3A_69 : memref<1x64xi32, #tpu.memory_space<vmem>> -> memref<64xi32, #tpu.memory_space<vmem>>
      %dma_wait3A_71 = arith.constant 0 : i32
      %dma_wait3A_72 = arith.constant 0 : i32
      %dma_wait3A_73 = tpu.memref_slice %arg13[%dma_wait3A_71, %dma_wait3A_72] : memref<10240x128xf32, #tpu.memory_space<vmem_shared>> -> memref<10240x128xf32, #tpu.memory_space<vmem_shared>>
      tpu.wait_indirect_dma semaphore(%arg21 : memref<!tpu.dma_semaphore, #tpu.memory_space<semaphore_mem>>) src(%arg12 : memref<64x128xf32, #tpu.memory_space<vmem>>) dst(%dma_wait3A_73 : memref<10240x128xf32, #tpu.memory_space<vmem_shared>>)
    }
    %scan3A_7 = arith.constant 4 : i32
    "tpu.trace_stop"() : () -> ()
    "tpu.trace_start"() <{level = 10 : i32, message = "writeout_phase"}> : () -> ()
    %barrier3A_8 = arith.constant 0 : index
    tpu.barrier barrier_id(%barrier3A_8)
    "tpu.region"() ({
      %run_scoped3A = tpu.sem_alloc : memref<!tpu.dma_semaphore, #tpu.memory_space<semaphore_mem>>
      %dma_start3A = arith.constant 0 : i32
      %dma_start3A_9 = tpu.memref_slice %arg6[%arg0, %mul3A_2, %dma_start3A] : memref<2x10240x128xf32, #tpu.memory_space<hbm>> -> memref<1x640x128xf32, #tpu.memory_space<hbm>>
      %dma_start3A_10 = tpu.memref_squeeze %dma_start3A_9 : memref<1x640x128xf32, #tpu.memory_space<hbm>> -> memref<640x128xf32, #tpu.memory_space<hbm>>
      %dma_start3A_11 = arith.constant 0 : i32
      %dma_start3A_12 = tpu.memref_slice %arg13[%mul3A_2, %dma_start3A_11] : memref<10240x128xf32, #tpu.memory_space<vmem_shared>> -> memref<640x128xf32, #tpu.memory_space<vmem_shared>>
      tpu.enqueue_dma source(%dma_start3A_12 : memref<640x128xf32, #tpu.memory_space<vmem_shared>>) target(%dma_start3A_10 : memref<640x128xf32, #tpu.memory_space<hbm>>) target_semaphore(%run_scoped3A : memref<!tpu.dma_semaphore, #tpu.memory_space<semaphore_mem>>)
      %dma_wait3A = arith.constant 0 : i32
      %dma_wait3A_13 = tpu.memref_slice %arg6[%arg0, %mul3A_2, %dma_wait3A] : memref<2x10240x128xf32, #tpu.memory_space<hbm>> -> memref<1x640x128xf32, #tpu.memory_space<hbm>>
      %dma_wait3A_14 = tpu.memref_squeeze %dma_wait3A_13 : memref<1x640x128xf32, #tpu.memory_space<hbm>> -> memref<640x128xf32, #tpu.memory_space<hbm>>
      %dma_wait3A_15 = arith.constant 0 : i32
      %dma_wait3A_16 = tpu.memref_slice %arg13[%mul3A_2, %dma_wait3A_15] : memref<10240x128xf32, #tpu.memory_space<vmem_shared>> -> memref<640x128xf32, #tpu.memory_space<vmem_shared>>
      tpu.wait_dma2 semaphore(%run_scoped3A : memref<!tpu.dma_semaphore, #tpu.memory_space<semaphore_mem>>) src(%dma_wait3A_16 : memref<640x128xf32, #tpu.memory_space<vmem_shared>>) dst(%dma_wait3A_14 : memref<640x128xf32, #tpu.memory_space<hbm>>)
      tpu.yield
    }) : () -> ()
    "tpu.trace_stop"() : () -> ()
    return
  }
}

module attributes {stable_mosaic.version = 14 : i64} {
  func.func @_tc1_body(%arg0: i32, %arg1: memref<1280x128xf32, #tpu.memory_space<vmem>>, %arg2: memref<128x128xf32, #tpu.memory_space<vmem>>, %arg3: memref<1x128xf32, #tpu.memory_space<vmem>>, %arg4: memref<1280x128xf32, #tpu.memory_space<vmem>>, %arg5: memref<1280x128xf32, #tpu.memory_space<vmem>>) attributes {dimension_semantics = [#tpu.dimension_semantics<arbitrary>], iteration_bounds = array<i64: 8>, scalar_prefetch = 0 : i64, scratch_operands = 0 : i64, tpu.core_type = #tpu.core_type<tc>, window_params = [{transform_indices = @transform_0, window_bounds = array<i64: 1280, 128>}, {pipeline_mode = #tpu.pipeline_mode<synchronous>, transform_indices = @transform_1, window_bounds = array<i64: 128, 128>}, {pipeline_mode = #tpu.pipeline_mode<synchronous>, transform_indices = @transform_2, window_bounds = array<i64: 1, 128>}, {transform_indices = @transform_3, window_bounds = array<i64: 1280, 128>}, {transform_indices = @transform_4, window_bounds = array<i64: 1280, 128>}]} {
    %get3A = arith.constant 0 : index
    %get3A_0 = arith.constant 0 : index
    %get3A_1 = vector.load %arg1[%get3A, %get3A_0] : memref<1280x128xf32, #tpu.memory_space<vmem>>, vector<1280x128xf32>
    %get3A_2 = arith.constant 0 : index
    %get3A_3 = arith.constant 0 : index
    %get3A_4 = vector.load %arg2[%get3A_2, %get3A_3] : memref<128x128xf32, #tpu.memory_space<vmem>>, vector<128x128xf32>
    %dot_general3A = arith.constant dense<0.000000e+00> : vector<1280x128xf32>
    %dot_general3A_5 = tpu.matmul %get3A_1, %get3A_4, %dot_general3A {dimension_numbers = #tpu.dot_dimension_numbers<[1], [0], [0], [1], [0, 0, 1, 1], [], []>, transpose_lhs_hint = false} : vector<1280x128xf32>, vector<128x128xf32>, vector<1280x128xf32> -> vector<1280x128xf32>
    %get3A_6 = arith.constant 0 : index
    %get3A_7 = arith.constant 0 : index
    %get3A_8 = vector.load %arg3[%get3A_6, %get3A_7] : memref<1x128xf32, #tpu.memory_space<vmem>>, vector<1x128xf32>
    %add3A = vector.broadcast %get3A_8 : vector<1x128xf32> to vector<1280x128xf32>
    %add3A_9 = arith.addf %dot_general3A_5, %add3A : vector<1280x128xf32>
    %swap3A = arith.constant 0 : index
    %swap3A_10 = arith.constant 0 : index
    %swap3A_11 = vector.load %arg4[%swap3A, %swap3A_10] : memref<1280x128xf32, #tpu.memory_space<vmem>>, vector<1280x128xf32>
    tpu.vector_store %arg4[%swap3A, %swap3A_10], %add3A_9 {strides = array<i32>} : memref<1280x128xf32, #tpu.memory_space<vmem>>, vector<1280x128xf32>,
    %max3A = arith.constant 0.000000e+00 : f32
    %max3A_12 = vector.broadcast %max3A : f32 to vector<1280x128xf32>
    %max3A_13 = arith.maximumf %add3A_9, %max3A_12 : vector<1280x128xf32>
    %swap3A_14 = arith.constant 0 : index
    %swap3A_15 = arith.constant 0 : index
    %swap3A_16 = vector.load %arg5[%swap3A_14, %swap3A_15] : memref<1280x128xf32, #tpu.memory_space<vmem>>, vector<1280x128xf32>
    tpu.vector_store %arg5[%swap3A_14, %swap3A_15], %max3A_13 {strides = array<i32>} : memref<1280x128xf32, #tpu.memory_space<vmem>>, vector<1280x128xf32>,
    return
  }
  func.func @transform_0(%arg0: i32) -> (i32, i32) {
    %c0_i32 = arith.constant 0 : i32
    %c0_i32_0 = arith.constant 0 : i32
    return %arg0, %c0_i32 : i32, i32
  }
  func.func @transform_1(%arg0: i32) -> (i32, i32) {
    %c0_i32 = arith.constant 0 : i32
    %c0_i32_0 = arith.constant 0 : i32
    %c0_i32_1 = arith.constant 0 : i32
    return %c0_i32, %c0_i32_0 : i32, i32
  }
  func.func @transform_2(%arg0: i32) -> (i32, i32) {
    %c0_i32 = arith.constant 0 : i32
    %c0_i32_0 = arith.constant 0 : i32
    %c0_i32_1 = arith.constant 0 : i32
    return %c0_i32, %c0_i32_0 : i32, i32
  }
  func.func @transform_3(%arg0: i32) -> (i32, i32) {
    %c0_i32 = arith.constant 0 : i32
    %c0_i32_0 = arith.constant 0 : i32
    return %arg0, %c0_i32 : i32, i32
  }
  func.func @transform_4(%arg0: i32) -> (i32, i32) {
    %c0_i32 = arith.constant 0 : i32
    %c0_i32_0 = arith.constant 0 : i32
    return %arg0, %c0_i32 : i32, i32
  }
}

module attributes {stable_mosaic.version = 14 : i64} {
  func.func @_tc2_body(%arg0: i32, %arg1: memref<1x1280x128xf32, #tpu.memory_space<vmem>>, %arg2: memref<1x1280x128xf32, #tpu.memory_space<vmem>>, %arg3: memref<128x128xf32, #tpu.memory_space<vmem>>, %arg4: memref<1x128xf32, #tpu.memory_space<vmem>>, %arg5: memref<1280x128xf32, #tpu.memory_space<vmem>>, %arg6: memref<1280x128xf32, #tpu.memory_space<vmem>>) attributes {dimension_semantics = [#tpu.dimension_semantics<arbitrary>], iteration_bounds = array<i64: 8>, scalar_prefetch = 0 : i64, scratch_operands = 0 : i64, tpu.core_type = #tpu.core_type<tc>, window_params = [{transform_indices = @transform_0, window_bounds = array<i64: 1, 1280, 128>}, {transform_indices = @transform_1, window_bounds = array<i64: 1, 1280, 128>}, {pipeline_mode = #tpu.pipeline_mode<synchronous>, transform_indices = @transform_2, window_bounds = array<i64: 128, 128>}, {pipeline_mode = #tpu.pipeline_mode<synchronous>, transform_indices = @transform_3, window_bounds = array<i64: 1, 128>}, {transform_indices = @transform_4, window_bounds = array<i64: 1280, 128>}, {transform_indices = @transform_5, window_bounds = array<i64: 1280, 128>}]} {
    %get3A = arith.constant 0 : index
    %get3A_0 = arith.constant 0 : index
    %get3A_1 = arith.constant 0 : index
    %get3A_2 = vector.load %arg1[%get3A, %get3A_0, %get3A_1] : memref<1x1280x128xf32, #tpu.memory_space<vmem>>, vector<1x1280x128xf32>
    %get3A_3 = vector.shape_cast %get3A_2 : vector<1x1280x128xf32> to vector<1280x128xf32>
    %get3A_4 = arith.constant 0 : index
    %get3A_5 = arith.constant 0 : index
    %get3A_6 = arith.constant 0 : index
    %get3A_7 = vector.load %arg2[%get3A_4, %get3A_5, %get3A_6] : memref<1x1280x128xf32, #tpu.memory_space<vmem>>, vector<1x1280x128xf32>
    %get3A_8 = vector.shape_cast %get3A_7 : vector<1x1280x128xf32> to vector<1280x128xf32>
    %add3A = arith.addf %get3A_3, %get3A_8 : vector<1280x128xf32>
    %get3A_9 = arith.constant 0 : index
    %get3A_10 = arith.constant 0 : index
    %get3A_11 = vector.load %arg3[%get3A_9, %get3A_10] : memref<128x128xf32, #tpu.memory_space<vmem>>, vector<128x128xf32>
    %dot_general3A = arith.constant dense<0.000000e+00> : vector<1280x128xf32>
    %dot_general3A_12 = tpu.matmul %add3A, %get3A_11, %dot_general3A {dimension_numbers = #tpu.dot_dimension_numbers<[1], [0], [0], [1], [0, 0, 1, 1], [], []>, transpose_lhs_hint = false} : vector<1280x128xf32>, vector<128x128xf32>, vector<1280x128xf32> -> vector<1280x128xf32>
    %get3A_13 = arith.constant 0 : index
    %get3A_14 = arith.constant 0 : index
    %get3A_15 = vector.load %arg4[%get3A_13, %get3A_14] : memref<1x128xf32, #tpu.memory_space<vmem>>, vector<1x128xf32>
    %add3A_16 = vector.broadcast %get3A_15 : vector<1x128xf32> to vector<1280x128xf32>
    %add3A_17 = arith.addf %dot_general3A_12, %add3A_16 : vector<1280x128xf32>
    %get3A_18 = arith.constant 0 : index
    %get3A_19 = arith.constant 0 : index
    %get3A_20 = vector.load %arg5[%get3A_18, %get3A_19] : memref<1280x128xf32, #tpu.memory_space<vmem>>, vector<1280x128xf32>
    %add3A_21 = arith.addf %add3A_17, %get3A_20 : vector<1280x128xf32>
    %max3A = arith.constant 0.000000e+00 : f32
    %max3A_22 = vector.broadcast %max3A : f32 to vector<1280x128xf32>
    %max3A_23 = arith.maximumf %add3A_21, %max3A_22 : vector<1280x128xf32>
    %swap3A = arith.constant 0 : index
    %swap3A_24 = arith.constant 0 : index
    %swap3A_25 = vector.load %arg6[%swap3A, %swap3A_24] : memref<1280x128xf32, #tpu.memory_space<vmem>>, vector<1280x128xf32>
    tpu.vector_store %arg6[%swap3A, %swap3A_24], %max3A_23 {strides = array<i32>} : memref<1280x128xf32, #tpu.memory_space<vmem>>, vector<1280x128xf32>,
    return
  }
  func.func @transform_0(%arg0: i32) -> (i32, i32, i32) {
    %c0_i32 = arith.constant 0 : i32
    %c0_i32_0 = arith.constant 0 : i32
    %c0_i32_1 = arith.constant 0 : i32
    return %c0_i32, %arg0, %c0_i32_0 : i32, i32, i32
  }
  func.func @transform_1(%arg0: i32) -> (i32, i32, i32) {
    %c1_i32 = arith.constant 1 : i32
    %c0_i32 = arith.constant 0 : i32
    %c0_i32_0 = arith.constant 0 : i32
    return %c1_i32, %arg0, %c0_i32 : i32, i32, i32
  }
  func.func @transform_2(%arg0: i32) -> (i32, i32) {
    %c0_i32 = arith.constant 0 : i32
    %c0_i32_0 = arith.constant 0 : i32
    %c0_i32_1 = arith.constant 0 : i32
    return %c0_i32, %c0_i32_0 : i32, i32
  }
  func.func @transform_3(%arg0: i32) -> (i32, i32) {
    %c0_i32 = arith.constant 0 : i32
    %c0_i32_0 = arith.constant 0 : i32
    %c0_i32_1 = arith.constant 0 : i32
    return %c0_i32, %c0_i32_0 : i32, i32
  }
  func.func @transform_4(%arg0: i32) -> (i32, i32) {
    %c0_i32 = arith.constant 0 : i32
    %c0_i32_0 = arith.constant 0 : i32
    return %arg0, %c0_i32 : i32, i32
  }
  func.func @transform_5(%arg0: i32) -> (i32, i32) {
    %c0_i32 = arith.constant 0 : i32
    %c0_i32_0 = arith.constant 0 : i32
    return %arg0, %c0_i32 : i32, i32
  }
}

module attributes {stable_mosaic.version = 14 : i64} {
  func.func @_tc3_body(%arg0: i32, %arg1: memref<1280x128xf32, #tpu.memory_space<vmem>>, %arg2: memref<1x1x1280xi32, #tpu.memory_space<vmem>>, %arg3: memref<128x128xf32, #tpu.memory_space<vmem>>, %arg4: memref<1x128xf32, #tpu.memory_space<vmem>>, %arg5: memref<128x128xf32, #tpu.memory_space<vmem>>, %arg6: memref<1x128xf32, #tpu.memory_space<vmem>>, %arg7: memref<128x10xf32, #tpu.memory_space<vmem>>, %arg8: memref<1x10xf32, #tpu.memory_space<vmem>>, %arg9: memref<128x10xf32, #tpu.memory_space<vmem>>, %arg10: memref<128x128xf32, #tpu.memory_space<vmem>>) attributes {dimension_semantics = [#tpu.dimension_semantics<arbitrary>], iteration_bounds = array<i64: 8>, scalar_prefetch = 0 : i64, scratch_operands = 1 : i64, tpu.core_type = #tpu.core_type<tc>, window_params = [{transform_indices = @transform_0, window_bounds = array<i64: 1280, 128>}, {transform_indices = @transform_1, window_bounds = array<i64: 1, 1, 1280>}, {pipeline_mode = #tpu.pipeline_mode<synchronous>, transform_indices = @transform_2, window_bounds = array<i64: 128, 128>}, {pipeline_mode = #tpu.pipeline_mode<synchronous>, transform_indices = @transform_3, window_bounds = array<i64: 1, 128>}, {pipeline_mode = #tpu.pipeline_mode<synchronous>, transform_indices = @transform_4, window_bounds = array<i64: 128, 128>}, {pipeline_mode = #tpu.pipeline_mode<synchronous>, transform_indices = @transform_5, window_bounds = array<i64: 1, 128>}, {pipeline_mode = #tpu.pipeline_mode<synchronous>, transform_indices = @transform_6, window_bounds = array<i64: 128, 10>}, {pipeline_mode = #tpu.pipeline_mode<synchronous>, transform_indices = @transform_7, window_bounds = array<i64: 1, 10>}, {pipeline_mode = #tpu.pipeline_mode<synchronous>, transform_indices = @transform_8, window_bounds = array<i64: 128, 10>}]} {
    %get3A = arith.constant 0 : index
    %get3A_0 = arith.constant 0 : index
    %get3A_1 = vector.load %arg1[%get3A, %get3A_0] : memref<1280x128xf32, #tpu.memory_space<vmem>>, vector<1280x128xf32>
    %get3A_2 = arith.constant 0 : index
    %get3A_3 = arith.constant 0 : index
    %get3A_4 = vector.load %arg3[%get3A_2, %get3A_3] : memref<128x128xf32, #tpu.memory_space<vmem>>, vector<128x128xf32>
    %dot_general3A = arith.constant dense<0.000000e+00> : vector<1280x128xf32>
    %dot_general3A_5 = tpu.matmul %get3A_1, %get3A_4, %dot_general3A {dimension_numbers = #tpu.dot_dimension_numbers<[1], [0], [0], [1], [0, 0, 1, 1], [], []>, transpose_lhs_hint = false} : vector<1280x128xf32>, vector<128x128xf32>, vector<1280x128xf32> -> vector<1280x128xf32>
    %get3A_6 = arith.constant 0 : index
    %get3A_7 = arith.constant 0 : index
    %get3A_8 = vector.load %arg4[%get3A_6, %get3A_7] : memref<1x128xf32, #tpu.memory_space<vmem>>, vector<1x128xf32>
    %add3A = vector.broadcast %get3A_8 : vector<1x128xf32> to vector<1280x128xf32>
    %add3A_9 = arith.addf %dot_general3A_5, %add3A : vector<1280x128xf32>
    %max3A = arith.constant 0.000000e+00 : f32
    %max3A_10 = vector.broadcast %max3A : f32 to vector<1280x128xf32>
    %max3A_11 = arith.maximumf %add3A_9, %max3A_10 : vector<1280x128xf32>
    %get3A_12 = arith.constant 0 : index
    %get3A_13 = arith.constant 0 : index
    %get3A_14 = arith.constant 0 : index
    %get3A_15 = vector.load %arg2[%get3A_12, %get3A_13, %get3A_14] : memref<1x1x1280xi32, #tpu.memory_space<vmem>>, vector<1x1x1280xi32>
    %get3A_16 = vector.shape_cast %get3A_15 : vector<1x1x1280xi32> to vector<1280xi32>
    %iota3A = tpu.iota {dimensions = array<i32: 0>} : vector<128x1280xi32>
    %broadcast_in_dim3A = vector.shape_cast %get3A_16 : vector<1280xi32> to vector<1x1280xi32>
    %eq3A = vector.broadcast %broadcast_in_dim3A : vector<1x1280xi32> to vector<128x1280xi32>
    %eq3A_17 = arith.cmpi eq, %eq3A, %iota3A : vector<128x1280xi32>
    %convert_element_type3A = arith.extui %eq3A_17 : vector<128x1280xi1> to vector<128x1280xi32>
    %convert_element_type3A_18 = arith.sitofp %convert_element_type3A : vector<128x1280xi32> to vector<128x1280xf32>
    %dot_general3A_19 = arith.constant dense<0.000000e+00> : vector<128x128xf32>
    %dot_general3A_20 = tpu.matmul %convert_element_type3A_18, %max3A_11, %dot_general3A_19 {dimension_numbers = #tpu.dot_dimension_numbers<[1], [0], [0], [1], [0, 0, 1, 1], [], []>, transpose_lhs_hint = false} : vector<128x1280xf32>, vector<1280x128xf32>, vector<128x128xf32> -> vector<128x128xf32>
    %eq3A_21 = arith.constant 0 : i32
    %eq3A_22 = arith.cmpi eq, %arg0, %eq3A_21 : i32
    %convert_element_type3A_23 = arith.extui %eq3A_22 : i1 to i32
    %cond3A = arith.constant 0 : i32
    %cond3A_24 = arith.cmpi ne, %convert_element_type3A_23, %cond3A : i32
    scf.if %cond3A_24 {
      %swap3A = arith.constant 0 : index
      %swap3A_34 = arith.constant 0 : index
      %swap3A_35 = vector.load %arg10[%swap3A, %swap3A_34] : memref<128x128xf32, #tpu.memory_space<vmem>>, vector<128x128xf32>
      tpu.vector_store %arg10[%swap3A, %swap3A_34], %dot_general3A_20 {strides = array<i32>} : memref<128x128xf32, #tpu.memory_space<vmem>>, vector<128x128xf32>,
    } else {
    }
    %gt3A = arith.constant 0 : i32
    %gt3A_25 = arith.cmpi sgt, %arg0, %gt3A : i32
    %convert_element_type3A_26 = arith.extui %gt3A_25 : i1 to i32
    %cond3A_27 = arith.constant 0 : i32
    %cond3A_28 = arith.cmpi ne, %convert_element_type3A_26, %cond3A_27 : i32
    scf.if %cond3A_28 {
      %get3A_34 = arith.constant 0 : index
      %get3A_35 = arith.constant 0 : index
      %get3A_36 = vector.load %arg10[%get3A_34, %get3A_35] : memref<128x128xf32, #tpu.memory_space<vmem>>, vector<128x128xf32>
      %add3A_37 = arith.addf %get3A_36, %dot_general3A_20 : vector<128x128xf32>
      %swap3A = arith.constant 0 : index
      %swap3A_38 = arith.constant 0 : index
      %swap3A_39 = vector.load %arg10[%swap3A, %swap3A_38] : memref<128x128xf32, #tpu.memory_space<vmem>>, vector<128x128xf32>
      tpu.vector_store %arg10[%swap3A, %swap3A_38], %add3A_37 {strides = array<i32>} : memref<128x128xf32, #tpu.memory_space<vmem>>, vector<128x128xf32>,
    } else {
    }
    %eq3A_29 = arith.constant 7 : i32
    %eq3A_30 = arith.cmpi eq, %arg0, %eq3A_29 : i32
    %convert_element_type3A_31 = arith.extui %eq3A_30 : i1 to i32
    %cond3A_32 = arith.constant 0 : i32
    %cond3A_33 = arith.cmpi ne, %convert_element_type3A_31, %cond3A_32 : i32
    scf.if %cond3A_33 {
      %get3A_34 = arith.constant 0 : index
      %get3A_35 = arith.constant 0 : index
      %get3A_36 = vector.load %arg10[%get3A_34, %get3A_35] : memref<128x128xf32, #tpu.memory_space<vmem>>, vector<128x128xf32>
      %max3A_37 = arith.constant 0.000000e+00 : f32
      %max3A_38 = vector.broadcast %max3A_37 : f32 to vector<128x128xf32>
      %max3A_39 = arith.maximumf %get3A_36, %max3A_38 : vector<128x128xf32>
      %get3A_40 = arith.constant 0 : index
      %get3A_41 = arith.constant 0 : index
      %get3A_42 = vector.load %arg5[%get3A_40, %get3A_41] : memref<128x128xf32, #tpu.memory_space<vmem>>, vector<128x128xf32>
      %dot_general3A_43 = arith.constant dense<0.000000e+00> : vector<128x128xf32>
      %dot_general3A_44 = tpu.matmul %max3A_39, %get3A_42, %dot_general3A_43 {dimension_numbers = #tpu.dot_dimension_numbers<[1], [0], [0], [1], [0, 0, 1, 1], [], []>, transpose_lhs_hint = false} : vector<128x128xf32>, vector<128x128xf32>, vector<128x128xf32> -> vector<128x128xf32>
      %get3A_45 = arith.constant 0 : index
      %get3A_46 = arith.constant 0 : index
      %get3A_47 = vector.load %arg6[%get3A_45, %get3A_46] : memref<1x128xf32, #tpu.memory_space<vmem>>, vector<1x128xf32>
      %add3A_48 = vector.broadcast %get3A_47 : vector<1x128xf32> to vector<128x128xf32>
      %add3A_49 = arith.addf %dot_general3A_44, %add3A_48 : vector<128x128xf32>
      %max3A_50 = arith.constant 0.000000e+00 : f32
      %max3A_51 = vector.broadcast %max3A_50 : f32 to vector<128x128xf32>
      %max3A_52 = arith.maximumf %add3A_49, %max3A_51 : vector<128x128xf32>
      %get3A_53 = arith.constant 0 : index
      %get3A_54 = arith.constant 0 : index
      %get3A_55 = vector.load %arg7[%get3A_53, %get3A_54] : memref<128x10xf32, #tpu.memory_space<vmem>>, vector<128x10xf32>
      %dot_general3A_56 = arith.constant dense<0.000000e+00> : vector<128x10xf32>
      %dot_general3A_57 = tpu.matmul %max3A_52, %get3A_55, %dot_general3A_56 {dimension_numbers = #tpu.dot_dimension_numbers<[1], [0], [0], [1], [0, 0, 1, 1], [], []>, transpose_lhs_hint = false} : vector<128x128xf32>, vector<128x10xf32>, vector<128x10xf32> -> vector<128x10xf32>
      %get3A_58 = arith.constant 0 : index
      %get3A_59 = arith.constant 0 : index
      %get3A_60 = vector.load %arg8[%get3A_58, %get3A_59] : memref<1x10xf32, #tpu.memory_space<vmem>>, vector<1x10xf32>
      %add3A_61 = vector.broadcast %get3A_60 : vector<1x10xf32> to vector<128x10xf32>
      %add3A_62 = arith.addf %dot_general3A_57, %add3A_61 : vector<128x10xf32>
      %reduce_max3A = arith.constant dense<0xFF800000> : vector<128xf32>
      %reduce_max3A_63 = vector.multi_reduction <maximumf>, %add3A_62, %reduce_max3A [1] : vector<128x10xf32> to vector<128xf32>
      %broadcast_in_dim3A_64 = vector.shape_cast %reduce_max3A_63 : vector<128xf32> to vector<128x1xf32>
      %sub3A = vector.broadcast %broadcast_in_dim3A_64 : vector<128x1xf32> to vector<128x10xf32>
      %sub3A_65 = arith.subf %add3A_62, %sub3A : vector<128x10xf32>
      %exp3A = math.exp %sub3A_65 : vector<128x10xf32>
      %reduce_sum3A = arith.constant dense<0.000000e+00> : vector<128xf32>
      %reduce_sum3A_66 = vector.multi_reduction <add>, %exp3A, %reduce_sum3A [1] : vector<128x10xf32> to vector<128xf32>
      %broadcast_in_dim3A_67 = vector.shape_cast %reduce_sum3A_66 : vector<128xf32> to vector<128x1xf32>
      %log3A = math.log %broadcast_in_dim3A_67 : vector<128x1xf32>
      %add3A_68 = arith.addf %broadcast_in_dim3A_64, %log3A : vector<128x1xf32>
      %sub3A_69 = vector.broadcast %add3A_68 : vector<128x1xf32> to vector<128x10xf32>
      %sub3A_70 = arith.subf %add3A_62, %sub3A_69 : vector<128x10xf32>
      %swap3A = arith.constant 0 : index
      %swap3A_71 = arith.constant 0 : index
      %swap3A_72 = vector.load %arg9[%swap3A, %swap3A_71] : memref<128x10xf32, #tpu.memory_space<vmem>>, vector<128x10xf32>
      tpu.vector_store %arg9[%swap3A, %swap3A_71], %sub3A_70 {strides = array<i32>} : memref<128x10xf32, #tpu.memory_space<vmem>>, vector<128x10xf32>,
    } else {
    }
    return
  }
  func.func @transform_0(%arg0: i32) -> (i32, i32) {
    %c0_i32 = arith.constant 0 : i32
    %c0_i32_0 = arith.constant 0 : i32
    return %arg0, %c0_i32 : i32, i32
  }
  func.func @transform_1(%arg0: i32) -> (i32, i32, i32) {
    %c0_i32 = arith.constant 0 : i32
    %c0_i32_0 = arith.constant 0 : i32
    %c0_i32_1 = arith.constant 0 : i32
    return %arg0, %c0_i32, %c0_i32_0 : i32, i32, i32
  }
  func.func @transform_2(%arg0: i32) -> (i32, i32) {
    %c0_i32 = arith.constant 0 : i32
    %c0_i32_0 = arith.constant 0 : i32
    %c0_i32_1 = arith.constant 0 : i32
    return %c0_i32, %c0_i32_0 : i32, i32
  }
  func.func @transform_3(%arg0: i32) -> (i32, i32) {
    %c0_i32 = arith.constant 0 : i32
    %c0_i32_0 = arith.constant 0 : i32
    %c0_i32_1 = arith.constant 0 : i32
    return %c0_i32, %c0_i32_0 : i32, i32
  }
  func.func @transform_4(%arg0: i32) -> (i32, i32) {
    %c0_i32 = arith.constant 0 : i32
    %c0_i32_0 = arith.constant 0 : i32
    %c0_i32_1 = arith.constant 0 : i32
    return %c0_i32, %c0_i32_0 : i32, i32
  }
  func.func @transform_5(%arg0: i32) -> (i32, i32) {
    %c0_i32 = arith.constant 0 : i32
    %c0_i32_0 = arith.constant 0 : i32
    %c0_i32_1 = arith.constant 0 : i32
    return %c0_i32, %c0_i32_0 : i32, i32
  }
  func.func @transform_6(%arg0: i32) -> (i32, i32) {
    %c0_i32 = arith.constant 0 : i32
    %c0_i32_0 = arith.constant 0 : i32
    %c0_i32_1 = arith.constant 0 : i32
    return %c0_i32, %c0_i32_0 : i32, i32
  }
  func.func @transform_7(%arg0: i32) -> (i32, i32) {
    %c0_i32 = arith.constant 0 : i32
    %c0_i32_0 = arith.constant 0 : i32
    %c0_i32_1 = arith.constant 0 : i32
    return %c0_i32, %c0_i32_0 : i32, i32
  }
  func.func @transform_8(%arg0: i32) -> (i32, i32) {
    %c0_i32 = arith.constant 0 : i32
    %c0_i32_0 = arith.constant 0 : i32
    %c0_i32_1 = arith.constant 0 : i32
    return %c0_i32, %c0_i32_0 : i32, i32
  }
}

</mosaic_0001>

<sc_bundles>
// kernel: kernel.10.cloned.1.call-start
scs
__scs_entry_jumppad:
0x0: {  	(pc) =	sbr.rel $0x88, $3  }
0x1: {  	(tag) =	ssettag $0x0;
	lr =	simm.s32 $0x1  }
0x2: {  	[smem:$0x3F94] =	sst lr;
	_ =	strace $0xD0000000  }
0x3: {  	_ = 	snop  }
0x4: {  	_ = 	snop  }
0x5: {  	_ = 	snop  }
0x6: {  	_ = 	snop  }
0x7: {  	_ = 	snop  }
__scs_overlays_trampoline_lowered:
0x8: {  	[smem:$0x3FA3] =	sst s0  }
0x9: {  	[smem:$0x3FA4] =	sst s1  }
0xa: {  	[smem:$0x3FA5] =	sst s2  }
0xb: {  	[smem:$0x3FA6] =	sst s3  }
0xc: {  	[smem:$0x3FA7] =	sst s4  }
0xd: {  	[smem:$0x3FA8] =	sst s5  }
0xe: {  	[smem:$0x3FA9] =	sst s6  }
0xf: {  	[smem:$0x3FAA] =	sst s7  }
0x10: {  	[smem:$0x3FAB] =	sst s8  }
0x11: {  	[smem:$0x3FAC] =	sst s9;
	s0 =	simm.s32 @!p0 $0x0  }
0x12: {  	s1 =	sld [smem:$0x3F92];
	s0 =	simm.s32 @p0 $0x1  }
0x13: {  	[smem:$0x3FAD] =	sst s0;
	s0 =	simm.s32 @!p1 $0x0  }
0x14: {  	s2 =	sld [smem:$0x3F91];
	s0 =	simm.s32 @p1 $0x1  }
0x15: {  	[smem:$0x3FAE] =	sst s0;
	s0 =	simm.s32 @!p2 $0x0  }
0x16: {  	s3 =	sld [smem:$0x3FDB];
	s0 =	simm.s32 @p2 $0x1  }
0x17: {  	s4 =	simm.s32 $0x1BF5;
	[smem:$0x3FB0] =	sst s0  }
0x18: {  	s0 =	sld [smem:$0x3F93];
	_ =	swait.ge [sflag:s4], $0x0  }
0x19: {  	s7 =	sld [smem:$0x3F94]  }
0x1a: {  	s8 =	sadd.s32 $0xFFFFE003, lr  }
0x1b: {  	s9 =	sadd.s32 $0xFFFFFEF7, lr;
	s5 =	simm.s32 $0xFFFFFFFF;
	p2 =	slt.u32 s8, $0xFFFFF086  }
0x1c: {  	p1 =	slt.u32 s9, $0xF7A;
	s5 =	simm.s32 @!p2 $0x0  }
0x1d: {  	s5 =	simm.s32 @p1 $0x1;
	p0 =	seq.s32 s7, s2  }
0x1e: {  	s7 =	smul.u32 @!p0 $0xF7A, s2;
	p2 =	seq.s32 @!p0 s5, $0x0  }
0x1f: {  	s9 =	smul.u32 $0xF7A, s1;
	s8 =	simm.s32 @!p0 $0x1BF5;
	p2 =	por !p2, p0  }
0x20: {  	[sflag:s8] =	ssyncset.s32 @!p0 $0xFFFFF086;
	s6 =	sadd.s32 @!p0 s3, s7;
	s7 =	simm.s32 @!p0 $0x108  }
0x21: {  	s3 =	sadd.s32 s3, s9;
	s6 =	sadd.s32 @!p0 $0x88, s6;
	s7 =	simm.s32 @p2 $0x1082  }
0x22: {  	[simem:s7], [sflag:s8] =	dma.local @!p0 [hbm:s6], $0xF7A  }
0x23: {  	s9 =	sor.u32 $0xD0000000, s2;
	s6 =	simm.s32 $0x108;
	_ =	swait.ge @!p0 [sflag:s8], $0x0  }
0x24: {  	s3 =	sadd.s32 $0x88, s3;
	s6 =	simm.s32 @!p1 $0x1082;
	[sflag:s4] =	ssyncset.s32 $0xFFFFF086  }
0x25: {  	[simem:s6], [sflag:s4] =	dma.local [hbm:s3], $0xF7A  }
0x26: {  	[smem:$0x3F94] =	sst s1;
	(tag) =	ssettag s2;
	_ =	strace s9  }
0x27: {  	s1 =	sld [smem:$0x3FA4]  }
0x28: {  	s2 =	sld [smem:$0x3FA5]  }
0x29: {  	s4 =	sld [smem:$0x3FA7]  }
0x2a: {  	p0 =	seq.s32 s5, $0x0;
	s5 =	sld [smem:$0x3FA8]  }
0x2b: {  	s6 =	sld [smem:$0x3FA9]  }
0x2c: {  	s7 =	sld [smem:$0x3FAA]  }
0x2d: {  	s3 =	simm.s32 $0x108;
	s8 =	sld [smem:$0x3FAB]  }
0x2e: {  	s3 =	simm.s32 @!p0 $0x1082;
	s9 =	sld [smem:$0x3FAC]  }
0x2f: {  	lr =	sadd.s32 s0, s3;
	s0 =	sld [smem:$0x3FA3]  }
0x30: {  	s3 =	sld [smem:$0x3FA6]  }
0x31: {  	[smem:$0x3FAF] =	sst s10  }
0x32: {  	s10 =	sld [smem:$0x3FAD];
	_ =	sdelay $0x3  }
0x33: {  	p0 =	seq.s32 s10, $0x1;
	s10 =	sld [smem:$0x3FAF];
	_ =	sdelay $0x3  }
0x34: {  	[smem:$0x3FAF] =	sst s10  }
0x35: {  	s10 =	sld [smem:$0x3FAE];
	_ =	sdelay $0x3  }
0x36: {  	p1 =	seq.s32 s10, $0x1;
	s10 =	sld [smem:$0x3FAF];
	_ =	sdelay $0x3  }
0x37: {  	[smem:$0x3FAF] =	sst s10  }
0x38: {  	s10 =	sld [smem:$0x3FB0]  }
0x39: {  	_ = 	snop;
	(pc) =	sbr.ind lr, $3  }
0x3a: {  	_ = 	snop  }
0x3b: {  	_ = 	snop  }
0x3c: {  	p2 =	seq.s32 s10, $0x1;
	s10 =	sld [smem:$0x3FAF]  }
0x3d: {  	_ =	shalt  }
0x3e: {  	_ =	shalt  }
0x3f: {  	_ =	shalt  }
0x40: {  	_ =	shalt  }
0x41: {  	_ =	shalt  }
0x42: {  	_ =	shalt  }
0x43: {  	_ =	shalt  }
0x44: {  	_ =	shalt  }
0x45: {  	_ =	shalt  }
0x46: {  	_ =	shalt  }
0x47: {  	_ =	shalt  }
0x48: {  	_ =	shalt  }
0x49: {  	_ =	shalt  }
0x4a: {  	_ =	shalt  }
0x4b: {  	_ =	shalt  }
0x4c: {  	_ =	shalt  }
0x4d: {  	_ =	shalt  }
0x4e: {  	_ =	shalt  }
0x4f: {  	_ =	shalt  }
0x50: {  	_ =	shalt  }
0x51: {  	_ =	shalt  }
0x52: {  	_ =	shalt  }
0x53: {  	_ =	shalt  }
0x54: {  	_ =	shalt  }
0x55: {  	_ =	shalt  }
0x56: {  	_ =	shalt  }
0x57: {  	_ =	shalt  }
0x58: {  	_ =	shalt  }
0x59: {  	_ =	shalt  }
0x5a: {  	_ =	shalt  }
0x5b: {  	_ =	shalt  }
0x5c: {  	_ =	shalt  }
0x5d: {  	_ =	shalt  }
0x5e: {  	_ =	shalt  }
0x5f: {  	_ =	shalt  }
0x60: {  	_ =	shalt  }
0x61: {  	_ =	shalt  }
0x62: {  	_ =	shalt  }
0x63: {  	_ =	shalt  }
0x64: {  	_ =	shalt  }
0x65: {  	_ =	shalt  }
0x66: {  	_ =	shalt  }
0x67: {  	_ =	shalt  }
0x68: {  	_ =	shalt  }
0x69: {  	_ =	shalt  }
0x6a: {  	_ =	shalt  }
0x6b: {  	_ =	shalt  }
0x6c: {  	_ =	shalt  }
0x6d: {  	_ =	shalt  }
0x6e: {  	_ =	shalt  }
0x6f: {  	_ =	shalt  }
0x70: {  	_ =	shalt  }
0x71: {  	_ =	shalt  }
0x72: {  	_ =	shalt  }
0x73: {  	_ =	shalt  }
0x74: {  	_ =	shalt  }
0x75: {  	_ =	shalt  }
0x76: {  	_ =	shalt  }
0x77: {  	_ =	shalt  }
0x78: {  	_ =	shalt  }
0x79: {  	_ =	shalt  }
0x7a: {  	_ =	shalt  }
0x7b: {  	_ =	shalt  }
0x7c: {  	_ =	shalt  }
0x7d: {  	_ =	shalt  }
0x7e: {  	_ =	shalt  }
0x7f: {  	_ =	shalt  }
0x80: {  	_ =	shalt  }
0x81: {  	_ =	shalt  }
0x82: {  	_ =	shalt  }
0x83: {  	_ =	shalt  }
0x84: {  	_ =	shalt  }
0x85: {  	_ =	shalt  }
0x86: {  	_ =	shalt  }
0x87: {  	_ =	shalt  }
.Lfunc_end0:
.L_simem_size_0:
called_computation_lowered:
.L_overlay_start_0:
0x88: {  	s2 =	sld [smem:$0x3FD9]  }
0x89: {  	s3 =	sld [smem:$0x3FFE];
	_ =	sdelay $0x1  }
0x8a: {  	s1 =	srdreg.scid  }
0x8b: {  	s0 =	sand.u32 $0x1, s1  }
0x8c: {  	s16 =	sshll.u32 s0, $0xA;
	s2 =	sadd.s32 s3, s2  }
0x8d: {  	s2 =	sadd.s32 s2, s16  }
0x8e: {  	[smem:$0x3FBB] =	sst s2  }
0x8f: {  	_ = 	snop  }
0x90: {  	(tm) =	ssettm $0x1  }
0x91: {  	s17 =	sld [smem:$0x3FFB];
	_ =	sdelay $0x3  }
0x92: {  	_ =	strace s17  }
0x93: {  	s2 =	sld [smem:$0x3FFC];
	_ =	sdelay $0x3  }
0x94: {  	_ =	strace s2  }
0x95: {  	s2 =	sld [smem:$0x3FFD];
	_ =	sdelay $0x3  }
0x96: {  	_ =	strace s2  }
0x97: {  	_ =	strace $0x8FFFFFFF  }
0x98: {  	s18 =	sld [smem:$0x3FDB];
	_ =	sdelay $0x1  }
0x99: {  	s19 =	simm.s32 $_scs_section_size  }
0x9a: {  	s4 =	simm.s32 $_size__tile_overlayer_lowered;
	s5 =	simm.s32 $_tile_overlayer_lowered  }
0x9b: {  	s22 =	simm.s32 $0x1BFF;
	s21 =	sshll.u32 s5, $0x1;
	s2 =	sadd.s32 s19, s18  }
0x9c: {  	s6 =	simm.s32 $0x0;
	s20 =	sshll.u32 s4, $0x1;
	s4 =	sadd.s32 s21, s2  }
0x9d: {  	[timem:s6], [sflag:s22] =	dma.local [hbm:s4], s20  }
0x9e: {  	_ =	swait.ge [sflag:s22], s20  }
0x9f: {  	s3 =	ssub.s32 $0x0, s20;
	[sflag:s22] =	ssyncset.done $0x0  }
0xa0: {  	[sflag:s22] =	ssyncadd.s32 s3;
	_ =	sdelay $0x1  }
0xa1: {  	s23 =	simm.s32 $0x1B8B  }
0xa2: {  	_ =	swait.ge [sflag:s23], $0x1  }
0xa3: {  	[sflag:s23] =	ssyncset.done $0x0  }
0xa4: {  	s25 =	simm.s32 $0x1B8E;
	s24 =	sld [smem:$0x3FFE];
	[sflag:s23] =	ssyncadd.s32 $0xFFFFFFFF  }
0xa5: {  	s26 =	simm.s32 $execute0_lowered;
	[smem:$0x3FD2] =	sst s25  }
0xa6: {  	s4 =	sshll.u32 s26, $0x1;
	_ =	strace $0x80000046;
	[dreg:$0x1] =	wrdreg $0xFFFFFFFF  }
0xa7: {  	s28 =	simm.s32 $_size_execute0_lowered;
	s2 =	sadd.s32 s2, s4;
	[dreg:$0x0] =	wrdreg $0x0  }
0xa8: {  	s4 =	sshll.u32 s28, $0x1;
	[dreg:$0x2] =	wrdreg s2  }
0xa9: {  	[dreg:$0x3] =	wrdreg s4  }
0xaa: {  	[dreg:$0x4] =	wrdreg $0xC0  }
0xab: {  	_ =	task [dreg:s6], $0x5FFFF  }
0xac: {  	[dreg:$0x1] =	wrdreg $0xFFFFFFFF  }
0xad: {  	[dreg:$0x0] =	wrdreg $0x60  }
0xae: {  	[dreg:$0x2] =	wrdreg s24  }
0xaf: {  	[dreg:$0x3] =	wrdreg $0xA8000  }
0xb0: {  	[dreg:$0x4] =	wrdreg $0x9  }
0xb1: {  	_ =	task.clear_ibuf [dreg:s6], $0x5FFFF;
	_ =	strace $0x90000046  }
0xb2: {  	s29 =	simm.s32 $0x9;
	_ =	strace $0x8000004B  }
0xb3: {  	_ =	swait.ge [sflag:s29], $0x1  }
0xb4: {  	[sflag:s29] =	ssyncadd.s32 $0xFFFFFFFF  }
0xb5: {  	_ =	strace $0x9000004B  }
0xb6: {  	_ =	sfence  }
0xb7: {  	s30 =	sld [smem:$0x0];
	_ =	sdelay $0x2  }
0xb8: {  	s31 =	sshll.u32 s1, $0xD;
	s1 =	sshrl.u32 s1, $0x2  }
0xb9: {  	s3 =	sand.u32 $0x4000, s31;
	s1 =	sadd.s32 s1, s30  }
0xba: {  	s0 =	sor.u32 s3, s0;
	s1 =	sshll.u32 s1, $0x11  }
0xbb: {  	s0 =	sor.u32 s1, s0  }
0xbc: {  	s0 =	sadd.s32 $0x8F2B, s0  }
0xbd: {  	[sflag:s0] =	ssyncadd.remote.s32 $0x1  }
0xbe: {  	_ =	sfence.sel $0xFFFF  }
0xbf: {  	[dreg:$0x0] =	wrdreg $0xFFFFFFFF;
	(pc) =	sbr.abs _section_cstart, $3  }
0xc0: {  	[dreg:$0x1] =	wrdreg $0xFFFFFFFF  }
0xc1: {  	_ =	task.clear_ibuf [dreg:s6], $0x2FFFF;
	_ =	strace $0x9FFFFFFF  }
0xc2: {  	(tm) =	ssettm $0x7FFFFFFF  }
0xc3: {  	_ =	shalt  }
tec
execute0_lowered:
.L_overlay_start_1:
0x0: {  	(tag) =	ssettag $0x1  }
0x1: {  	s0 =	rddreg [dreg:$0x0]  }
0x2: {  	s1 =	rddreg [dreg:$0x1];
	s2 =	srdreg.scid;
	s11 =	simm.s32 $0x0  }
0x3: {  	s3 =	stileid.u32;
	s13 =	simm.s32 $0x9;
	s14 =	simm.s32 $0x1400  }
0x4: {  	s15 =	simm.s32 $0x40;
	s16 =	simm.s32 $0x2800;
	s17 =	simm.s32 $0x80  }
0x5: {  	s18 =	simm.s32 $0x4800;
	s19 =	simm.s32 $0x100;
	s20 =	simm.s32 $0x6800  }
0x6: {  	s28 =	simm.s32 $0x5;
	s29 =	simm.s32 $0x6;
	s30 =	simm.s32 $0x7  }
0x7: {  	s31 =	simm.s32 $0x8;
	s2 =	sand.u32 $0x1, s2;
	[smem:$0x7FF] =	sst s11  }
0x8: {  	s8 =	smul.u32 $0x14000, s3;
	s4 =	sadd.s32 $0x2B200, s0;
	s5 =	sadd.s32 $0x3200, s0  }
0x9: {  	s6 =	sadd.s32 $0x17200, s0;
	s21 =	sadd.s32 $0x53200, s0;
	s22 =	smul.u32 $0x50000, s3  }
0xa: {  	s9 =	sshll.u32 s3, $0x1;
	s26 =	sshll.u32 s3, $0x6;
	s7 =	smul.u32 $0x140000, s2  }
0xb: {  	_ =	strace $0x80000047;
	[dreg:$0x4] =	wrdreg s21;
	s23 =	ssub.s32 $0x2, s2  }
0xc: {  	s2 =	sor.u32 s2, s9;
	s21 =	simm.s32 $0x180;
	s9 =	simm.s32 $0x2780  }
0xd: {  	s10 =	sshrl.u32 s23, $0x1;
	s7 =	sadd.s32 s8, s7;
	s8 =	sshrl.u32 s22, $0x2  }
0xe: {  	s22 =	simm.s32 $0x8800;
	s7 =	sshrl.u32 s7, $0x3;
	s24 =	sadd.s32 s8, s1  }
0xf: {  	s8 =	smul.u32 $0x5000, s2;
	s2 =	simm.s32 $0x2680;
	s0 =	sadd.s32 s7, s0  }
0x10: {  	s7 =	ssub.s32 s23, s10;
	s10 =	sor.u32 $0x1C09, s26;
	s12 =	sshrl.u32 s24, $0x3  }
0x11: {  	s23 =	simm.s32 $0x1;
	s24 =	simm.s32 $0x2;
	[dreg:$0x7] =	wrdreg s10  }
0x12: {  	s26 =	simm.s32 $0x4;
	s0 =	sadd.s32 $0x55A00, s0;
	[dreg:$0x8] =	wrdreg s12  }
0x13: {  	s25 =	smax.u32 s7, $0x1;
	s7 =	simm.s32 $0x2700;
	[dreg:$0x5] =	wrdreg s0  }
0x14: {  	[dreg:$0x6] =	wrdreg s25;
	s25 =	simm.s32 $0x3;
	s0 =	simm.s32 $0x2600  }
.LBB2_1:
0x15: {  	[dreg:$0x3] =	wrdreg s11  }
0x16: {  	_ =	strace $0x80000048  }
0x17: {  	s3 =	rddreg [dreg:$0x4]  }
0x18: {  	[spmem:s12], [sflag:s10] =	dma.local [hbm:s3], $0x2800  }
0x19: {  	_ =	swait.ge [sflag:s13], $0x2800  }
0x1a: {  	[sflag:s13] =	ssyncset.done $0x0  }
0x1b: {  	[sflag:s13] =	ssyncadd.s32 $0xFFFFD800  }
0x1c: {  	[bflag:$0x0] =	sbarrier.arrive $0xFFFF  }
0x1d: {  	_ =	strace $0x90000048  }
0x1e: {  	s10 =	simm.s32 $0x0;
	_ =	strace $0x80000049  }
.LBB2_2:
0x1f: {  	s11 =	smul.u32 $0x1400, s10;
	_ =	sdelay $0x1  }
0x20: {  	s11 =	sadd.s32 s8, s11  }
0x21: {  	s11 =	sshrl.u32 s11, $0x3  }
0x22: {  	s3 =	simm.s32 $0x0;
	s12 =	sadd.s32 s5, s11  }
0x23: {  	[tilespmem:s3], [sflag:$0x9] =	stream.linear.gather [hbm4b:s12+s3], $0x1400, $0x200038;
	[tilespmem:$0x1E800] =	vst v63  }
0x24: {  	_ =	swait.ge [sflag:s13], $0x1400  }
0x25: {  	[sflag:s13] =	ssyncset.done $0x0  }
0x26: {  	s11 =	sadd.s32 s6, s11;
	[sflag:s13] =	ssyncadd.s32 $0xFFFFEC00  }
0x27: {  	[tilespmem:s14], [sflag:$0x9] =	stream.linear.gather [hbm4b:s11+s3], $0x1400, $0x200038;
	[tilespmem:$0x1E800] =	vst v63  }
0x28: {  	_ =	swait.ge [sflag:s13], $0x1400  }
0x29: {  	[sflag:s13] =	ssyncset.done $0x0  }
0x2a: {  	[sflag:s13] =	ssyncadd.s32 $0xFFFFEC00  }
0x2b: {  	[tilespmem:s16], [sflag:$0x1] =	stream.indirect.gather [hbm4b:s4+s15], $0x80, s3, s15, $0x2000b8;
	[tilespmem:$0x1E800] =	vst v63  }
0x2c: {  	_ = 	snop  }
0x2d: {  	[tilespmem:s18], [sflag:$0x2] =	stream.indirect.gather [hbm4b:s4+s15], $0x80, s17, s15, $0x2000b8;
	[tilespmem:$0x1E800] =	vst v63  }
0x2e: {  	_ = 	snop  }
0x2f: {  	[tilespmem:s20], [sflag:$0x3] =	stream.indirect.gather [hbm4b:s4+s15], $0x80, s19, s15, $0x2000b8;
	[tilespmem:$0x1E800] =	vst v63  }
0x30: {  	_ = 	snop  }
0x31: {  	[tilespmem:s22], [sflag:$0x4] =	stream.indirect.gather [hbm4b:s4+s15], $0x80, s21, s15, $0x2000b8;
	[tilespmem:$0x1E800] =	vst v63  }
0x32: {  	_ =	swait.ge [sflag:s23], $0x2000  }
0x33: {  	[sflag:s23] =	ssyncset.done $0x0  }
0x34: {  	s12 =	simm.s32 $0x1400;
	[sflag:s23] =	ssyncadd.s32 $0xFFFFE000  }
0x35: {  	[spmem:s1] =	stream.indirect.scatter.add.f32 [tilespmem:s16], [sflag:$0x5], $0x80, s12, s15, $0x2000b8;
	[tilespmem:$0x1E800] =	vst v63  }
0x36: {  	_ =	swait.ge [sflag:s24], $0x2000  }
0x37: {  	[sflag:s24] =	ssyncset.done $0x0  }
0x38: {  	s11 =	simm.s32 $0x1480;
	[sflag:s24] =	ssyncadd.s32 $0xFFFFE000  }
0x39: {  	[spmem:s1] =	stream.indirect.scatter.add.f32 [tilespmem:s18], [sflag:$0x6], $0x80, s11, s15, $0x2000b8;
	[tilespmem:$0x1E800] =	vst v63  }
0x3a: {  	_ =	swait.ge [sflag:s25], $0x2000  }
0x3b: {  	[sflag:s25] =	ssyncset.done $0x0  }
0x3c: {  	s12 =	simm.s32 $0x1500;
	[sflag:s25] =	ssyncadd.s32 $0xFFFFE000  }
0x3d: {  	[spmem:s1] =	stream.indirect.scatter.add.f32 [tilespmem:s20], [sflag:$0x7], $0x80, s12, s15, $0x2000b8;
	[tilespmem:$0x1E800] =	vst v63  }
0x3e: {  	_ =	swait.ge [sflag:s26], $0x2000  }
0x3f: {  	[sflag:s26] =	ssyncset.done $0x0  }
0x40: {  	s11 =	simm.s32 $0x1580;
	[sflag:s26] =	ssyncadd.s32 $0xFFFFE000  }
0x41: {  	[spmem:s1] =	stream.indirect.scatter.add.f32 [tilespmem:s22], [sflag:$0x8], $0x80, s11, s15, $0x2000b8;
	[tilespmem:$0x1E800] =	vst v63  }
0x42: {  	_ =	swait.ge [sflag:s28], $0x2000  }
0x43: {  	[sflag:s28] =	ssyncset.done $0x0  }
0x44: {  	s12 =	simm.s32 $0x200;
	[sflag:s28] =	ssyncadd.s32 $0xFFFFE000  }
0x45: {  	[tilespmem:s16], [sflag:$0x1] =	stream.indirect.gather [hbm4b:s4+s15], $0x80, s12, s15, $0x2000b8;
	[tilespmem:$0x1E800] =	vst v63  }
0x46: {  	_ =	swait.ge [sflag:s29], $0x2000  }
0x47: {  	[sflag:s29] =	ssyncset.done $0x0  }
0x48: {  	s11 =	simm.s32 $0x280;
	[sflag:s29] =	ssyncadd.s32 $0xFFFFE000  }
0x49: {  	[tilespmem:s18], [sflag:$0x2] =	stream.indirect.gather [hbm4b:s4+s15], $0x80, s11, s15, $0x2000b8;
	[tilespmem:$0x1E800] =	vst v63  }
0x4a: {  	_ =	swait.ge [sflag:s30], $0x2000  }
0x4b: {  	[sflag:s30] =	ssyncset.done $0x0  }
0x4c: {  	s12 =	simm.s32 $0x300;
	[sflag:s30] =	ssyncadd.s32 $0xFFFFE000  }
0x4d: {  	[tilespmem:s20], [sflag:$0x3] =	stream.indirect.gather [hbm4b:s4+s15], $0x80, s12, s15, $0x2000b8;
	[tilespmem:$0x1E800] =	vst v63  }
0x4e: {  	_ =	swait.ge [sflag:s31], $0x2000  }
0x4f: {  	[sflag:s31] =	ssyncset.done $0x0  }
0x50: {  	s11 =	simm.s32 $0x800;
	s12 =	simm.s32 $0x380;
	[sflag:s31] =	ssyncadd.s32 $0xFFFFE000  }
.LBB2_3:
0x51: {  	[tilespmem:s22], [sflag:$0x4] =	stream.indirect.gather [hbm4b:s4+s15], $0x80, s12, s15, $0x2000b8;
	[tilespmem:$0x1E800] =	vst v63  }
0x52: {  	s3 =	smov.u32 s11  }
0x53: {  	p0 =	sne.s32 s11, $0x4000;
	s11 =	sadd.s32 $0x800, s11;
	_ =	swait.ge [sflag:s23], $0x2000  }
0x54: {  	s12 =	sshra.s32 s3, $0x2;
	[sflag:s23] =	ssyncset.done $0x0  }
0x55: {  	s3 =	sadd.s32 $0x1400, s12;
	[sflag:s23] =	ssyncadd.s32 $0xFFFFE000  }
0x56: {  	[spmem:s1] =	stream.indirect.scatter.add.f32 [tilespmem:s16], [sflag:$0x5], $0x80, s3, s15, $0x2000b8;
	[tilespmem:$0x1E800] =	vst v63  }
0x57: {  	_ =	swait.ge [sflag:s24], $0x2000  }
0x58: {  	[sflag:s24] =	ssyncset.done $0x0  }
0x59: {  	s3 =	sadd.s32 $0x1480, s12;
	[sflag:s24] =	ssyncadd.s32 $0xFFFFE000  }
0x5a: {  	[spmem:s1] =	stream.indirect.scatter.add.f32 [tilespmem:s18], [sflag:$0x6], $0x80, s3, s15, $0x2000b8;
	[tilespmem:$0x1E800] =	vst v63  }
0x5b: {  	_ =	swait.ge [sflag:s25], $0x2000  }
0x5c: {  	[sflag:s25] =	ssyncset.done $0x0  }
0x5d: {  	s3 =	sadd.s32 $0x1500, s12;
	[sflag:s25] =	ssyncadd.s32 $0xFFFFE000  }
0x5e: {  	[spmem:s1] =	stream.indirect.scatter.add.f32 [tilespmem:s20], [sflag:$0x7], $0x80, s3, s15, $0x2000b8;
	[tilespmem:$0x1E800] =	vst v63  }
0x5f: {  	_ =	swait.ge [sflag:s26], $0x2000  }
0x60: {  	[sflag:s26] =	ssyncset.done $0x0  }
0x61: {  	s3 =	sadd.s32 $0x1580, s12;
	[sflag:s26] =	ssyncadd.s32 $0xFFFFE000  }
0x62: {  	[spmem:s1] =	stream.indirect.scatter.add.f32 [tilespmem:s22], [sflag:$0x8], $0x80, s3, s15, $0x2000b8;
	[tilespmem:$0x1E800] =	vst v63  }
0x63: {  	_ =	swait.ge [sflag:s28], $0x2000  }
0x64: {  	[sflag:s28] =	ssyncset.done $0x0  }
0x65: {  	s3 =	sadd.s32 $0x200, s12;
	[sflag:s28] =	ssyncadd.s32 $0xFFFFE000  }
0x66: {  	[tilespmem:s16], [sflag:$0x1] =	stream.indirect.gather [hbm4b:s4+s15], $0x80, s3, s15, $0x2000b8;
	[tilespmem:$0x1E800] =	vst v63  }
0x67: {  	_ =	swait.ge [sflag:s29], $0x2000  }
0x68: {  	[sflag:s29] =	ssyncset.done $0x0  }
0x69: {  	s3 =	sadd.s32 $0x280, s12;
	[sflag:s29] =	ssyncadd.s32 $0xFFFFE000  }
0x6a: {  	[tilespmem:s18], [sflag:$0x2] =	stream.indirect.gather [hbm4b:s4+s15], $0x80, s3, s15, $0x2000b8;
	[tilespmem:$0x1E800] =	vst v63  }
0x6b: {  	_ =	swait.ge [sflag:s30], $0x2000  }
0x6c: {  	[sflag:s30] =	ssyncset.done $0x0  }
.Ltmp0:
0x6d: {  	s3 =	sadd.s32 $0x300, s12;
	[sflag:s30] =	ssyncadd.s32 $0xFFFFE000;
	(pc) =	sbr.rel @p0 .LBB2_3-.Ltmp0, $4  }
0x6e: {  	[tilespmem:s20], [sflag:$0x3] =	stream.indirect.gather [hbm4b:s4+s15], $0x80, s3, s15, $0x2000b8;
	[tilespmem:$0x1E800] =	vst v63  }
0x6f: {  	_ =	swait.ge [sflag:s31], $0x2000  }
0x70: {  	[sflag:s31] =	ssyncset.done $0x0  }
0x71: {  	s12 =	sadd.s32 $0x380, s12;
	[sflag:s31] =	ssyncadd.s32 $0xFFFFE000  }
0x72: {  	[tilespmem:s22], [sflag:$0x4] =	stream.indirect.gather [hbm4b:s4+s15], $0x80, s12, s15, $0x2000b8;
	[tilespmem:$0x1E800] =	vst v63  }
0x73: {  	_ =	swait.ge [sflag:s23], $0x2000  }
0x74: {  	[sflag:s23] =	ssyncset.done $0x0  }
0x75: {  	[sflag:s23] =	ssyncadd.s32 $0xFFFFE000  }
0x76: {  	[spmem:s1] =	stream.indirect.scatter.add.f32 [tilespmem:s16], [sflag:$0x5], $0x80, s0, s15, $0x2000b8;
	[tilespmem:$0x1E800] =	vst v63  }
0x77: {  	_ =	swait.ge [sflag:s24], $0x2000  }
0x78: {  	[sflag:s24] =	ssyncset.done $0x0  }
0x79: {  	[sflag:s24] =	ssyncadd.s32 $0xFFFFE000  }
0x7a: {  	[spmem:s1] =	stream.indirect.scatter.add.f32 [tilespmem:s18], [sflag:$0x6], $0x80, s2, s15, $0x2000b8;
	[tilespmem:$0x1E800] =	vst v63  }
0x7b: {  	_ =	swait.ge [sflag:s25], $0x2000  }
0x7c: {  	[sflag:s25] =	ssyncset.done $0x0  }
0x7d: {  	[sflag:s25] =	ssyncadd.s32 $0xFFFFE000  }
0x7e: {  	[spmem:s1] =	stream.indirect.scatter.add.f32 [tilespmem:s20], [sflag:$0x7], $0x80, s7, s15, $0x2000b8;
	[tilespmem:$0x1E800] =	vst v63  }
0x7f: {  	_ =	swait.ge [sflag:s26], $0x2000  }
0x80: {  	[sflag:s26] =	ssyncset.done $0x0  }
0x81: {  	[sflag:s26] =	ssyncadd.s32 $0xFFFFE000  }
0x82: {  	[spmem:s1] =	stream.indirect.scatter.add.f32 [tilespmem:s22], [sflag:$0x8], $0x80, s9, s15, $0x2000b8;
	[tilespmem:$0x1E800] =	vst v63  }
0x83: {  	_ =	swait.ge [sflag:s28], $0x2000  }
0x84: {  	[sflag:s28] =	ssyncset.done $0x0  }
0x85: {  	[sflag:s28] =	ssyncadd.s32 $0xFFFFE000  }
0x86: {  	_ =	swait.ge [sflag:s29], $0x2000  }
0x87: {  	[sflag:s29] =	ssyncset.done $0x0  }
0x88: {  	s10 =	sadd.s32 $0x1, s10;
	[sflag:s29] =	ssyncadd.s32 $0xFFFFE000  }
0x89: {  	p0 =	sne.s32 s10, $0x4;
	_ =	swait.ge [sflag:s30], $0x2000  }
.Ltmp1:
0x8a: {  	[sflag:s30] =	ssyncset.done $0x0;
	(pc) =	sbr.rel @p0 .LBB2_2-.Ltmp1, $4  }
0x8b: {  	[sflag:s30] =	ssyncadd.s32 $0xFFFFE000  }
0x8c: {  	_ =	swait.ge [sflag:s31], $0x2000  }
0x8d: {  	[sflag:s31] =	ssyncset.done $0x0  }
0x8e: {  	[sflag:s31] =	ssyncadd.s32 $0xFFFFE000  }
0x8f: {  	_ =	strace $0x90000049  }
0x90: {  	_ =	strace $0x8000004A  }
0x91: {  	[bflag:$0x0] =	sbarrier.arrive $0xFFFF  }
0x92: {  	s3 =	rddreg [dreg:$0x5]  }
0x93: {  	s10 =	rddreg [dreg:$0x7]  }
0x94: {  	s12 =	rddreg [dreg:$0x8]  }
0x95: {  	[hbm:s3], [sflag:s10] =	dma.local [spmem:s12], $0x2800  }
0x96: {  	_ =	swait.ge [sflag:s13], $0x2800  }
0x97: {  	s11 =	rddreg [dreg:$0x3]  }
0x98: {  	s3 =	rddreg [dreg:$0x6];
	s11 =	sadd.s32 $0x1, s11  }
0x99: {  	p0 =	sne.s32 s11, s3  }
.Ltmp2:
0x9a: {  	_ = 	snop;
	(pc) =	sbr.rel @p0 .LBB2_1-.Ltmp2, $4  }
0x9b: {  	_ = 	snop  }
0x9c: {  	[sflag:s13] =	ssyncset.done $0x0  }
0x9d: {  	[sflag:s13] =	ssyncadd.s32 $0xFFFFD800  }
0x9e: {  	_ =	strace $0x9000004A  }
0x9f: {  	_ =	sfence.sel $0x180000  }
0xa0: {  	[bflag:$0x0] =	sbarrier.arrive $0xFFFF  }
0xa1: {  	_ =	strace $0x90000047  }
0xa2: {  	s0 =	stileid.u32;
	[bflag:$0x2] =	sbarrier.arrive $0xFFFF  }
0xa3: {  	p0 =	sne.s32 s0, $0x0;
	s0 =	rddreg [dreg:$0x2]  }
0xa4: {  	s0 =	sadd.s32 @!p0 $0x100000, s0  }
0xa5: {  	[sflag:s0] =	ssyncadd.tile.s32 @!p0 $0x1;
	_ =	shalt  }
.Lfunc_end2:
_tile_overlayer_lowered:
.L_overlay_start_2:
0xa6: {  	(tag) =	ssettag $0x2  }
0xa7: {  	s0 =	rddreg [dreg:$0x0];
	s2 =	stileid.u32  }
0xa8: {  	s1 =	rddreg [dreg:$0x1];
	p0 =	sne.s32 s2, $0x0  }
0xa9: {  	s3 =	rddreg [dreg:$0x2];
	[bflag:$0x3] =	sbarrier.arrive $0xFFFF;
	s2 =	simm.s32 @!p0 $0x1C09  }
0xaa: {  	[timem:s3], [sflag:s2] =	dma.local @!p0 [hbm:s0], s1  }
0xab: {  	s0 =	simm.s32 @!p0 $0x9  }
0xac: {  	_ =	swait.ge @!p0 [sflag:s0], s1  }
0xad: {  	s1 =	ssub.s32 @!p0 $0x0, s1;
	[sflag:s0] =	ssyncset.done @!p0 $0x0  }
0xae: {  	[sflag:s0] =	ssyncadd.s32 @!p0 s1  }
0xaf: {  	[bflag:$0x3] =	sbarrier.arrive $0xFFFF  }
0xb0: {  	_ =	shalt  }

// kernel: kernel.13.cloned.1.call-start
scs
__scs_entry_jumppad:
0x0: {  	(pc) =	sbr.rel $0x88, $3  }
0x1: {  	(tag) =	ssettag $0x0;
	lr =	simm.s32 $0x1  }
0x2: {  	[smem:$0x3F94] =	sst lr;
	_ =	strace $0xD0000000  }
0x3: {  	_ = 	snop  }
0x4: {  	_ = 	snop  }
0x5: {  	_ = 	snop  }
0x6: {  	_ = 	snop  }
0x7: {  	_ = 	snop  }
__scs_overlays_trampoline_lowered:
0x8: {  	[smem:$0x3FA3] =	sst s0  }
0x9: {  	[smem:$0x3FA4] =	sst s1  }
0xa: {  	[smem:$0x3FA5] =	sst s2  }
0xb: {  	[smem:$0x3FA6] =	sst s3  }
0xc: {  	[smem:$0x3FA7] =	sst s4  }
0xd: {  	[smem:$0x3FA8] =	sst s5  }
0xe: {  	[smem:$0x3FA9] =	sst s6  }
0xf: {  	[smem:$0x3FAA] =	sst s7  }
0x10: {  	[smem:$0x3FAB] =	sst s8  }
0x11: {  	[smem:$0x3FAC] =	sst s9;
	s0 =	simm.s32 @!p0 $0x0  }
0x12: {  	s1 =	sld [smem:$0x3F92];
	s0 =	simm.s32 @p0 $0x1  }
0x13: {  	[smem:$0x3FAD] =	sst s0;
	s0 =	simm.s32 @!p1 $0x0  }
0x14: {  	s2 =	sld [smem:$0x3F91];
	s0 =	simm.s32 @p1 $0x1  }
0x15: {  	[smem:$0x3FAE] =	sst s0;
	s0 =	simm.s32 @!p2 $0x0  }
0x16: {  	s3 =	sld [smem:$0x3FDB];
	s0 =	simm.s32 @p2 $0x1  }
0x17: {  	s4 =	simm.s32 $0x1BF5;
	[smem:$0x3FB0] =	sst s0  }
0x18: {  	s0 =	sld [smem:$0x3F93];
	_ =	swait.ge [sflag:s4], $0x0  }
0x19: {  	s7 =	sld [smem:$0x3F94]  }
0x1a: {  	s8 =	sadd.s32 $0xFFFFE003, lr  }
0x1b: {  	s9 =	sadd.s32 $0xFFFFFEF7, lr;
	s5 =	simm.s32 $0xFFFFFFFF;
	p2 =	slt.u32 s8, $0xFFFFF086  }
0x1c: {  	p1 =	slt.u32 s9, $0xF7A;
	s5 =	simm.s32 @!p2 $0x0  }
0x1d: {  	s5 =	simm.s32 @p1 $0x1;
	p0 =	seq.s32 s7, s2  }
0x1e: {  	s7 =	smul.u32 @!p0 $0xF7A, s2;
	p2 =	seq.s32 @!p0 s5, $0x0  }
0x1f: {  	s9 =	smul.u32 $0xF7A, s1;
	s8 =	simm.s32 @!p0 $0x1BF5;
	p2 =	por !p2, p0  }
0x20: {  	[sflag:s8] =	ssyncset.s32 @!p0 $0xFFFFF086;
	s6 =	sadd.s32 @!p0 s3, s7;
	s7 =	simm.s32 @!p0 $0x108  }
0x21: {  	s3 =	sadd.s32 s3, s9;
	s6 =	sadd.s32 @!p0 $0x88, s6;
	s7 =	simm.s32 @p2 $0x1082  }
0x22: {  	[simem:s7], [sflag:s8] =	dma.local @!p0 [hbm:s6], $0xF7A  }
0x23: {  	s9 =	sor.u32 $0xD0000000, s2;
	s6 =	simm.s32 $0x108;
	_ =	swait.ge @!p0 [sflag:s8], $0x0  }
0x24: {  	s3 =	sadd.s32 $0x88, s3;
	s6 =	simm.s32 @!p1 $0x1082;
	[sflag:s4] =	ssyncset.s32 $0xFFFFF086  }
0x25: {  	[simem:s6], [sflag:s4] =	dma.local [hbm:s3], $0xF7A  }
0x26: {  	[smem:$0x3F94] =	sst s1;
	(tag) =	ssettag s2;
	_ =	strace s9  }
0x27: {  	s1 =	sld [smem:$0x3FA4]  }
0x28: {  	s2 =	sld [smem:$0x3FA5]  }
0x29: {  	s4 =	sld [smem:$0x3FA7]  }
0x2a: {  	p0 =	seq.s32 s5, $0x0;
	s5 =	sld [smem:$0x3FA8]  }
0x2b: {  	s6 =	sld [smem:$0x3FA9]  }
0x2c: {  	s7 =	sld [smem:$0x3FAA]  }
0x2d: {  	s3 =	simm.s32 $0x108;
	s8 =	sld [smem:$0x3FAB]  }
0x2e: {  	s3 =	simm.s32 @!p0 $0x1082;
	s9 =	sld [smem:$0x3FAC]  }
0x2f: {  	lr =	sadd.s32 s0, s3;
	s0 =	sld [smem:$0x3FA3]  }
0x30: {  	s3 =	sld [smem:$0x3FA6]  }
0x31: {  	[smem:$0x3FAF] =	sst s10  }
0x32: {  	s10 =	sld [smem:$0x3FAD];
	_ =	sdelay $0x3  }
0x33: {  	p0 =	seq.s32 s10, $0x1;
	s10 =	sld [smem:$0x3FAF];
	_ =	sdelay $0x3  }
0x34: {  	[smem:$0x3FAF] =	sst s10  }
0x35: {  	s10 =	sld [smem:$0x3FAE];
	_ =	sdelay $0x3  }
0x36: {  	p1 =	seq.s32 s10, $0x1;
	s10 =	sld [smem:$0x3FAF];
	_ =	sdelay $0x3  }
0x37: {  	[smem:$0x3FAF] =	sst s10  }
0x38: {  	s10 =	sld [smem:$0x3FB0]  }
0x39: {  	_ = 	snop;
	(pc) =	sbr.ind lr, $3  }
0x3a: {  	_ = 	snop  }
0x3b: {  	_ = 	snop  }
0x3c: {  	p2 =	seq.s32 s10, $0x1;
	s10 =	sld [smem:$0x3FAF]  }
0x3d: {  	_ =	shalt  }
0x3e: {  	_ =	shalt  }
0x3f: {  	_ =	shalt  }
0x40: {  	_ =	shalt  }
0x41: {  	_ =	shalt  }
0x42: {  	_ =	shalt  }
0x43: {  	_ =	shalt  }
0x44: {  	_ =	shalt  }
0x45: {  	_ =	shalt  }
0x46: {  	_ =	shalt  }
0x47: {  	_ =	shalt  }
0x48: {  	_ =	shalt  }
0x49: {  	_ =	shalt  }
0x4a: {  	_ =	shalt  }
0x4b: {  	_ =	shalt  }
0x4c: {  	_ =	shalt  }
0x4d: {  	_ =	shalt  }
0x4e: {  	_ =	shalt  }
0x4f: {  	_ =	shalt  }
0x50: {  	_ =	shalt  }
0x51: {  	_ =	shalt  }
0x52: {  	_ =	shalt  }
0x53: {  	_ =	shalt  }
0x54: {  	_ =	shalt  }
0x55: {  	_ =	shalt  }
0x56: {  	_ =	shalt  }
0x57: {  	_ =	shalt  }
0x58: {  	_ =	shalt  }
0x59: {  	_ =	shalt  }
0x5a: {  	_ =	shalt  }
0x5b: {  	_ =	shalt  }
0x5c: {  	_ =	shalt  }
0x5d: {  	_ =	shalt  }
0x5e: {  	_ =	shalt  }
0x5f: {  	_ =	shalt  }
0x60: {  	_ =	shalt  }
0x61: {  	_ =	shalt  }
0x62: {  	_ =	shalt  }
0x63: {  	_ =	shalt  }
0x64: {  	_ =	shalt  }
0x65: {  	_ =	shalt  }
0x66: {  	_ =	shalt  }
0x67: {  	_ =	shalt  }
0x68: {  	_ =	shalt  }
0x69: {  	_ =	shalt  }
0x6a: {  	_ =	shalt  }
0x6b: {  	_ =	shalt  }
0x6c: {  	_ =	shalt  }
0x6d: {  	_ =	shalt  }
0x6e: {  	_ =	shalt  }
0x6f: {  	_ =	shalt  }
0x70: {  	_ =	shalt  }
0x71: {  	_ =	shalt  }
0x72: {  	_ =	shalt  }
0x73: {  	_ =	shalt  }
0x74: {  	_ =	shalt  }
0x75: {  	_ =	shalt  }
0x76: {  	_ =	shalt  }
0x77: {  	_ =	shalt  }
0x78: {  	_ =	shalt  }
0x79: {  	_ =	shalt  }
0x7a: {  	_ =	shalt  }
0x7b: {  	_ =	shalt  }
0x7c: {  	_ =	shalt  }
0x7d: {  	_ =	shalt  }
0x7e: {  	_ =	shalt  }
0x7f: {  	_ =	shalt  }
0x80: {  	_ =	shalt  }
0x81: {  	_ =	shalt  }
0x82: {  	_ =	shalt  }
0x83: {  	_ =	shalt  }
0x84: {  	_ =	shalt  }
0x85: {  	_ =	shalt  }
0x86: {  	_ =	shalt  }
0x87: {  	_ =	shalt  }
.Lfunc_end0:
.L_simem_size_0:
called_computation.1_lowered:
.L_overlay_start_0:
0x88: {  	s2 =	sld [smem:$0x3FD9]  }
0x89: {  	s3 =	sld [smem:$0x3FFE];
	_ =	sdelay $0x1  }
0x8a: {  	s1 =	srdreg.scid  }
0x8b: {  	s0 =	sand.u32 $0x1, s1  }
0x8c: {  	s16 =	sshll.u32 s0, $0xA;
	s2 =	sadd.s32 s3, s2  }
0x8d: {  	s2 =	sadd.s32 s2, s16  }
0x8e: {  	[smem:$0x3FBB] =	sst s2  }
0x8f: {  	_ = 	snop  }
0x90: {  	(tm) =	ssettm $0x1  }
0x91: {  	s17 =	sld [smem:$0x3FFB];
	_ =	sdelay $0x3  }
0x92: {  	_ =	strace s17  }
0x93: {  	s2 =	sld [smem:$0x3FFC];
	_ =	sdelay $0x3  }
0x94: {  	_ =	strace s2  }
0x95: {  	s2 =	sld [smem:$0x3FFD];
	_ =	sdelay $0x3  }
0x96: {  	_ =	strace s2  }
0x97: {  	_ =	strace $0x8FFFFFFF  }
0x98: {  	s18 =	sld [smem:$0x3FDB];
	_ =	sdelay $0x1  }
0x99: {  	s19 =	simm.s32 $_scs_section_size  }
0x9a: {  	s4 =	simm.s32 $_size__tile_overlayer_lowered;
	s5 =	simm.s32 $_tile_overlayer_lowered  }
0x9b: {  	s22 =	simm.s32 $0x1BFF;
	s21 =	sshll.u32 s5, $0x1;
	s2 =	sadd.s32 s19, s18  }
0x9c: {  	s6 =	simm.s32 $0x0;
	s20 =	sshll.u32 s4, $0x1;
	s4 =	sadd.s32 s21, s2  }
0x9d: {  	[timem:s6], [sflag:s22] =	dma.local [hbm:s4], s20  }
0x9e: {  	_ =	swait.ge [sflag:s22], s20  }
0x9f: {  	s3 =	ssub.s32 $0x0, s20;
	[sflag:s22] =	ssyncset.done $0x0  }
0xa0: {  	[sflag:s22] =	ssyncadd.s32 s3;
	_ =	sdelay $0x1  }
0xa1: {  	s23 =	simm.s32 $0x1B8B  }
0xa2: {  	_ =	swait.ge [sflag:s23], $0x1  }
0xa3: {  	[sflag:s23] =	ssyncset.done $0x0  }
0xa4: {  	s25 =	simm.s32 $0x1B8E;
	s24 =	sld [smem:$0x3FFE];
	[sflag:s23] =	ssyncadd.s32 $0xFFFFFFFF  }
0xa5: {  	s26 =	simm.s32 $execute0_lowered;
	[smem:$0x3FD2] =	sst s25  }
0xa6: {  	s4 =	sshll.u32 s26, $0x1;
	_ =	strace $0x8000004C;
	[dreg:$0x1] =	wrdreg $0xFFFFFFFF  }
0xa7: {  	s28 =	simm.s32 $_size_execute0_lowered;
	s2 =	sadd.s32 s2, s4;
	[dreg:$0x0] =	wrdreg $0x0  }
0xa8: {  	s4 =	sshll.u32 s28, $0x1;
	[dreg:$0x2] =	wrdreg s2  }
0xa9: {  	[dreg:$0x3] =	wrdreg s4  }
0xaa: {  	[dreg:$0x4] =	wrdreg $0xC0  }
0xab: {  	_ =	task [dreg:s6], $0x5FFFF  }
0xac: {  	[dreg:$0x1] =	wrdreg $0xFFFFFFFF  }
0xad: {  	[dreg:$0x0] =	wrdreg $0x60  }
0xae: {  	[dreg:$0x2] =	wrdreg s24  }
0xaf: {  	[dreg:$0x3] =	wrdreg $0xA8000  }
0xb0: {  	[dreg:$0x4] =	wrdreg $0x9  }
0xb1: {  	_ =	task.clear_ibuf [dreg:s6], $0x5FFFF;
	_ =	strace $0x9000004C  }
0xb2: {  	s29 =	simm.s32 $0x9;
	_ =	strace $0x80000051  }
0xb3: {  	_ =	swait.ge [sflag:s29], $0x1  }
0xb4: {  	[sflag:s29] =	ssyncadd.s32 $0xFFFFFFFF  }
0xb5: {  	_ =	strace $0x90000051  }
0xb6: {  	_ =	sfence  }
0xb7: {  	s30 =	sld [smem:$0x0];
	_ =	sdelay $0x2  }
0xb8: {  	s31 =	sshll.u32 s1, $0xD;
	s1 =	sshrl.u32 s1, $0x2  }
0xb9: {  	s3 =	sand.u32 $0x4000, s31;
	s1 =	sadd.s32 s1, s30  }
0xba: {  	s0 =	sor.u32 s3, s0;
	s1 =	sshll.u32 s1, $0x11  }
0xbb: {  	s0 =	sor.u32 s1, s0  }
0xbc: {  	s0 =	sadd.s32 $0x8F2B, s0  }
0xbd: {  	[sflag:s0] =	ssyncadd.remote.s32 $0x1  }
0xbe: {  	_ =	sfence.sel $0xFFFF  }
0xbf: {  	[dreg:$0x0] =	wrdreg $0xFFFFFFFF;
	(pc) =	sbr.abs _section_cstart, $3  }
0xc0: {  	[dreg:$0x1] =	wrdreg $0xFFFFFFFF  }
0xc1: {  	_ =	task.clear_ibuf [dreg:s6], $0x2FFFF;
	_ =	strace $0x9FFFFFFF  }
0xc2: {  	(tm) =	ssettm $0x7FFFFFFF  }
0xc3: {  	_ =	shalt  }
tec
execute0_lowered:
.L_overlay_start_1:
0x0: {  	(tag) =	ssettag $0x1  }
0x1: {  	s0 =	rddreg [dreg:$0x0]  }
0x2: {  	s1 =	rddreg [dreg:$0x1];
	s2 =	srdreg.scid;
	s11 =	simm.s32 $0x0  }
0x3: {  	s3 =	stileid.u32;
	s13 =	simm.s32 $0x9;
	s14 =	simm.s32 $0x1400  }
0x4: {  	s15 =	simm.s32 $0x40;
	s16 =	simm.s32 $0x2800;
	s17 =	simm.s32 $0x80  }
0x5: {  	s18 =	simm.s32 $0x4800;
	s19 =	simm.s32 $0x100;
	s20 =	simm.s32 $0x6800  }
0x6: {  	s28 =	simm.s32 $0x5;
	s29 =	simm.s32 $0x6;
	s30 =	simm.s32 $0x7  }
0x7: {  	s31 =	simm.s32 $0x8;
	s2 =	sand.u32 $0x1, s2;
	[smem:$0x7FF] =	sst s11  }
0x8: {  	s8 =	smul.u32 $0x14000, s3;
	s4 =	sadd.s32 $0x2B200, s0;
	s5 =	sadd.s32 $0x3200, s0  }
0x9: {  	s6 =	sadd.s32 $0x17200, s0;
	s21 =	sadd.s32 $0x53200, s0;
	s22 =	smul.u32 $0x50000, s3  }
0xa: {  	s9 =	sshll.u32 s3, $0x1;
	s26 =	sshll.u32 s3, $0x6;
	s7 =	smul.u32 $0x140000, s2  }
0xb: {  	_ =	strace $0x8000004D;
	[dreg:$0x4] =	wrdreg s21;
	s23 =	ssub.s32 $0x2, s2  }
0xc: {  	s2 =	sor.u32 s2, s9;
	s21 =	simm.s32 $0x180;
	s9 =	simm.s32 $0x2780  }
0xd: {  	s10 =	sshrl.u32 s23, $0x1;
	s7 =	sadd.s32 s8, s7;
	s8 =	sshrl.u32 s22, $0x2  }
0xe: {  	s22 =	simm.s32 $0x8800;
	s7 =	sshrl.u32 s7, $0x3;
	s24 =	sadd.s32 s8, s1  }
0xf: {  	s8 =	smul.u32 $0x5000, s2;
	s2 =	simm.s32 $0x2680;
	s0 =	sadd.s32 s7, s0  }
0x10: {  	s7 =	ssub.s32 s23, s10;
	s10 =	sor.u32 $0x1C09, s26;
	s12 =	sshrl.u32 s24, $0x3  }
0x11: {  	s23 =	simm.s32 $0x1;
	s24 =	simm.s32 $0x2;
	[dreg:$0x7] =	wrdreg s10  }
0x12: {  	s26 =	simm.s32 $0x4;
	s0 =	sadd.s32 $0x55A00, s0;
	[dreg:$0x8] =	wrdreg s12  }
0x13: {  	s25 =	smax.u32 s7, $0x1;
	s7 =	simm.s32 $0x2700;
	[dreg:$0x5] =	wrdreg s0  }
0x14: {  	[dreg:$0x6] =	wrdreg s25;
	s25 =	simm.s32 $0x3;
	s0 =	simm.s32 $0x2600  }
.LBB2_1:
0x15: {  	[dreg:$0x3] =	wrdreg s11  }
0x16: {  	_ =	strace $0x8000004E  }
0x17: {  	s3 =	rddreg [dreg:$0x4]  }
0x18: {  	[spmem:s12], [sflag:s10] =	dma.local [hbm:s3], $0x2800  }
0x19: {  	_ =	swait.ge [sflag:s13], $0x2800  }
0x1a: {  	[sflag:s13] =	ssyncset.done $0x0  }
0x1b: {  	[sflag:s13] =	ssyncadd.s32 $0xFFFFD800  }
0x1c: {  	[bflag:$0x0] =	sbarrier.arrive $0xFFFF  }
0x1d: {  	_ =	strace $0x9000004E  }
0x1e: {  	s10 =	simm.s32 $0x0;
	_ =	strace $0x8000004F  }
.LBB2_2:
0x1f: {  	s11 =	smul.u32 $0x1400, s10;
	_ =	sdelay $0x1  }
0x20: {  	s11 =	sadd.s32 s8, s11  }
0x21: {  	s11 =	sshrl.u32 s11, $0x3  }
0x22: {  	s3 =	simm.s32 $0x0;
	s12 =	sadd.s32 s5, s11  }
0x23: {  	[tilespmem:s3], [sflag:$0x9] =	stream.linear.gather [hbm4b:s12+s3], $0x1400, $0x200038;
	[tilespmem:$0x1E800] =	vst v63  }
0x24: {  	_ =	swait.ge [sflag:s13], $0x1400  }
0x25: {  	[sflag:s13] =	ssyncset.done $0x0  }
0x26: {  	s11 =	sadd.s32 s6, s11;
	[sflag:s13] =	ssyncadd.s32 $0xFFFFEC00  }
0x27: {  	[tilespmem:s14], [sflag:$0x9] =	stream.linear.gather [hbm4b:s11+s3], $0x1400, $0x200038;
	[tilespmem:$0x1E800] =	vst v63  }
0x28: {  	_ =	swait.ge [sflag:s13], $0x1400  }
0x29: {  	[sflag:s13] =	ssyncset.done $0x0  }
0x2a: {  	[sflag:s13] =	ssyncadd.s32 $0xFFFFEC00  }
0x2b: {  	[tilespmem:s16], [sflag:$0x1] =	stream.indirect.gather [hbm4b:s4+s15], $0x80, s3, s15, $0x2000b8;
	[tilespmem:$0x1E800] =	vst v63  }
0x2c: {  	_ = 	snop  }
0x2d: {  	[tilespmem:s18], [sflag:$0x2] =	stream.indirect.gather [hbm4b:s4+s15], $0x80, s17, s15, $0x2000b8;
	[tilespmem:$0x1E800] =	vst v63  }
0x2e: {  	_ = 	snop  }
0x2f: {  	[tilespmem:s20], [sflag:$0x3] =	stream.indirect.gather [hbm4b:s4+s15], $0x80, s19, s15, $0x2000b8;
	[tilespmem:$0x1E800] =	vst v63  }
0x30: {  	_ = 	snop  }
0x31: {  	[tilespmem:s22], [sflag:$0x4] =	stream.indirect.gather [hbm4b:s4+s15], $0x80, s21, s15, $0x2000b8;
	[tilespmem:$0x1E800] =	vst v63  }
0x32: {  	_ =	swait.ge [sflag:s23], $0x2000  }
0x33: {  	[sflag:s23] =	ssyncset.done $0x0  }
0x34: {  	s12 =	simm.s32 $0x1400;
	[sflag:s23] =	ssyncadd.s32 $0xFFFFE000  }
0x35: {  	[spmem:s1] =	stream.indirect.scatter.add.f32 [tilespmem:s16], [sflag:$0x5], $0x80, s12, s15, $0x2000b8;
	[tilespmem:$0x1E800] =	vst v63  }
0x36: {  	_ =	swait.ge [sflag:s24], $0x2000  }
0x37: {  	[sflag:s24] =	ssyncset.done $0x0  }
0x38: {  	s11 =	simm.s32 $0x1480;
	[sflag:s24] =	ssyncadd.s32 $0xFFFFE000  }
0x39: {  	[spmem:s1] =	stream.indirect.scatter.add.f32 [tilespmem:s18], [sflag:$0x6], $0x80, s11, s15, $0x2000b8;
	[tilespmem:$0x1E800] =	vst v63  }
0x3a: {  	_ =	swait.ge [sflag:s25], $0x2000  }
0x3b: {  	[sflag:s25] =	ssyncset.done $0x0  }
0x3c: {  	s12 =	simm.s32 $0x1500;
	[sflag:s25] =	ssyncadd.s32 $0xFFFFE000  }
0x3d: {  	[spmem:s1] =	stream.indirect.scatter.add.f32 [tilespmem:s20], [sflag:$0x7], $0x80, s12, s15, $0x2000b8;
	[tilespmem:$0x1E800] =	vst v63  }
0x3e: {  	_ =	swait.ge [sflag:s26], $0x2000  }
0x3f: {  	[sflag:s26] =	ssyncset.done $0x0  }
0x40: {  	s11 =	simm.s32 $0x1580;
	[sflag:s26] =	ssyncadd.s32 $0xFFFFE000  }
0x41: {  	[spmem:s1] =	stream.indirect.scatter.add.f32 [tilespmem:s22], [sflag:$0x8], $0x80, s11, s15, $0x2000b8;
	[tilespmem:$0x1E800] =	vst v63  }
0x42: {  	_ =	swait.ge [sflag:s28], $0x2000  }
0x43: {  	[sflag:s28] =	ssyncset.done $0x0  }
0x44: {  	s12 =	simm.s32 $0x200;
	[sflag:s28] =	ssyncadd.s32 $0xFFFFE000  }
0x45: {  	[tilespmem:s16], [sflag:$0x1] =	stream.indirect.gather [hbm4b:s4+s15], $0x80, s12, s15, $0x2000b8;
	[tilespmem:$0x1E800] =	vst v63  }
0x46: {  	_ =	swait.ge [sflag:s29], $0x2000  }
0x47: {  	[sflag:s29] =	ssyncset.done $0x0  }
0x48: {  	s11 =	simm.s32 $0x280;
	[sflag:s29] =	ssyncadd.s32 $0xFFFFE000  }
0x49: {  	[tilespmem:s18], [sflag:$0x2] =	stream.indirect.gather [hbm4b:s4+s15], $0x80, s11, s15, $0x2000b8;
	[tilespmem:$0x1E800] =	vst v63  }
0x4a: {  	_ =	swait.ge [sflag:s30], $0x2000  }
0x4b: {  	[sflag:s30] =	ssyncset.done $0x0  }
0x4c: {  	s12 =	simm.s32 $0x300;
	[sflag:s30] =	ssyncadd.s32 $0xFFFFE000  }
0x4d: {  	[tilespmem:s20], [sflag:$0x3] =	stream.indirect.gather [hbm4b:s4+s15], $0x80, s12, s15, $0x2000b8;
	[tilespmem:$0x1E800] =	vst v63  }
0x4e: {  	_ =	swait.ge [sflag:s31], $0x2000  }
0x4f: {  	[sflag:s31] =	ssyncset.done $0x0  }
0x50: {  	s11 =	simm.s32 $0x800;
	s12 =	simm.s32 $0x380;
	[sflag:s31] =	ssyncadd.s32 $0xFFFFE000  }
.LBB2_3:
0x51: {  	[tilespmem:s22], [sflag:$0x4] =	stream.indirect.gather [hbm4b:s4+s15], $0x80, s12, s15, $0x2000b8;
	[tilespmem:$0x1E800] =	vst v63  }
0x52: {  	s3 =	smov.u32 s11  }
0x53: {  	p0 =	sne.s32 s11, $0x4000;
	s11 =	sadd.s32 $0x800, s11;
	_ =	swait.ge [sflag:s23], $0x2000  }
0x54: {  	s12 =	sshra.s32 s3, $0x2;
	[sflag:s23] =	ssyncset.done $0x0  }
0x55: {  	s3 =	sadd.s32 $0x1400, s12;
	[sflag:s23] =	ssyncadd.s32 $0xFFFFE000  }
0x56: {  	[spmem:s1] =	stream.indirect.scatter.add.f32 [tilespmem:s16], [sflag:$0x5], $0x80, s3, s15, $0x2000b8;
	[tilespmem:$0x1E800] =	vst v63  }
0x57: {  	_ =	swait.ge [sflag:s24], $0x2000  }
0x58: {  	[sflag:s24] =	ssyncset.done $0x0  }
0x59: {  	s3 =	sadd.s32 $0x1480, s12;
	[sflag:s24] =	ssyncadd.s32 $0xFFFFE000  }
0x5a: {  	[spmem:s1] =	stream.indirect.scatter.add.f32 [tilespmem:s18], [sflag:$0x6], $0x80, s3, s15, $0x2000b8;
	[tilespmem:$0x1E800] =	vst v63  }
0x5b: {  	_ =	swait.ge [sflag:s25], $0x2000  }
0x5c: {  	[sflag:s25] =	ssyncset.done $0x0  }
0x5d: {  	s3 =	sadd.s32 $0x1500, s12;
	[sflag:s25] =	ssyncadd.s32 $0xFFFFE000  }
0x5e: {  	[spmem:s1] =	stream.indirect.scatter.add.f32 [tilespmem:s20], [sflag:$0x7], $0x80, s3, s15, $0x2000b8;
	[tilespmem:$0x1E800] =	vst v63  }
0x5f: {  	_ =	swait.ge [sflag:s26], $0x2000  }
0x60: {  	[sflag:s26] =	ssyncset.done $0x0  }
0x61: {  	s3 =	sadd.s32 $0x1580, s12;
	[sflag:s26] =	ssyncadd.s32 $0xFFFFE000  }
0x62: {  	[spmem:s1] =	stream.indirect.scatter.add.f32 [tilespmem:s22], [sflag:$0x8], $0x80, s3, s15, $0x2000b8;
	[tilespmem:$0x1E800] =	vst v63  }
0x63: {  	_ =	swait.ge [sflag:s28], $0x2000  }
0x64: {  	[sflag:s28] =	ssyncset.done $0x0  }
0x65: {  	s3 =	sadd.s32 $0x200, s12;
	[sflag:s28] =	ssyncadd.s32 $0xFFFFE000  }
0x66: {  	[tilespmem:s16], [sflag:$0x1] =	stream.indirect.gather [hbm4b:s4+s15], $0x80, s3, s15, $0x2000b8;
	[tilespmem:$0x1E800] =	vst v63  }
0x67: {  	_ =	swait.ge [sflag:s29], $0x2000  }
0x68: {  	[sflag:s29] =	ssyncset.done $0x0  }
0x69: {  	s3 =	sadd.s32 $0x280, s12;
	[sflag:s29] =	ssyncadd.s32 $0xFFFFE000  }
0x6a: {  	[tilespmem:s18], [sflag:$0x2] =	stream.indirect.gather [hbm4b:s4+s15], $0x80, s3, s15, $0x2000b8;
	[tilespmem:$0x1E800] =	vst v63  }
0x6b: {  	_ =	swait.ge [sflag:s30], $0x2000  }
0x6c: {  	[sflag:s30] =	ssyncset.done $0x0  }
.Ltmp0:
0x6d: {  	s3 =	sadd.s32 $0x300, s12;
	[sflag:s30] =	ssyncadd.s32 $0xFFFFE000;
	(pc) =	sbr.rel @p0 .LBB2_3-.Ltmp0, $4  }
0x6e: {  	[tilespmem:s20], [sflag:$0x3] =	stream.indirect.gather [hbm4b:s4+s15], $0x80, s3, s15, $0x2000b8;
	[tilespmem:$0x1E800] =	vst v63  }
0x6f: {  	_ =	swait.ge [sflag:s31], $0x2000  }
0x70: {  	[sflag:s31] =	ssyncset.done $0x0  }
0x71: {  	s12 =	sadd.s32 $0x380, s12;
	[sflag:s31] =	ssyncadd.s32 $0xFFFFE000  }
0x72: {  	[tilespmem:s22], [sflag:$0x4] =	stream.indirect.gather [hbm4b:s4+s15], $0x80, s12, s15, $0x2000b8;
	[tilespmem:$0x1E800] =	vst v63  }
0x73: {  	_ =	swait.ge [sflag:s23], $0x2000  }
0x74: {  	[sflag:s23] =	ssyncset.done $0x0  }
0x75: {  	[sflag:s23] =	ssyncadd.s32 $0xFFFFE000  }
0x76: {  	[spmem:s1] =	stream.indirect.scatter.add.f32 [tilespmem:s16], [sflag:$0x5], $0x80, s0, s15, $0x2000b8;
	[tilespmem:$0x1E800] =	vst v63  }
0x77: {  	_ =	swait.ge [sflag:s24], $0x2000  }
0x78: {  	[sflag:s24] =	ssyncset.done $0x0  }
0x79: {  	[sflag:s24] =	ssyncadd.s32 $0xFFFFE000  }
0x7a: {  	[spmem:s1] =	stream.indirect.scatter.add.f32 [tilespmem:s18], [sflag:$0x6], $0x80, s2, s15, $0x2000b8;
	[tilespmem:$0x1E800] =	vst v63  }
0x7b: {  	_ =	swait.ge [sflag:s25], $0x2000  }
0x7c: {  	[sflag:s25] =	ssyncset.done $0x0  }
0x7d: {  	[sflag:s25] =	ssyncadd.s32 $0xFFFFE000  }
0x7e: {  	[spmem:s1] =	stream.indirect.scatter.add.f32 [tilespmem:s20], [sflag:$0x7], $0x80, s7, s15, $0x2000b8;
	[tilespmem:$0x1E800] =	vst v63  }
0x7f: {  	_ =	swait.ge [sflag:s26], $0x2000  }
0x80: {  	[sflag:s26] =	ssyncset.done $0x0  }
0x81: {  	[sflag:s26] =	ssyncadd.s32 $0xFFFFE000  }
0x82: {  	[spmem:s1] =	stream.indirect.scatter.add.f32 [tilespmem:s22], [sflag:$0x8], $0x80, s9, s15, $0x2000b8;
	[tilespmem:$0x1E800] =	vst v63  }
0x83: {  	_ =	swait.ge [sflag:s28], $0x2000  }
0x84: {  	[sflag:s28] =	ssyncset.done $0x0  }
0x85: {  	[sflag:s28] =	ssyncadd.s32 $0xFFFFE000  }
0x86: {  	_ =	swait.ge [sflag:s29], $0x2000  }
0x87: {  	[sflag:s29] =	ssyncset.done $0x0  }
0x88: {  	s10 =	sadd.s32 $0x1, s10;
	[sflag:s29] =	ssyncadd.s32 $0xFFFFE000  }
0x89: {  	p0 =	sne.s32 s10, $0x4;
	_ =	swait.ge [sflag:s30], $0x2000  }
.Ltmp1:
0x8a: {  	[sflag:s30] =	ssyncset.done $0x0;
	(pc) =	sbr.rel @p0 .LBB2_2-.Ltmp1, $4  }
0x8b: {  	[sflag:s30] =	ssyncadd.s32 $0xFFFFE000  }
0x8c: {  	_ =	swait.ge [sflag:s31], $0x2000  }
0x8d: {  	[sflag:s31] =	ssyncset.done $0x0  }
0x8e: {  	[sflag:s31] =	ssyncadd.s32 $0xFFFFE000  }
0x8f: {  	_ =	strace $0x9000004F  }
0x90: {  	_ =	strace $0x80000050  }
0x91: {  	[bflag:$0x0] =	sbarrier.arrive $0xFFFF  }
0x92: {  	s3 =	rddreg [dreg:$0x5]  }
0x93: {  	s10 =	rddreg [dreg:$0x7]  }
0x94: {  	s12 =	rddreg [dreg:$0x8]  }
0x95: {  	[hbm:s3], [sflag:s10] =	dma.local [spmem:s12], $0x2800  }
0x96: {  	_ =	swait.ge [sflag:s13], $0x2800  }
0x97: {  	s11 =	rddreg [dreg:$0x3]  }
0x98: {  	s3 =	rddreg [dreg:$0x6];
	s11 =	sadd.s32 $0x1, s11  }
0x99: {  	p0 =	sne.s32 s11, s3  }
.Ltmp2:
0x9a: {  	_ = 	snop;
	(pc) =	sbr.rel @p0 .LBB2_1-.Ltmp2, $4  }
0x9b: {  	_ = 	snop  }
0x9c: {  	[sflag:s13] =	ssyncset.done $0x0  }
0x9d: {  	[sflag:s13] =	ssyncadd.s32 $0xFFFFD800  }
0x9e: {  	_ =	strace $0x90000050  }
0x9f: {  	_ =	sfence.sel $0x180000  }
0xa0: {  	[bflag:$0x0] =	sbarrier.arrive $0xFFFF  }
0xa1: {  	_ =	strace $0x9000004D  }
0xa2: {  	s0 =	stileid.u32;
	[bflag:$0x2] =	sbarrier.arrive $0xFFFF  }
0xa3: {  	p0 =	sne.s32 s0, $0x0;
	s0 =	rddreg [dreg:$0x2]  }
0xa4: {  	s0 =	sadd.s32 @!p0 $0x100000, s0  }
0xa5: {  	[sflag:s0] =	ssyncadd.tile.s32 @!p0 $0x1;
	_ =	shalt  }
.Lfunc_end2:
_tile_overlayer_lowered:
.L_overlay_start_2:
0xa6: {  	(tag) =	ssettag $0x2  }
0xa7: {  	s0 =	rddreg [dreg:$0x0];
	s2 =	stileid.u32  }
0xa8: {  	s1 =	rddreg [dreg:$0x1];
	p0 =	sne.s32 s2, $0x0  }
0xa9: {  	s3 =	rddreg [dreg:$0x2];
	[bflag:$0x3] =	sbarrier.arrive $0xFFFF;
	s2 =	simm.s32 @!p0 $0x1C09  }
0xaa: {  	[timem:s3], [sflag:s2] =	dma.local @!p0 [hbm:s0], s1  }
0xab: {  	s0 =	simm.s32 @!p0 $0x9  }
0xac: {  	_ =	swait.ge @!p0 [sflag:s0], s1  }
0xad: {  	s1 =	ssub.s32 @!p0 $0x0, s1;
	[sflag:s0] =	ssyncset.done @!p0 $0x0  }
0xae: {  	[sflag:s0] =	ssyncadd.s32 @!p0 s1  }
0xaf: {  	[bflag:$0x3] =	sbarrier.arrive $0xFFFF  }
0xb0: {  	_ =	shalt  }

// kernel: kernel.16.cloned.1.call-start
scs
__scs_entry_jumppad:
0x0: {  	(pc) =	sbr.rel $0x88, $3  }
0x1: {  	(tag) =	ssettag $0x0;
	lr =	simm.s32 $0x1  }
0x2: {  	[smem:$0x3F94] =	sst lr;
	_ =	strace $0xD0000000  }
0x3: {  	_ = 	snop  }
0x4: {  	_ = 	snop  }
0x5: {  	_ = 	snop  }
0x6: {  	_ = 	snop  }
0x7: {  	_ = 	snop  }
__scs_overlays_trampoline_lowered:
0x8: {  	[smem:$0x3FA3] =	sst s0  }
0x9: {  	[smem:$0x3FA4] =	sst s1  }
0xa: {  	[smem:$0x3FA5] =	sst s2  }
0xb: {  	[smem:$0x3FA6] =	sst s3  }
0xc: {  	[smem:$0x3FA7] =	sst s4  }
0xd: {  	[smem:$0x3FA8] =	sst s5  }
0xe: {  	[smem:$0x3FA9] =	sst s6  }
0xf: {  	[smem:$0x3FAA] =	sst s7  }
0x10: {  	[smem:$0x3FAB] =	sst s8  }
0x11: {  	[smem:$0x3FAC] =	sst s9;
	s0 =	simm.s32 @!p0 $0x0  }
0x12: {  	s1 =	sld [smem:$0x3F92];
	s0 =	simm.s32 @p0 $0x1  }
0x13: {  	[smem:$0x3FAD] =	sst s0;
	s0 =	simm.s32 @!p1 $0x0  }
0x14: {  	s2 =	sld [smem:$0x3F91];
	s0 =	simm.s32 @p1 $0x1  }
0x15: {  	[smem:$0x3FAE] =	sst s0;
	s0 =	simm.s32 @!p2 $0x0  }
0x16: {  	s3 =	sld [smem:$0x3FDB];
	s0 =	simm.s32 @p2 $0x1  }
0x17: {  	s4 =	simm.s32 $0x1BF5;
	[smem:$0x3FB0] =	sst s0  }
0x18: {  	s0 =	sld [smem:$0x3F93];
	_ =	swait.ge [sflag:s4], $0x0  }
0x19: {  	s7 =	sld [smem:$0x3F94]  }
0x1a: {  	s8 =	sadd.s32 $0xFFFFE003, lr  }
0x1b: {  	s9 =	sadd.s32 $0xFFFFFEF7, lr;
	s5 =	simm.s32 $0xFFFFFFFF;
	p2 =	slt.u32 s8, $0xFFFFF086  }
0x1c: {  	p1 =	slt.u32 s9, $0xF7A;
	s5 =	simm.s32 @!p2 $0x0  }
0x1d: {  	s5 =	simm.s32 @p1 $0x1;
	p0 =	seq.s32 s7, s2  }
0x1e: {  	s7 =	smul.u32 @!p0 $0xF7A, s2;
	p2 =	seq.s32 @!p0 s5, $0x0  }
0x1f: {  	s9 =	smul.u32 $0xF7A, s1;
	s8 =	simm.s32 @!p0 $0x1BF5;
	p2 =	por !p2, p0  }
0x20: {  	[sflag:s8] =	ssyncset.s32 @!p0 $0xFFFFF086;
	s6 =	sadd.s32 @!p0 s3, s7;
	s7 =	simm.s32 @!p0 $0x108  }
0x21: {  	s3 =	sadd.s32 s3, s9;
	s6 =	sadd.s32 @!p0 $0x88, s6;
	s7 =	simm.s32 @p2 $0x1082  }
0x22: {  	[simem:s7], [sflag:s8] =	dma.local @!p0 [hbm:s6], $0xF7A  }
0x23: {  	s9 =	sor.u32 $0xD0000000, s2;
	s6 =	simm.s32 $0x108;
	_ =	swait.ge @!p0 [sflag:s8], $0x0  }
0x24: {  	s3 =	sadd.s32 $0x88, s3;
	s6 =	simm.s32 @!p1 $0x1082;
	[sflag:s4] =	ssyncset.s32 $0xFFFFF086  }
0x25: {  	[simem:s6], [sflag:s4] =	dma.local [hbm:s3], $0xF7A  }
0x26: {  	[smem:$0x3F94] =	sst s1;
	(tag) =	ssettag s2;
	_ =	strace s9  }
0x27: {  	s1 =	sld [smem:$0x3FA4]  }
0x28: {  	s2 =	sld [smem:$0x3FA5]  }
0x29: {  	s4 =	sld [smem:$0x3FA7]  }
0x2a: {  	p0 =	seq.s32 s5, $0x0;
	s5 =	sld [smem:$0x3FA8]  }
0x2b: {  	s6 =	sld [smem:$0x3FA9]  }
0x2c: {  	s7 =	sld [smem:$0x3FAA]  }
0x2d: {  	s3 =	simm.s32 $0x108;
	s8 =	sld [smem:$0x3FAB]  }
0x2e: {  	s3 =	simm.s32 @!p0 $0x1082;
	s9 =	sld [smem:$0x3FAC]  }
0x2f: {  	lr =	sadd.s32 s0, s3;
	s0 =	sld [smem:$0x3FA3]  }
0x30: {  	s3 =	sld [smem:$0x3FA6]  }
0x31: {  	[smem:$0x3FAF] =	sst s10  }
0x32: {  	s10 =	sld [smem:$0x3FAD];
	_ =	sdelay $0x3  }
0x33: {  	p0 =	seq.s32 s10, $0x1;
	s10 =	sld [smem:$0x3FAF];
	_ =	sdelay $0x3  }
0x34: {  	[smem:$0x3FAF] =	sst s10  }
0x35: {  	s10 =	sld [smem:$0x3FAE];
	_ =	sdelay $0x3  }
0x36: {  	p1 =	seq.s32 s10, $0x1;
	s10 =	sld [smem:$0x3FAF];
	_ =	sdelay $0x3  }
0x37: {  	[smem:$0x3FAF] =	sst s10  }
0x38: {  	s10 =	sld [smem:$0x3FB0]  }
0x39: {  	_ = 	snop;
	(pc) =	sbr.ind lr, $3  }
0x3a: {  	_ = 	snop  }
0x3b: {  	_ = 	snop  }
0x3c: {  	p2 =	seq.s32 s10, $0x1;
	s10 =	sld [smem:$0x3FAF]  }
0x3d: {  	_ =	shalt  }
0x3e: {  	_ =	shalt  }
0x3f: {  	_ =	shalt  }
0x40: {  	_ =	shalt  }
0x41: {  	_ =	shalt  }
0x42: {  	_ =	shalt  }
0x43: {  	_ =	shalt  }
0x44: {  	_ =	shalt  }
0x45: {  	_ =	shalt  }
0x46: {  	_ =	shalt  }
0x47: {  	_ =	shalt  }
0x48: {  	_ =	shalt  }
0x49: {  	_ =	shalt  }
0x4a: {  	_ =	shalt  }
0x4b: {  	_ =	shalt  }
0x4c: {  	_ =	shalt  }
0x4d: {  	_ =	shalt  }
0x4e: {  	_ =	shalt  }
0x4f: {  	_ =	shalt  }
0x50: {  	_ =	shalt  }
0x51: {  	_ =	shalt  }
0x52: {  	_ =	shalt  }
0x53: {  	_ =	shalt  }
0x54: {  	_ =	shalt  }
0x55: {  	_ =	shalt  }
0x56: {  	_ =	shalt  }
0x57: {  	_ =	shalt  }
0x58: {  	_ =	shalt  }
0x59: {  	_ =	shalt  }
0x5a: {  	_ =	shalt  }
0x5b: {  	_ =	shalt  }
0x5c: {  	_ =	shalt  }
0x5d: {  	_ =	shalt  }
0x5e: {  	_ =	shalt  }
0x5f: {  	_ =	shalt  }
0x60: {  	_ =	shalt  }
0x61: {  	_ =	shalt  }
0x62: {  	_ =	shalt  }
0x63: {  	_ =	shalt  }
0x64: {  	_ =	shalt  }
0x65: {  	_ =	shalt  }
0x66: {  	_ =	shalt  }
0x67: {  	_ =	shalt  }
0x68: {  	_ =	shalt  }
0x69: {  	_ =	shalt  }
0x6a: {  	_ =	shalt  }
0x6b: {  	_ =	shalt  }
0x6c: {  	_ =	shalt  }
0x6d: {  	_ =	shalt  }
0x6e: {  	_ =	shalt  }
0x6f: {  	_ =	shalt  }
0x70: {  	_ =	shalt  }
0x71: {  	_ =	shalt  }
0x72: {  	_ =	shalt  }
0x73: {  	_ =	shalt  }
0x74: {  	_ =	shalt  }
0x75: {  	_ =	shalt  }
0x76: {  	_ =	shalt  }
0x77: {  	_ =	shalt  }
0x78: {  	_ =	shalt  }
0x79: {  	_ =	shalt  }
0x7a: {  	_ =	shalt  }
0x7b: {  	_ =	shalt  }
0x7c: {  	_ =	shalt  }
0x7d: {  	_ =	shalt  }
0x7e: {  	_ =	shalt  }
0x7f: {  	_ =	shalt  }
0x80: {  	_ =	shalt  }
0x81: {  	_ =	shalt  }
0x82: {  	_ =	shalt  }
0x83: {  	_ =	shalt  }
0x84: {  	_ =	shalt  }
0x85: {  	_ =	shalt  }
0x86: {  	_ =	shalt  }
0x87: {  	_ =	shalt  }
.Lfunc_end0:
.L_simem_size_0:
called_computation.2_lowered:
.L_overlay_start_0:
0x88: {  	s2 =	sld [smem:$0x3FD9]  }
0x89: {  	s3 =	sld [smem:$0x3FFE];
	_ =	sdelay $0x1  }
0x8a: {  	s1 =	srdreg.scid  }
0x8b: {  	s0 =	sand.u32 $0x1, s1  }
0x8c: {  	s16 =	sshll.u32 s0, $0xA;
	s2 =	sadd.s32 s3, s2  }
0x8d: {  	s2 =	sadd.s32 s2, s16  }
0x8e: {  	[smem:$0x3FBB] =	sst s2  }
0x8f: {  	_ = 	snop  }
0x90: {  	(tm) =	ssettm $0x1  }
0x91: {  	s17 =	sld [smem:$0x3FFB];
	_ =	sdelay $0x3  }
0x92: {  	_ =	strace s17  }
0x93: {  	s2 =	sld [smem:$0x3FFC];
	_ =	sdelay $0x3  }
0x94: {  	_ =	strace s2  }
0x95: {  	s2 =	sld [smem:$0x3FFD];
	_ =	sdelay $0x3  }
0x96: {  	_ =	strace s2  }
0x97: {  	_ =	strace $0x8FFFFFFF  }
0x98: {  	s18 =	sld [smem:$0x3FDB];
	_ =	sdelay $0x1  }
0x99: {  	s19 =	simm.s32 $_scs_section_size  }
0x9a: {  	s4 =	simm.s32 $_size__tile_overlayer_lowered;
	s5 =	simm.s32 $_tile_overlayer_lowered  }
0x9b: {  	s22 =	simm.s32 $0x1BFF;
	s21 =	sshll.u32 s5, $0x1;
	s2 =	sadd.s32 s19, s18  }
0x9c: {  	s6 =	simm.s32 $0x0;
	s20 =	sshll.u32 s4, $0x1;
	s4 =	sadd.s32 s21, s2  }
0x9d: {  	[timem:s6], [sflag:s22] =	dma.local [hbm:s4], s20  }
0x9e: {  	_ =	swait.ge [sflag:s22], s20  }
0x9f: {  	s3 =	ssub.s32 $0x0, s20;
	[sflag:s22] =	ssyncset.done $0x0  }
0xa0: {  	[sflag:s22] =	ssyncadd.s32 s3;
	_ =	sdelay $0x1  }
0xa1: {  	s23 =	simm.s32 $0x1B8B  }
0xa2: {  	_ =	swait.ge [sflag:s23], $0x1  }
0xa3: {  	[sflag:s23] =	ssyncset.done $0x0  }
0xa4: {  	s25 =	simm.s32 $0x1B8E;
	s24 =	sld [smem:$0x3FFE];
	[sflag:s23] =	ssyncadd.s32 $0xFFFFFFFF  }
0xa5: {  	s26 =	simm.s32 $execute0_lowered;
	[smem:$0x3FD2] =	sst s25  }
0xa6: {  	s4 =	sshll.u32 s26, $0x1;
	_ =	strace $0x80000052;
	[dreg:$0x1] =	wrdreg $0xFFFFFFFF  }
0xa7: {  	s28 =	simm.s32 $_size_execute0_lowered;
	s2 =	sadd.s32 s2, s4;
	[dreg:$0x0] =	wrdreg $0x0  }
0xa8: {  	s4 =	sshll.u32 s28, $0x1;
	[dreg:$0x2] =	wrdreg s2  }
0xa9: {  	[dreg:$0x3] =	wrdreg s4  }
0xaa: {  	[dreg:$0x4] =	wrdreg $0xC0  }
0xab: {  	_ =	task [dreg:s6], $0x5FFFF  }
0xac: {  	[dreg:$0x1] =	wrdreg $0xFFFFFFFF  }
0xad: {  	[dreg:$0x0] =	wrdreg $0x60  }
0xae: {  	[dreg:$0x2] =	wrdreg s24  }
0xaf: {  	[dreg:$0x3] =	wrdreg $0xA8000  }
0xb0: {  	[dreg:$0x4] =	wrdreg $0x9  }
0xb1: {  	_ =	task.clear_ibuf [dreg:s6], $0x5FFFF;
	_ =	strace $0x90000052  }
0xb2: {  	s29 =	simm.s32 $0x9;
	_ =	strace $0x80000057  }
0xb3: {  	_ =	swait.ge [sflag:s29], $0x1  }
0xb4: {  	[sflag:s29] =	ssyncadd.s32 $0xFFFFFFFF  }
0xb5: {  	_ =	strace $0x90000057  }
0xb6: {  	_ =	sfence  }
0xb7: {  	s30 =	sld [smem:$0x0];
	_ =	sdelay $0x2  }
0xb8: {  	s31 =	sshll.u32 s1, $0xD;
	s1 =	sshrl.u32 s1, $0x2  }
0xb9: {  	s3 =	sand.u32 $0x4000, s31;
	s1 =	sadd.s32 s1, s30  }
0xba: {  	s0 =	sor.u32 s3, s0;
	s1 =	sshll.u32 s1, $0x11  }
0xbb: {  	s0 =	sor.u32 s1, s0  }
0xbc: {  	s0 =	sadd.s32 $0x8F2B, s0  }
0xbd: {  	[sflag:s0] =	ssyncadd.remote.s32 $0x1  }
0xbe: {  	_ =	sfence.sel $0xFFFF  }
0xbf: {  	[dreg:$0x0] =	wrdreg $0xFFFFFFFF;
	(pc) =	sbr.abs _section_cstart, $3  }
0xc0: {  	[dreg:$0x1] =	wrdreg $0xFFFFFFFF  }
0xc1: {  	_ =	task.clear_ibuf [dreg:s6], $0x2FFFF;
	_ =	strace $0x9FFFFFFF  }
0xc2: {  	(tm) =	ssettm $0x7FFFFFFF  }
0xc3: {  	_ =	shalt  }
tec
execute0_lowered:
.L_overlay_start_1:
0x0: {  	(tag) =	ssettag $0x1  }
0x1: {  	s0 =	rddreg [dreg:$0x0]  }
0x2: {  	s1 =	rddreg [dreg:$0x1];
	s2 =	srdreg.scid;
	s11 =	simm.s32 $0x0  }
0x3: {  	s3 =	stileid.u32;
	s13 =	simm.s32 $0x9;
	s14 =	simm.s32 $0x1400  }
0x4: {  	s15 =	simm.s32 $0x40;
	s16 =	simm.s32 $0x2800;
	s17 =	simm.s32 $0x80  }
0x5: {  	s18 =	simm.s32 $0x4800;
	s19 =	simm.s32 $0x100;
	s20 =	simm.s32 $0x6800  }
0x6: {  	s28 =	simm.s32 $0x5;
	s29 =	simm.s32 $0x6;
	s30 =	simm.s32 $0x7  }
0x7: {  	s31 =	simm.s32 $0x8;
	s2 =	sand.u32 $0x1, s2;
	[smem:$0x7FF] =	sst s11  }
0x8: {  	s8 =	smul.u32 $0x14000, s3;
	s4 =	sadd.s32 $0x2B200, s0;
	s5 =	sadd.s32 $0x3200, s0  }
0x9: {  	s6 =	sadd.s32 $0x17200, s0;
	s21 =	sadd.s32 $0x53200, s0;
	s22 =	smul.u32 $0x50000, s3  }
0xa: {  	s9 =	sshll.u32 s3, $0x1;
	s26 =	sshll.u32 s3, $0x6;
	s7 =	smul.u32 $0x140000, s2  }
0xb: {  	_ =	strace $0x80000053;
	[dreg:$0x4] =	wrdreg s21;
	s23 =	ssub.s32 $0x2, s2  }
0xc: {  	s2 =	sor.u32 s2, s9;
	s21 =	simm.s32 $0x180;
	s9 =	simm.s32 $0x2780  }
0xd: {  	s10 =	sshrl.u32 s23, $0x1;
	s7 =	sadd.s32 s8, s7;
	s8 =	sshrl.u32 s22, $0x2  }
0xe: {  	s22 =	simm.s32 $0x8800;
	s7 =	sshrl.u32 s7, $0x3;
	s24 =	sadd.s32 s8, s1  }
0xf: {  	s8 =	smul.u32 $0x5000, s2;
	s2 =	simm.s32 $0x2680;
	s0 =	sadd.s32 s7, s0  }
0x10: {  	s7 =	ssub.s32 s23, s10;
	s10 =	sor.u32 $0x1C09, s26;
	s12 =	sshrl.u32 s24, $0x3  }
0x11: {  	s23 =	simm.s32 $0x1;
	s24 =	simm.s32 $0x2;
	[dreg:$0x7] =	wrdreg s10  }
0x12: {  	s26 =	simm.s32 $0x4;
	s0 =	sadd.s32 $0x55A00, s0;
	[dreg:$0x8] =	wrdreg s12  }
0x13: {  	s25 =	smax.u32 s7, $0x1;
	s7 =	simm.s32 $0x2700;
	[dreg:$0x5] =	wrdreg s0  }
0x14: {  	[dreg:$0x6] =	wrdreg s25;
	s25 =	simm.s32 $0x3;
	s0 =	simm.s32 $0x2600  }
.LBB2_1:
0x15: {  	[dreg:$0x3] =	wrdreg s11  }
0x16: {  	_ =	strace $0x80000054  }
0x17: {  	s3 =	rddreg [dreg:$0x4]  }
0x18: {  	[spmem:s12], [sflag:s10] =	dma.local [hbm:s3], $0x2800  }
0x19: {  	_ =	swait.ge [sflag:s13], $0x2800  }
0x1a: {  	[sflag:s13] =	ssyncset.done $0x0  }
0x1b: {  	[sflag:s13] =	ssyncadd.s32 $0xFFFFD800  }
0x1c: {  	[bflag:$0x0] =	sbarrier.arrive $0xFFFF  }
0x1d: {  	_ =	strace $0x90000054  }
0x1e: {  	s10 =	simm.s32 $0x0;
	_ =	strace $0x80000055  }
.LBB2_2:
0x1f: {  	s11 =	smul.u32 $0x1400, s10;
	_ =	sdelay $0x1  }
0x20: {  	s11 =	sadd.s32 s8, s11  }
0x21: {  	s11 =	sshrl.u32 s11, $0x3  }
0x22: {  	s3 =	simm.s32 $0x0;
	s12 =	sadd.s32 s5, s11  }
0x23: {  	[tilespmem:s3], [sflag:$0x9] =	stream.linear.gather [hbm4b:s12+s3], $0x1400, $0x200038;
	[tilespmem:$0x1E800] =	vst v63  }
0x24: {  	_ =	swait.ge [sflag:s13], $0x1400  }
0x25: {  	[sflag:s13] =	ssyncset.done $0x0  }
0x26: {  	s11 =	sadd.s32 s6, s11;
	[sflag:s13] =	ssyncadd.s32 $0xFFFFEC00  }
0x27: {  	[tilespmem:s14], [sflag:$0x9] =	stream.linear.gather [hbm4b:s11+s3], $0x1400, $0x200038;
	[tilespmem:$0x1E800] =	vst v63  }
0x28: {  	_ =	swait.ge [sflag:s13], $0x1400  }
0x29: {  	[sflag:s13] =	ssyncset.done $0x0  }
0x2a: {  	[sflag:s13] =	ssyncadd.s32 $0xFFFFEC00  }
0x2b: {  	[tilespmem:s16], [sflag:$0x1] =	stream.indirect.gather [hbm4b:s4+s15], $0x80, s3, s15, $0x2000b8;
	[tilespmem:$0x1E800] =	vst v63  }
0x2c: {  	_ = 	snop  }
0x2d: {  	[tilespmem:s18], [sflag:$0x2] =	stream.indirect.gather [hbm4b:s4+s15], $0x80, s17, s15, $0x2000b8;
	[tilespmem:$0x1E800] =	vst v63  }
0x2e: {  	_ = 	snop  }
0x2f: {  	[tilespmem:s20], [sflag:$0x3] =	stream.indirect.gather [hbm4b:s4+s15], $0x80, s19, s15, $0x2000b8;
	[tilespmem:$0x1E800] =	vst v63  }
0x30: {  	_ = 	snop  }
0x31: {  	[tilespmem:s22], [sflag:$0x4] =	stream.indirect.gather [hbm4b:s4+s15], $0x80, s21, s15, $0x2000b8;
	[tilespmem:$0x1E800] =	vst v63  }
0x32: {  	_ =	swait.ge [sflag:s23], $0x2000  }
0x33: {  	[sflag:s23] =	ssyncset.done $0x0  }
0x34: {  	s12 =	simm.s32 $0x1400;
	[sflag:s23] =	ssyncadd.s32 $0xFFFFE000  }
0x35: {  	[spmem:s1] =	stream.indirect.scatter.add.f32 [tilespmem:s16], [sflag:$0x5], $0x80, s12, s15, $0x2000b8;
	[tilespmem:$0x1E800] =	vst v63  }
0x36: {  	_ =	swait.ge [sflag:s24], $0x2000  }
0x37: {  	[sflag:s24] =	ssyncset.done $0x0  }
0x38: {  	s11 =	simm.s32 $0x1480;
	[sflag:s24] =	ssyncadd.s32 $0xFFFFE000  }
0x39: {  	[spmem:s1] =	stream.indirect.scatter.add.f32 [tilespmem:s18], [sflag:$0x6], $0x80, s11, s15, $0x2000b8;
	[tilespmem:$0x1E800] =	vst v63  }
0x3a: {  	_ =	swait.ge [sflag:s25], $0x2000  }
0x3b: {  	[sflag:s25] =	ssyncset.done $0x0  }
0x3c: {  	s12 =	simm.s32 $0x1500;
	[sflag:s25] =	ssyncadd.s32 $0xFFFFE000  }
0x3d: {  	[spmem:s1] =	stream.indirect.scatter.add.f32 [tilespmem:s20], [sflag:$0x7], $0x80, s12, s15, $0x2000b8;
	[tilespmem:$0x1E800] =	vst v63  }
0x3e: {  	_ =	swait.ge [sflag:s26], $0x2000  }
0x3f: {  	[sflag:s26] =	ssyncset.done $0x0  }
0x40: {  	s11 =	simm.s32 $0x1580;
	[sflag:s26] =	ssyncadd.s32 $0xFFFFE000  }
0x41: {  	[spmem:s1] =	stream.indirect.scatter.add.f32 [tilespmem:s22], [sflag:$0x8], $0x80, s11, s15, $0x2000b8;
	[tilespmem:$0x1E800] =	vst v63  }
0x42: {  	_ =	swait.ge [sflag:s28], $0x2000  }
0x43: {  	[sflag:s28] =	ssyncset.done $0x0  }
0x44: {  	s12 =	simm.s32 $0x200;
	[sflag:s28] =	ssyncadd.s32 $0xFFFFE000  }
0x45: {  	[tilespmem:s16], [sflag:$0x1] =	stream.indirect.gather [hbm4b:s4+s15], $0x80, s12, s15, $0x2000b8;
	[tilespmem:$0x1E800] =	vst v63  }
0x46: {  	_ =	swait.ge [sflag:s29], $0x2000  }
0x47: {  	[sflag:s29] =	ssyncset.done $0x0  }
0x48: {  	s11 =	simm.s32 $0x280;
	[sflag:s29] =	ssyncadd.s32 $0xFFFFE000  }
0x49: {  	[tilespmem:s18], [sflag:$0x2] =	stream.indirect.gather [hbm4b:s4+s15], $0x80, s11, s15, $0x2000b8;
	[tilespmem:$0x1E800] =	vst v63  }
0x4a: {  	_ =	swait.ge [sflag:s30], $0x2000  }
0x4b: {  	[sflag:s30] =	ssyncset.done $0x0  }
0x4c: {  	s12 =	simm.s32 $0x300;
	[sflag:s30] =	ssyncadd.s32 $0xFFFFE000  }
0x4d: {  	[tilespmem:s20], [sflag:$0x3] =	stream.indirect.gather [hbm4b:s4+s15], $0x80, s12, s15, $0x2000b8;
	[tilespmem:$0x1E800] =	vst v63  }
0x4e: {  	_ =	swait.ge [sflag:s31], $0x2000  }
0x4f: {  	[sflag:s31] =	ssyncset.done $0x0  }
0x50: {  	s11 =	simm.s32 $0x800;
	s12 =	simm.s32 $0x380;
	[sflag:s31] =	ssyncadd.s32 $0xFFFFE000  }
.LBB2_3:
0x51: {  	[tilespmem:s22], [sflag:$0x4] =	stream.indirect.gather [hbm4b:s4+s15], $0x80, s12, s15, $0x2000b8;
	[tilespmem:$0x1E800] =	vst v63  }
0x52: {  	s3 =	smov.u32 s11  }
0x53: {  	p0 =	sne.s32 s11, $0x4000;
	s11 =	sadd.s32 $0x800, s11;
	_ =	swait.ge [sflag:s23], $0x2000  }
0x54: {  	s12 =	sshra.s32 s3, $0x2;
	[sflag:s23] =	ssyncset.done $0x0  }
0x55: {  	s3 =	sadd.s32 $0x1400, s12;
	[sflag:s23] =	ssyncadd.s32 $0xFFFFE000  }
0x56: {  	[spmem:s1] =	stream.indirect.scatter.add.f32 [tilespmem:s16], [sflag:$0x5], $0x80, s3, s15, $0x2000b8;
	[tilespmem:$0x1E800] =	vst v63  }
0x57: {  	_ =	swait.ge [sflag:s24], $0x2000  }
0x58: {  	[sflag:s24] =	ssyncset.done $0x0  }
0x59: {  	s3 =	sadd.s32 $0x1480, s12;
	[sflag:s24] =	ssyncadd.s32 $0xFFFFE000  }
0x5a: {  	[spmem:s1] =	stream.indirect.scatter.add.f32 [tilespmem:s18], [sflag:$0x6], $0x80, s3, s15, $0x2000b8;
	[tilespmem:$0x1E800] =	vst v63  }
0x5b: {  	_ =	swait.ge [sflag:s25], $0x2000  }
0x5c: {  	[sflag:s25] =	ssyncset.done $0x0  }
0x5d: {  	s3 =	sadd.s32 $0x1500, s12;
	[sflag:s25] =	ssyncadd.s32 $0xFFFFE000  }
0x5e: {  	[spmem:s1] =	stream.indirect.scatter.add.f32 [tilespmem:s20], [sflag:$0x7], $0x80, s3, s15, $0x2000b8;
	[tilespmem:$0x1E800] =	vst v63  }
0x5f: {  	_ =	swait.ge [sflag:s26], $0x2000  }
0x60: {  	[sflag:s26] =	ssyncset.done $0x0  }
0x61: {  	s3 =	sadd.s32 $0x1580, s12;
	[sflag:s26] =	ssyncadd.s32 $0xFFFFE000  }
0x62: {  	[spmem:s1] =	stream.indirect.scatter.add.f32 [tilespmem:s22], [sflag:$0x8], $0x80, s3, s15, $0x2000b8;
	[tilespmem:$0x1E800] =	vst v63  }
0x63: {  	_ =	swait.ge [sflag:s28], $0x2000  }
0x64: {  	[sflag:s28] =	ssyncset.done $0x0  }
0x65: {  	s3 =	sadd.s32 $0x200, s12;
	[sflag:s28] =	ssyncadd.s32 $0xFFFFE000  }
0x66: {  	[tilespmem:s16], [sflag:$0x1] =	stream.indirect.gather [hbm4b:s4+s15], $0x80, s3, s15, $0x2000b8;
	[tilespmem:$0x1E800] =	vst v63  }
0x67: {  	_ =	swait.ge [sflag:s29], $0x2000  }
0x68: {  	[sflag:s29] =	ssyncset.done $0x0  }
0x69: {  	s3 =	sadd.s32 $0x280, s12;
	[sflag:s29] =	ssyncadd.s32 $0xFFFFE000  }
0x6a: {  	[tilespmem:s18], [sflag:$0x2] =	stream.indirect.gather [hbm4b:s4+s15], $0x80, s3, s15, $0x2000b8;
	[tilespmem:$0x1E800] =	vst v63  }
0x6b: {  	_ =	swait.ge [sflag:s30], $0x2000  }
0x6c: {  	[sflag:s30] =	ssyncset.done $0x0  }
.Ltmp0:
0x6d: {  	s3 =	sadd.s32 $0x300, s12;
	[sflag:s30] =	ssyncadd.s32 $0xFFFFE000;
	(pc) =	sbr.rel @p0 .LBB2_3-.Ltmp0, $4  }
0x6e: {  	[tilespmem:s20], [sflag:$0x3] =	stream.indirect.gather [hbm4b:s4+s15], $0x80, s3, s15, $0x2000b8;
	[tilespmem:$0x1E800] =	vst v63  }
0x6f: {  	_ =	swait.ge [sflag:s31], $0x2000  }
0x70: {  	[sflag:s31] =	ssyncset.done $0x0  }
0x71: {  	s12 =	sadd.s32 $0x380, s12;
	[sflag:s31] =	ssyncadd.s32 $0xFFFFE000  }
0x72: {  	[tilespmem:s22], [sflag:$0x4] =	stream.indirect.gather [hbm4b:s4+s15], $0x80, s12, s15, $0x2000b8;
	[tilespmem:$0x1E800] =	vst v63  }
0x73: {  	_ =	swait.ge [sflag:s23], $0x2000  }
0x74: {  	[sflag:s23] =	ssyncset.done $0x0  }
0x75: {  	[sflag:s23] =	ssyncadd.s32 $0xFFFFE000  }
0x76: {  	[spmem:s1] =	stream.indirect.scatter.add.f32 [tilespmem:s16], [sflag:$0x5], $0x80, s0, s15, $0x2000b8;
	[tilespmem:$0x1E800] =	vst v63  }
0x77: {  	_ =	swait.ge [sflag:s24], $0x2000  }
0x78: {  	[sflag:s24] =	ssyncset.done $0x0  }
0x79: {  	[sflag:s24] =	ssyncadd.s32 $0xFFFFE000  }
0x7a: {  	[spmem:s1] =	stream.indirect.scatter.add.f32 [tilespmem:s18], [sflag:$0x6], $0x80, s2, s15, $0x2000b8;
	[tilespmem:$0x1E800] =	vst v63  }
0x7b: {  	_ =	swait.ge [sflag:s25], $0x2000  }
0x7c: {  	[sflag:s25] =	ssyncset.done $0x0  }
0x7d: {  	[sflag:s25] =	ssyncadd.s32 $0xFFFFE000  }
0x7e: {  	[spmem:s1] =	stream.indirect.scatter.add.f32 [tilespmem:s20], [sflag:$0x7], $0x80, s7, s15, $0x2000b8;
	[tilespmem:$0x1E800] =	vst v63  }
0x7f: {  	_ =	swait.ge [sflag:s26], $0x2000  }
0x80: {  	[sflag:s26] =	ssyncset.done $0x0  }
0x81: {  	[sflag:s26] =	ssyncadd.s32 $0xFFFFE000  }
0x82: {  	[spmem:s1] =	stream.indirect.scatter.add.f32 [tilespmem:s22], [sflag:$0x8], $0x80, s9, s15, $0x2000b8;
	[tilespmem:$0x1E800] =	vst v63  }
0x83: {  	_ =	swait.ge [sflag:s28], $0x2000  }
0x84: {  	[sflag:s28] =	ssyncset.done $0x0  }
0x85: {  	[sflag:s28] =	ssyncadd.s32 $0xFFFFE000  }
0x86: {  	_ =	swait.ge [sflag:s29], $0x2000  }
0x87: {  	[sflag:s29] =	ssyncset.done $0x0  }
0x88: {  	s10 =	sadd.s32 $0x1, s10;
	[sflag:s29] =	ssyncadd.s32 $0xFFFFE000  }
0x89: {  	p0 =	sne.s32 s10, $0x4;
	_ =	swait.ge [sflag:s30], $0x2000  }
.Ltmp1:
0x8a: {  	[sflag:s30] =	ssyncset.done $0x0;
	(pc) =	sbr.rel @p0 .LBB2_2-.Ltmp1, $4  }
0x8b: {  	[sflag:s30] =	ssyncadd.s32 $0xFFFFE000  }
0x8c: {  	_ =	swait.ge [sflag:s31], $0x2000  }
0x8d: {  	[sflag:s31] =	ssyncset.done $0x0  }
0x8e: {  	[sflag:s31] =	ssyncadd.s32 $0xFFFFE000  }
0x8f: {  	_ =	strace $0x90000055  }
0x90: {  	_ =	strace $0x80000056  }
0x91: {  	[bflag:$0x0] =	sbarrier.arrive $0xFFFF  }
0x92: {  	s3 =	rddreg [dreg:$0x5]  }
0x93: {  	s10 =	rddreg [dreg:$0x7]  }
0x94: {  	s12 =	rddreg [dreg:$0x8]  }
0x95: {  	[hbm:s3], [sflag:s10] =	dma.local [spmem:s12], $0x2800  }
0x96: {  	_ =	swait.ge [sflag:s13], $0x2800  }
0x97: {  	s11 =	rddreg [dreg:$0x3]  }
0x98: {  	s3 =	rddreg [dreg:$0x6];
	s11 =	sadd.s32 $0x1, s11  }
0x99: {  	p0 =	sne.s32 s11, s3  }
.Ltmp2:
0x9a: {  	_ = 	snop;
	(pc) =	sbr.rel @p0 .LBB2_1-.Ltmp2, $4  }
0x9b: {  	_ = 	snop  }
0x9c: {  	[sflag:s13] =	ssyncset.done $0x0  }
0x9d: {  	[sflag:s13] =	ssyncadd.s32 $0xFFFFD800  }
0x9e: {  	_ =	strace $0x90000056  }
0x9f: {  	_ =	sfence.sel $0x180000  }
0xa0: {  	[bflag:$0x0] =	sbarrier.arrive $0xFFFF  }
0xa1: {  	_ =	strace $0x90000053  }
0xa2: {  	s0 =	stileid.u32;
	[bflag:$0x2] =	sbarrier.arrive $0xFFFF  }
0xa3: {  	p0 =	sne.s32 s0, $0x0;
	s0 =	rddreg [dreg:$0x2]  }
0xa4: {  	s0 =	sadd.s32 @!p0 $0x100000, s0  }
0xa5: {  	[sflag:s0] =	ssyncadd.tile.s32 @!p0 $0x1;
	_ =	shalt  }
.Lfunc_end2:
_tile_overlayer_lowered:
.L_overlay_start_2:
0xa6: {  	(tag) =	ssettag $0x2  }
0xa7: {  	s0 =	rddreg [dreg:$0x0];
	s2 =	stileid.u32  }
0xa8: {  	s1 =	rddreg [dreg:$0x1];
	p0 =	sne.s32 s2, $0x0  }
0xa9: {  	s3 =	rddreg [dreg:$0x2];
	[bflag:$0x3] =	sbarrier.arrive $0xFFFF;
	s2 =	simm.s32 @!p0 $0x1C09  }
0xaa: {  	[timem:s3], [sflag:s2] =	dma.local @!p0 [hbm:s0], s1  }
0xab: {  	s0 =	simm.s32 @!p0 $0x9  }
0xac: {  	_ =	swait.ge @!p0 [sflag:s0], s1  }
0xad: {  	s1 =	ssub.s32 @!p0 $0x0, s1;
	[sflag:s0] =	ssyncset.done @!p0 $0x0  }
0xae: {  	[sflag:s0] =	ssyncadd.s32 @!p0 s1  }
0xaf: {  	[bflag:$0x3] =	sbarrier.arrive $0xFFFF  }
0xb0: {  	_ =	shalt  }

</sc_bundles>
